<compile_context>
chip_gen: v7x
topology: tpu7x:2x2x1
jax: 0.10.2.dev20260603
libtpu: 0.0.44.dev20260713+nightly
codegen_flags: <defaults>
</compile_context>

<pallas_src>
import functools

import jax
import jax.numpy as jnp
from jax import lax
from jax.experimental import pallas as pl
from jax.experimental.pallas import tpu as pltpu
from jax.experimental.pallas import tpu_sc as plsc

HID = 4096
NE = 64
TOPK = 8
NTOK = 8192
BLK = 512
NC, NS, L = 2, 16, 16
NW = NC * NS
TPW = NTOK // NW

_SORT8 = [(0, 1), (2, 3), (4, 5), (6, 7),
          (0, 2), (1, 3), (4, 6), (5, 7),
          (1, 2), (5, 6),
          (0, 4), (1, 5), (2, 6), (3, 7),
          (2, 4), (3, 5),
          (1, 2), (3, 4), (5, 6)]
_BITONIC8 = [(0, 4), (1, 5), (2, 6), (3, 7),
             (0, 2), (1, 3), (4, 6), (5, 7),
             (0, 1), (2, 3), (4, 5), (6, 7)]


def _matmul_kernel(x_ref, w_ref, out_ref):
    logits = lax.dot_general(
        w_ref[...], x_ref[...], (((1,), (1,)), ((), ())),
        preferred_element_type=jnp.float32)
    for c in range(BLK // TPW):
        out_ref[c] = logits[:, c * TPW:(c + 1) * TPW]


def _ce(v, ix, i, j):
    c = v[i] >= v[j]
    hi = jnp.maximum(v[i], v[j])
    lo = jnp.minimum(v[i], v[j])
    ihi = jnp.where(c, ix[i], ix[j])
    ilo = jnp.where(c, ix[j], ix[i])
    v[i], v[j] = hi, lo
    ix[i], ix[j] = ihi, ilo


def _merge_top8(av, ai, bv, bi):
    cv, ci = [], []
    for i in range(TOPK):
        c = av[i] >= bv[TOPK - 1 - i]
        cv.append(jnp.maximum(av[i], bv[TOPK - 1 - i]))
        ci.append(jnp.where(c, ai[i], bi[TOPK - 1 - i]))
    for (i, j) in _BITONIC8:
        _ce(cv, ci, i, j)
    return cv, ci


_sc_mesh = plsc.VectorSubcoreMesh(core_axis_name="c", subcore_axis_name="s")


@functools.partial(
    pl.kernel,
    mesh=_sc_mesh,
    out_type=[
        jax.ShapeDtypeStruct((NW, TOPK, TPW), jnp.float32),
        jax.ShapeDtypeStruct((NW, TOPK, TPW), jnp.int32),
    ],
    scratch_types=[
        pltpu.VMEM((NE, TPW), jnp.float32),
        pltpu.VMEM((TOPK, TPW), jnp.float32),
        pltpu.VMEM((TOPK, TPW), jnp.int32),
    ],
)
def _topk_kernel(lg_hbm, wout_hbm, iout_hbm, lg_v, wv, iv):
    wid = lax.axis_index("s") * NC + lax.axis_index("c")
    pltpu.sync_copy(lg_hbm.at[wid], lg_v)

    def group(g, carry):
        off = g * L
        chunks = []
        for c in range(NE // TOPK):
            v = [lg_v[c * TOPK + e, pl.ds(off, L)] for e in range(TOPK)]
            ix = [jnp.full((L,), c * TOPK + e, jnp.int32)
                  for e in range(TOPK)]
            for (i, j) in _SORT8:
                _ce(v, ix, i, j)
            chunks.append((v, ix))
        while len(chunks) > 1:
            nxt = []
            for k in range(0, len(chunks), 2):
                (av, ai), (bv, bi) = chunks[k], chunks[k + 1]
                nxt.append(_merge_top8(av, ai, bv, bi))
            chunks = nxt
        vals, idxs = chunks[0]
        es = [jnp.exp(v - vals[0]) for v in vals]
        s = es[0]
        for j in range(1, TOPK):
            s = s + es[j]
        for j in range(TOPK):
            wv[j, pl.ds(off, L)] = es[j] / s
            iv[j, pl.ds(off, L)] = idxs[j]
        return carry

    lax.fori_loop(0, TPW // L, group, 0)
    pltpu.sync_copy(wv, wout_hbm.at[wid])
    pltpu.sync_copy(iv, iout_hbm.at[wid])


@jax.jit
def kernel(hidden_states, weight):
    b, s, h = hidden_states.shape
    n = b * s
    x = hidden_states.reshape(n, h).astype(jnp.float32)
    lg = pl.pallas_call(
        _matmul_kernel,
        grid=(n // BLK,),
        in_specs=[
            pl.BlockSpec((BLK, HID), lambda t: (t, 0)),
            pl.BlockSpec((NE, HID), lambda t: (0, 0)),
        ],
        out_specs=pl.BlockSpec((BLK // TPW, NE, TPW), lambda t: (t, 0, 0)),
        out_shape=jax.ShapeDtypeStruct((n // TPW, NE, TPW), jnp.float32),
        compiler_params=pltpu.CompilerParams(
            dimension_semantics=("arbitrary",)),
    )(x, weight.astype(jnp.float32))
    wt, it = _topk_kernel(lg)
    wout = wt.transpose(0, 2, 1).reshape(n, TOPK)
    iout = it.transpose(0, 2, 1).reshape(n, TOPK)
    return wout, iout

# --- scband reference (transcript-rebuilt; emitter-appended) ---
"""Pipeline reference for scband-mo-egate-31181462569067 (READ-ONLY COPY).

The authoritative reference and input builder live on the scoring server;
editing this copy changes nothing except your own understanding.
"""

import jax, jax.numpy as jnp
import numpy as np

HIDDEN = 4096
N_EXPERTS = 64
TOP_K = 8

def setup_inputs(seed: int = 0) -> dict:
    key = jax.random.key(seed)
    k1, k2 = jax.random.split(key)
    hidden_states = jax.random.normal(k1, (2, 4096, HIDDEN), dtype=jnp.float32)
    weight = jax.random.normal(k2, (N_EXPERTS, HIDDEN), dtype=jnp.float32) * 0.02
    return {"hidden_states": hidden_states, "weight": weight}

def reference(hidden_states, weight):
    b, s, h = hidden_states.shape
    x = hidden_states.reshape(-1, h).astype(jnp.float32)
    # logits = F.linear(x, weight) -> x @ weight.T
    logits = jnp.dot(x, weight.astype(jnp.float32).T)
    # greedy router: softmax over experts, take top-k, renormalize
    scores = jax.nn.softmax(logits, axis=-1)
    topk_weight, topk_idx = jax.lax.top_k(scores, TOP_K)
    denom = jnp.sum(topk_weight, axis=-1, keepdims=True) + 1e-20
    topk_weight = topk_weight / denom
    return topk_weight, topk_idx

if __name__ == "__main__":
    import jax
    _d = setup_inputs()
    print(jax.jit(kernel)(*tuple(_d.values())))

</pallas_src>

<mosaic_0001>
#map = affine_map<(d0, d1) -> (0, 0, 0)>
module attributes {stable_mosaic.version = 14 : i64} {
  func.func @_topk_kernel(%arg0: i32, %arg1: i32, %arg2: memref<32x64x256xf32, #tpu.memory_space<hbm>>, %arg3: memref<32x8x256xf32, #tpu.memory_space<hbm>>, %arg4: memref<32x8x256xi32, #tpu.memory_space<hbm>>, %arg5: memref<64x256xf32, #tpu.memory_space<vmem>>, %arg6: memref<8x256xf32, #tpu.memory_space<vmem>>, %arg7: memref<8x256xi32, #tpu.memory_space<vmem>>) attributes {dimension_semantics = [#tpu.dimension_semantics<core_parallel>, #tpu.dimension_semantics<subcore_parallel>], iteration_bounds = array<i64: 2, 16>, scalar_prefetch = 0 : i64, scratch_operands = 3 : i64, tpu.core_type = #tpu.core_type<sc_vector_subcore>, window_params = [{transform_indices = #map}, {transform_indices = #map}, {transform_indices = #map}]} {
    %mul3A = arith.constant 2 : i32
    %mul3A_0 = arith.muli %arg1, %mul3A : i32
    %add3A = arith.addi %mul3A_0, %arg0 : i32
    "tpu.region"() ({
      %run_scoped3A = tpu.sem_alloc : memref<!tpu.dma_semaphore, #tpu.memory_space<semaphore_mem>>
      %dma_start3A = arith.constant 0 : i32
      %dma_start3A_6 = arith.constant 0 : i32
      %dma_start3A_7 = tpu.memref_slice %arg2[%add3A, %dma_start3A, %dma_start3A_6] : memref<32x64x256xf32, #tpu.memory_space<hbm>> -> memref<1x64x256xf32, #tpu.memory_space<hbm>>
      %dma_start3A_8 = tpu.memref_squeeze %dma_start3A_7 : memref<1x64x256xf32, #tpu.memory_space<hbm>> -> memref<64x256xf32, #tpu.memory_space<hbm>>
      %dma_start3A_9 = arith.constant 0 : i32
      %dma_start3A_10 = arith.constant 0 : i32
      %dma_start3A_11 = tpu.memref_slice %arg2[%add3A, %dma_start3A_9, %dma_start3A_10] : memref<32x64x256xf32, #tpu.memory_space<hbm>> -> memref<1x64x256xf32, #tpu.memory_space<hbm>>
      %dma_start3A_12 = tpu.memref_squeeze %dma_start3A_11 : memref<1x64x256xf32, #tpu.memory_space<hbm>> -> memref<64x256xf32, #tpu.memory_space<hbm>>
      tpu.enqueue_dma source(%dma_start3A_12 : memref<64x256xf32, #tpu.memory_space<hbm>>) target(%arg5 : memref<64x256xf32, #tpu.memory_space<vmem>>) target_semaphore(%run_scoped3A : memref<!tpu.dma_semaphore, #tpu.memory_space<semaphore_mem>>)
      %dma_wait3A = arith.constant 0 : i32
      %dma_wait3A_13 = arith.constant 0 : i32
      %dma_wait3A_14 = tpu.memref_slice %arg2[%add3A, %dma_wait3A, %dma_wait3A_13] : memref<32x64x256xf32, #tpu.memory_space<hbm>> -> memref<1x64x256xf32, #tpu.memory_space<hbm>>
      %dma_wait3A_15 = tpu.memref_squeeze %dma_wait3A_14 : memref<1x64x256xf32, #tpu.memory_space<hbm>> -> memref<64x256xf32, #tpu.memory_space<hbm>>
      %dma_wait3A_16 = arith.constant 0 : i32
      %dma_wait3A_17 = arith.constant 0 : i32
      %dma_wait3A_18 = tpu.memref_slice %arg2[%add3A, %dma_wait3A_16, %dma_wait3A_17] : memref<32x64x256xf32, #tpu.memory_space<hbm>> -> memref<1x64x256xf32, #tpu.memory_space<hbm>>
      %dma_wait3A_19 = tpu.memref_squeeze %dma_wait3A_18 : memref<1x64x256xf32, #tpu.memory_space<hbm>> -> memref<64x256xf32, #tpu.memory_space<hbm>>
      tpu.wait_dma2 semaphore(%run_scoped3A : memref<!tpu.dma_semaphore, #tpu.memory_space<semaphore_mem>>) src(%dma_wait3A_19 : memref<64x256xf32, #tpu.memory_space<hbm>>) dst(%arg5 : memref<64x256xf32, #tpu.memory_space<vmem>>)
      tpu.yield
    }) : () -> ()
    %scan3A = arith.constant 0 : i32
    %scan3A_1 = arith.constant 0 : i32
    %scan3A_2 = arith.constant 16 : i32
    %scan3A_3 = arith.addi %scan3A_1, %scan3A_2 : i32
    %scan3A_4 = arith.constant 1 : i32
    scf.for %scan3A_6 = %scan3A_1 to %scan3A_3 step %scan3A_4  : i32 {
      %mul3A_7 = arith.constant 16 : i32
      %mul3A_8 = arith.muli %scan3A_6, %mul3A_7 : i32
      %get3A = arith.constant 0 : i32
      %get3A_9 = arith.index_cast %get3A : i32 to index
      %get3A_10 = arith.index_cast %mul3A_8 : i32 to index
      %get3A_11 = tpu.vector_load %arg5[%get3A_9, %get3A_10] {strides = array<i32>} : memref<64x256xf32, #tpu.memory_space<vmem>>, vector<1x16xf32>,
      %get3A_12 = vector.shape_cast %get3A_11 : vector<1x16xf32> to vector<16xf32>
      %get3A_13 = arith.constant 1 : i32
      %get3A_14 = arith.index_cast %get3A_13 : i32 to index
      %get3A_15 = arith.index_cast %mul3A_8 : i32 to index
      %get3A_16 = tpu.vector_load %arg5[%get3A_14, %get3A_15] {strides = array<i32>} : memref<64x256xf32, #tpu.memory_space<vmem>>, vector<1x16xf32>,
      %get3A_17 = vector.shape_cast %get3A_16 : vector<1x16xf32> to vector<16xf32>
      %get3A_18 = arith.constant 2 : i32
      %get3A_19 = arith.index_cast %get3A_18 : i32 to index
      %get3A_20 = arith.index_cast %mul3A_8 : i32 to index
      %get3A_21 = tpu.vector_load %arg5[%get3A_19, %get3A_20] {strides = array<i32>} : memref<64x256xf32, #tpu.memory_space<vmem>>, vector<1x16xf32>,
      %get3A_22 = vector.shape_cast %get3A_21 : vector<1x16xf32> to vector<16xf32>
      %get3A_23 = arith.constant 3 : i32
      %get3A_24 = arith.index_cast %get3A_23 : i32 to index
      %get3A_25 = arith.index_cast %mul3A_8 : i32 to index
      %get3A_26 = tpu.vector_load %arg5[%get3A_24, %get3A_25] {strides = array<i32>} : memref<64x256xf32, #tpu.memory_space<vmem>>, vector<1x16xf32>,
      %get3A_27 = vector.shape_cast %get3A_26 : vector<1x16xf32> to vector<16xf32>
      %get3A_28 = arith.constant 4 : i32
      %get3A_29 = arith.index_cast %get3A_28 : i32 to index
      %get3A_30 = arith.index_cast %mul3A_8 : i32 to index
      %get3A_31 = tpu.vector_load %arg5[%get3A_29, %get3A_30] {strides = array<i32>} : memref<64x256xf32, #tpu.memory_space<vmem>>, vector<1x16xf32>,
      %get3A_32 = vector.shape_cast %get3A_31 : vector<1x16xf32> to vector<16xf32>
      %get3A_33 = arith.constant 5 : i32
      %get3A_34 = arith.index_cast %get3A_33 : i32 to index
      %get3A_35 = arith.index_cast %mul3A_8 : i32 to index
      %get3A_36 = tpu.vector_load %arg5[%get3A_34, %get3A_35] {strides = array<i32>} : memref<64x256xf32, #tpu.memory_space<vmem>>, vector<1x16xf32>,
      %get3A_37 = vector.shape_cast %get3A_36 : vector<1x16xf32> to vector<16xf32>
      %get3A_38 = arith.constant 6 : i32
      %get3A_39 = arith.index_cast %get3A_38 : i32 to index
      %get3A_40 = arith.index_cast %mul3A_8 : i32 to index
      %get3A_41 = tpu.vector_load %arg5[%get3A_39, %get3A_40] {strides = array<i32>} : memref<64x256xf32, #tpu.memory_space<vmem>>, vector<1x16xf32>,
      %get3A_42 = vector.shape_cast %get3A_41 : vector<1x16xf32> to vector<16xf32>
      %get3A_43 = arith.constant 7 : i32
      %get3A_44 = arith.index_cast %get3A_43 : i32 to index
      %get3A_45 = arith.index_cast %mul3A_8 : i32 to index
      %get3A_46 = tpu.vector_load %arg5[%get3A_44, %get3A_45] {strides = array<i32>} : memref<64x256xf32, #tpu.memory_space<vmem>>, vector<1x16xf32>,
      %get3A_47 = vector.shape_cast %get3A_46 : vector<1x16xf32> to vector<16xf32>
      %broadcast_in_dim3A = arith.constant 0 : i32
      %broadcast_in_dim3A_48 = vector.broadcast %broadcast_in_dim3A : i32 to vector<16xi32>
      %broadcast_in_dim3A_49 = arith.constant 1 : i32
      %broadcast_in_dim3A_50 = vector.broadcast %broadcast_in_dim3A_49 : i32 to vector<16xi32>
      %broadcast_in_dim3A_51 = arith.constant 2 : i32
      %broadcast_in_dim3A_52 = vector.broadcast %broadcast_in_dim3A_51 : i32 to vector<16xi32>
      %broadcast_in_dim3A_53 = arith.constant 3 : i32
      %broadcast_in_dim3A_54 = vector.broadcast %broadcast_in_dim3A_53 : i32 to vector<16xi32>
      %broadcast_in_dim3A_55 = arith.constant 4 : i32
      %broadcast_in_dim3A_56 = vector.broadcast %broadcast_in_dim3A_55 : i32 to vector<16xi32>
      %broadcast_in_dim3A_57 = arith.constant 5 : i32
      %broadcast_in_dim3A_58 = vector.broadcast %broadcast_in_dim3A_57 : i32 to vector<16xi32>
      %broadcast_in_dim3A_59 = arith.constant 6 : i32
      %broadcast_in_dim3A_60 = vector.broadcast %broadcast_in_dim3A_59 : i32 to vector<16xi32>
      %broadcast_in_dim3A_61 = arith.constant 7 : i32
      %broadcast_in_dim3A_62 = vector.broadcast %broadcast_in_dim3A_61 : i32 to vector<16xi32>
      %ge3A = arith.cmpf oge, %get3A_12, %get3A_17 : vector<16xf32>
      %max3A = arith.maximumf %get3A_12, %get3A_17 : vector<16xf32>
      %min3A = arith.minimumf %get3A_12, %get3A_17 : vector<16xf32>
      %select_n3A = arith.select %ge3A, %broadcast_in_dim3A_48, %broadcast_in_dim3A_50 : vector<16xi1>, vector<16xi32>
      %select_n3A_63 = arith.select %ge3A, %broadcast_in_dim3A_50, %broadcast_in_dim3A_48 : vector<16xi1>, vector<16xi32>
      %ge3A_64 = arith.cmpf oge, %get3A_22, %get3A_27 : vector<16xf32>
      %max3A_65 = arith.maximumf %get3A_22, %get3A_27 : vector<16xf32>
      %min3A_66 = arith.minimumf %get3A_22, %get3A_27 : vector<16xf32>
      %select_n3A_67 = arith.select %ge3A_64, %broadcast_in_dim3A_52, %broadcast_in_dim3A_54 : vector<16xi1>, vector<16xi32>
      %select_n3A_68 = arith.select %ge3A_64, %broadcast_in_dim3A_54, %broadcast_in_dim3A_52 : vector<16xi1>, vector<16xi32>
      %ge3A_69 = arith.cmpf oge, %get3A_32, %get3A_37 : vector<16xf32>
      %max3A_70 = arith.maximumf %get3A_32, %get3A_37 : vector<16xf32>
      %min3A_71 = arith.minimumf %get3A_32, %get3A_37 : vector<16xf32>
      %select_n3A_72 = arith.select %ge3A_69, %broadcast_in_dim3A_56, %broadcast_in_dim3A_58 : vector<16xi1>, vector<16xi32>
      %select_n3A_73 = arith.select %ge3A_69, %broadcast_in_dim3A_58, %broadcast_in_dim3A_56 : vector<16xi1>, vector<16xi32>
      %ge3A_74 = arith.cmpf oge, %get3A_42, %get3A_47 : vector<16xf32>
      %max3A_75 = arith.maximumf %get3A_42, %get3A_47 : vector<16xf32>
      %min3A_76 = arith.minimumf %get3A_42, %get3A_47 : vector<16xf32>
      %select_n3A_77 = arith.select %ge3A_74, %broadcast_in_dim3A_60, %broadcast_in_dim3A_62 : vector<16xi1>, vector<16xi32>
      %select_n3A_78 = arith.select %ge3A_74, %broadcast_in_dim3A_62, %broadcast_in_dim3A_60 : vector<16xi1>, vector<16xi32>
      %ge3A_79 = arith.cmpf oge, %max3A, %max3A_65 : vector<16xf32>
      %max3A_80 = arith.maximumf %max3A, %max3A_65 : vector<16xf32>
      %min3A_81 = arith.minimumf %max3A, %max3A_65 : vector<16xf32>
      %select_n3A_82 = arith.select %ge3A_79, %select_n3A, %select_n3A_67 : vector<16xi1>, vector<16xi32>
      %select_n3A_83 = arith.select %ge3A_79, %select_n3A_67, %select_n3A : vector<16xi1>, vector<16xi32>
      %ge3A_84 = arith.cmpf oge, %min3A, %min3A_66 : vector<16xf32>
      %max3A_85 = arith.maximumf %min3A, %min3A_66 : vector<16xf32>
      %min3A_86 = arith.minimumf %min3A, %min3A_66 : vector<16xf32>
      %select_n3A_87 = arith.select %ge3A_84, %select_n3A_63, %select_n3A_68 : vector<16xi1>, vector<16xi32>
      %select_n3A_88 = arith.select %ge3A_84, %select_n3A_68, %select_n3A_63 : vector<16xi1>, vector<16xi32>
      %ge3A_89 = arith.cmpf oge, %max3A_70, %max3A_75 : vector<16xf32>
      %max3A_90 = arith.maximumf %max3A_70, %max3A_75 : vector<16xf32>
      %min3A_91 = arith.minimumf %max3A_70, %max3A_75 : vector<16xf32>
      %select_n3A_92 = arith.select %ge3A_89, %select_n3A_72, %select_n3A_77 : vector<16xi1>, vector<16xi32>
      %select_n3A_93 = arith.select %ge3A_89, %select_n3A_77, %select_n3A_72 : vector<16xi1>, vector<16xi32>
      %ge3A_94 = arith.cmpf oge, %min3A_71, %min3A_76 : vector<16xf32>
      %max3A_95 = arith.maximumf %min3A_71, %min3A_76 : vector<16xf32>
      %min3A_96 = arith.minimumf %min3A_71, %min3A_76 : vector<16xf32>
      %select_n3A_97 = arith.select %ge3A_94, %select_n3A_73, %select_n3A_78 : vector<16xi1>, vector<16xi32>
      %select_n3A_98 = arith.select %ge3A_94, %select_n3A_78, %select_n3A_73 : vector<16xi1>, vector<16xi32>
      %ge3A_99 = arith.cmpf oge, %max3A_85, %min3A_81 : vector<16xf32>
      %max3A_100 = arith.maximumf %max3A_85, %min3A_81 : vector<16xf32>
      %min3A_101 = arith.minimumf %max3A_85, %min3A_81 : vector<16xf32>
      %select_n3A_102 = arith.select %ge3A_99, %select_n3A_87, %select_n3A_83 : vector<16xi1>, vector<16xi32>
      %select_n3A_103 = arith.select %ge3A_99, %select_n3A_83, %select_n3A_87 : vector<16xi1>, vector<16xi32>
      %ge3A_104 = arith.cmpf oge, %max3A_95, %min3A_91 : vector<16xf32>
      %max3A_105 = arith.maximumf %max3A_95, %min3A_91 : vector<16xf32>
      %min3A_106 = arith.minimumf %max3A_95, %min3A_91 : vector<16xf32>
      %select_n3A_107 = arith.select %ge3A_104, %select_n3A_97, %select_n3A_93 : vector<16xi1>, vector<16xi32>
      %select_n3A_108 = arith.select %ge3A_104, %select_n3A_93, %select_n3A_97 : vector<16xi1>, vector<16xi32>
      %ge3A_109 = arith.cmpf oge, %max3A_80, %max3A_90 : vector<16xf32>
      %max3A_110 = arith.maximumf %max3A_80, %max3A_90 : vector<16xf32>
      %min3A_111 = arith.minimumf %max3A_80, %max3A_90 : vector<16xf32>
      %select_n3A_112 = arith.select %ge3A_109, %select_n3A_82, %select_n3A_92 : vector<16xi1>, vector<16xi32>
      %select_n3A_113 = arith.select %ge3A_109, %select_n3A_92, %select_n3A_82 : vector<16xi1>, vector<16xi32>
      %ge3A_114 = arith.cmpf oge, %max3A_100, %max3A_105 : vector<16xf32>
      %max3A_115 = arith.maximumf %max3A_100, %max3A_105 : vector<16xf32>
      %min3A_116 = arith.minimumf %max3A_100, %max3A_105 : vector<16xf32>
      %select_n3A_117 = arith.select %ge3A_114, %select_n3A_102, %select_n3A_107 : vector<16xi1>, vector<16xi32>
      %select_n3A_118 = arith.select %ge3A_114, %select_n3A_107, %select_n3A_102 : vector<16xi1>, vector<16xi32>
      %ge3A_119 = arith.cmpf oge, %min3A_101, %min3A_106 : vector<16xf32>
      %max3A_120 = arith.maximumf %min3A_101, %min3A_106 : vector<16xf32>
      %min3A_121 = arith.minimumf %min3A_101, %min3A_106 : vector<16xf32>
      %select_n3A_122 = arith.select %ge3A_119, %select_n3A_103, %select_n3A_108 : vector<16xi1>, vector<16xi32>
      %select_n3A_123 = arith.select %ge3A_119, %select_n3A_108, %select_n3A_103 : vector<16xi1>, vector<16xi32>
      %ge3A_124 = arith.cmpf oge, %min3A_86, %min3A_96 : vector<16xf32>
      %max3A_125 = arith.maximumf %min3A_86, %min3A_96 : vector<16xf32>
      %min3A_126 = arith.minimumf %min3A_86, %min3A_96 : vector<16xf32>
      %select_n3A_127 = arith.select %ge3A_124, %select_n3A_88, %select_n3A_98 : vector<16xi1>, vector<16xi32>
      %select_n3A_128 = arith.select %ge3A_124, %select_n3A_98, %select_n3A_88 : vector<16xi1>, vector<16xi32>
      %ge3A_129 = arith.cmpf oge, %max3A_120, %min3A_111 : vector<16xf32>
      %max3A_130 = arith.maximumf %max3A_120, %min3A_111 : vector<16xf32>
      %min3A_131 = arith.minimumf %max3A_120, %min3A_111 : vector<16xf32>
      %select_n3A_132 = arith.select %ge3A_129, %select_n3A_122, %select_n3A_113 : vector<16xi1>, vector<16xi32>
      %select_n3A_133 = arith.select %ge3A_129, %select_n3A_113, %select_n3A_122 : vector<16xi1>, vector<16xi32>
      %ge3A_134 = arith.cmpf oge, %max3A_125, %min3A_116 : vector<16xf32>
      %max3A_135 = arith.maximumf %max3A_125, %min3A_116 : vector<16xf32>
      %min3A_136 = arith.minimumf %max3A_125, %min3A_116 : vector<16xf32>
      %select_n3A_137 = arith.select %ge3A_134, %select_n3A_127, %select_n3A_118 : vector<16xi1>, vector<16xi32>
      %select_n3A_138 = arith.select %ge3A_134, %select_n3A_118, %select_n3A_127 : vector<16xi1>, vector<16xi32>
      %ge3A_139 = arith.cmpf oge, %max3A_115, %max3A_130 : vector<16xf32>
      %max3A_140 = arith.maximumf %max3A_115, %max3A_130 : vector<16xf32>
      %min3A_141 = arith.minimumf %max3A_115, %max3A_130 : vector<16xf32>
      %select_n3A_142 = arith.select %ge3A_139, %select_n3A_117, %select_n3A_132 : vector<16xi1>, vector<16xi32>
      %select_n3A_143 = arith.select %ge3A_139, %select_n3A_132, %select_n3A_117 : vector<16xi1>, vector<16xi32>
      %ge3A_144 = arith.cmpf oge, %max3A_135, %min3A_131 : vector<16xf32>
      %max3A_145 = arith.maximumf %max3A_135, %min3A_131 : vector<16xf32>
      %min3A_146 = arith.minimumf %max3A_135, %min3A_131 : vector<16xf32>
      %select_n3A_147 = arith.select %ge3A_144, %select_n3A_137, %select_n3A_133 : vector<16xi1>, vector<16xi32>
      %select_n3A_148 = arith.select %ge3A_144, %select_n3A_133, %select_n3A_137 : vector<16xi1>, vector<16xi32>
      %ge3A_149 = arith.cmpf oge, %min3A_136, %min3A_121 : vector<16xf32>
      %max3A_150 = arith.maximumf %min3A_136, %min3A_121 : vector<16xf32>
      %min3A_151 = arith.minimumf %min3A_136, %min3A_121 : vector<16xf32>
      %select_n3A_152 = arith.select %ge3A_149, %select_n3A_138, %select_n3A_123 : vector<16xi1>, vector<16xi32>
      %select_n3A_153 = arith.select %ge3A_149, %select_n3A_123, %select_n3A_138 : vector<16xi1>, vector<16xi32>
      %get3A_154 = arith.constant 8 : i32
      %get3A_155 = arith.index_cast %get3A_154 : i32 to index
      %get3A_156 = arith.index_cast %mul3A_8 : i32 to index
      %get3A_157 = tpu.vector_load %arg5[%get3A_155, %get3A_156] {strides = array<i32>} : memref<64x256xf32, #tpu.memory_space<vmem>>, vector<1x16xf32>,
      %get3A_158 = vector.shape_cast %get3A_157 : vector<1x16xf32> to vector<16xf32>
      %get3A_159 = arith.constant 9 : i32
      %get3A_160 = arith.index_cast %get3A_159 : i32 to index
      %get3A_161 = arith.index_cast %mul3A_8 : i32 to index
      %get3A_162 = tpu.vector_load %arg5[%get3A_160, %get3A_161] {strides = array<i32>} : memref<64x256xf32, #tpu.memory_space<vmem>>, vector<1x16xf32>,
      %get3A_163 = vector.shape_cast %get3A_162 : vector<1x16xf32> to vector<16xf32>
      %get3A_164 = arith.constant 10 : i32
      %get3A_165 = arith.index_cast %get3A_164 : i32 to index
      %get3A_166 = arith.index_cast %mul3A_8 : i32 to index
      %get3A_167 = tpu.vector_load %arg5[%get3A_165, %get3A_166] {strides = array<i32>} : memref<64x256xf32, #tpu.memory_space<vmem>>, vector<1x16xf32>,
      %get3A_168 = vector.shape_cast %get3A_167 : vector<1x16xf32> to vector<16xf32>
      %get3A_169 = arith.constant 11 : i32
      %get3A_170 = arith.index_cast %get3A_169 : i32 to index
      %get3A_171 = arith.index_cast %mul3A_8 : i32 to index
      %get3A_172 = tpu.vector_load %arg5[%get3A_170, %get3A_171] {strides = array<i32>} : memref<64x256xf32, #tpu.memory_space<vmem>>, vector<1x16xf32>,
      %get3A_173 = vector.shape_cast %get3A_172 : vector<1x16xf32> to vector<16xf32>
      %get3A_174 = arith.constant 12 : i32
      %get3A_175 = arith.index_cast %get3A_174 : i32 to index
      %get3A_176 = arith.index_cast %mul3A_8 : i32 to index
      %get3A_177 = tpu.vector_load %arg5[%get3A_175, %get3A_176] {strides = array<i32>} : memref<64x256xf32, #tpu.memory_space<vmem>>, vector<1x16xf32>,
      %get3A_178 = vector.shape_cast %get3A_177 : vector<1x16xf32> to vector<16xf32>
      %get3A_179 = arith.constant 13 : i32
      %get3A_180 = arith.index_cast %get3A_179 : i32 to index
      %get3A_181 = arith.index_cast %mul3A_8 : i32 to index
      %get3A_182 = tpu.vector_load %arg5[%get3A_180, %get3A_181] {strides = array<i32>} : memref<64x256xf32, #tpu.memory_space<vmem>>, vector<1x16xf32>,
      %get3A_183 = vector.shape_cast %get3A_182 : vector<1x16xf32> to vector<16xf32>
      %get3A_184 = arith.constant 14 : i32
      %get3A_185 = arith.index_cast %get3A_184 : i32 to index
      %get3A_186 = arith.index_cast %mul3A_8 : i32 to index
      %get3A_187 = tpu.vector_load %arg5[%get3A_185, %get3A_186] {strides = array<i32>} : memref<64x256xf32, #tpu.memory_space<vmem>>, vector<1x16xf32>,
      %get3A_188 = vector.shape_cast %get3A_187 : vector<1x16xf32> to vector<16xf32>
      %get3A_189 = arith.constant 15 : i32
      %get3A_190 = arith.index_cast %get3A_189 : i32 to index
      %get3A_191 = arith.index_cast %mul3A_8 : i32 to index
      %get3A_192 = tpu.vector_load %arg5[%get3A_190, %get3A_191] {strides = array<i32>} : memref<64x256xf32, #tpu.memory_space<vmem>>, vector<1x16xf32>,
      %get3A_193 = vector.shape_cast %get3A_192 : vector<1x16xf32> to vector<16xf32>
      %broadcast_in_dim3A_194 = arith.constant 8 : i32
      %broadcast_in_dim3A_195 = vector.broadcast %broadcast_in_dim3A_194 : i32 to vector<16xi32>
      %broadcast_in_dim3A_196 = arith.constant 9 : i32
      %broadcast_in_dim3A_197 = vector.broadcast %broadcast_in_dim3A_196 : i32 to vector<16xi32>
      %broadcast_in_dim3A_198 = arith.constant 10 : i32
      %broadcast_in_dim3A_199 = vector.broadcast %broadcast_in_dim3A_198 : i32 to vector<16xi32>
      %broadcast_in_dim3A_200 = arith.constant 11 : i32
      %broadcast_in_dim3A_201 = vector.broadcast %broadcast_in_dim3A_200 : i32 to vector<16xi32>
      %broadcast_in_dim3A_202 = arith.constant 12 : i32
      %broadcast_in_dim3A_203 = vector.broadcast %broadcast_in_dim3A_202 : i32 to vector<16xi32>
      %broadcast_in_dim3A_204 = arith.constant 13 : i32
      %broadcast_in_dim3A_205 = vector.broadcast %broadcast_in_dim3A_204 : i32 to vector<16xi32>
      %broadcast_in_dim3A_206 = arith.constant 14 : i32
      %broadcast_in_dim3A_207 = vector.broadcast %broadcast_in_dim3A_206 : i32 to vector<16xi32>
      %broadcast_in_dim3A_208 = arith.constant 15 : i32
      %broadcast_in_dim3A_209 = vector.broadcast %broadcast_in_dim3A_208 : i32 to vector<16xi32>
      %ge3A_210 = arith.cmpf oge, %get3A_158, %get3A_163 : vector<16xf32>
      %max3A_211 = arith.maximumf %get3A_158, %get3A_163 : vector<16xf32>
      %min3A_212 = arith.minimumf %get3A_158, %get3A_163 : vector<16xf32>
      %select_n3A_213 = arith.select %ge3A_210, %broadcast_in_dim3A_195, %broadcast_in_dim3A_197 : vector<16xi1>, vector<16xi32>
      %select_n3A_214 = arith.select %ge3A_210, %broadcast_in_dim3A_197, %broadcast_in_dim3A_195 : vector<16xi1>, vector<16xi32>
      %ge3A_215 = arith.cmpf oge, %get3A_168, %get3A_173 : vector<16xf32>
      %max3A_216 = arith.maximumf %get3A_168, %get3A_173 : vector<16xf32>
      %min3A_217 = arith.minimumf %get3A_168, %get3A_173 : vector<16xf32>
      %select_n3A_218 = arith.select %ge3A_215, %broadcast_in_dim3A_199, %broadcast_in_dim3A_201 : vector<16xi1>, vector<16xi32>
      %select_n3A_219 = arith.select %ge3A_215, %broadcast_in_dim3A_201, %broadcast_in_dim3A_199 : vector<16xi1>, vector<16xi32>
      %ge3A_220 = arith.cmpf oge, %get3A_178, %get3A_183 : vector<16xf32>
      %max3A_221 = arith.maximumf %get3A_178, %get3A_183 : vector<16xf32>
      %min3A_222 = arith.minimumf %get3A_178, %get3A_183 : vector<16xf32>
      %select_n3A_223 = arith.select %ge3A_220, %broadcast_in_dim3A_203, %broadcast_in_dim3A_205 : vector<16xi1>, vector<16xi32>
      %select_n3A_224 = arith.select %ge3A_220, %broadcast_in_dim3A_205, %broadcast_in_dim3A_203 : vector<16xi1>, vector<16xi32>
      %ge3A_225 = arith.cmpf oge, %get3A_188, %get3A_193 : vector<16xf32>
      %max3A_226 = arith.maximumf %get3A_188, %get3A_193 : vector<16xf32>
      %min3A_227 = arith.minimumf %get3A_188, %get3A_193 : vector<16xf32>
      %select_n3A_228 = arith.select %ge3A_225, %broadcast_in_dim3A_207, %broadcast_in_dim3A_209 : vector<16xi1>, vector<16xi32>
      %select_n3A_229 = arith.select %ge3A_225, %broadcast_in_dim3A_209, %broadcast_in_dim3A_207 : vector<16xi1>, vector<16xi32>
      %ge3A_230 = arith.cmpf oge, %max3A_211, %max3A_216 : vector<16xf32>
      %max3A_231 = arith.maximumf %max3A_211, %max3A_216 : vector<16xf32>
      %min3A_232 = arith.minimumf %max3A_211, %max3A_216 : vector<16xf32>
      %select_n3A_233 = arith.select %ge3A_230, %select_n3A_213, %select_n3A_218 : vector<16xi1>, vector<16xi32>
      %select_n3A_234 = arith.select %ge3A_230, %select_n3A_218, %select_n3A_213 : vector<16xi1>, vector<16xi32>
      %ge3A_235 = arith.cmpf oge, %min3A_212, %min3A_217 : vector<16xf32>
      %max3A_236 = arith.maximumf %min3A_212, %min3A_217 : vector<16xf32>
      %min3A_237 = arith.minimumf %min3A_212, %min3A_217 : vector<16xf32>
      %select_n3A_238 = arith.select %ge3A_235, %select_n3A_214, %select_n3A_219 : vector<16xi1>, vector<16xi32>
      %select_n3A_239 = arith.select %ge3A_235, %select_n3A_219, %select_n3A_214 : vector<16xi1>, vector<16xi32>
      %ge3A_240 = arith.cmpf oge, %max3A_221, %max3A_226 : vector<16xf32>
      %max3A_241 = arith.maximumf %max3A_221, %max3A_226 : vector<16xf32>
      %min3A_242 = arith.minimumf %max3A_221, %max3A_226 : vector<16xf32>
      %select_n3A_243 = arith.select %ge3A_240, %select_n3A_223, %select_n3A_228 : vector<16xi1>, vector<16xi32>
      %select_n3A_244 = arith.select %ge3A_240, %select_n3A_228, %select_n3A_223 : vector<16xi1>, vector<16xi32>
      %ge3A_245 = arith.cmpf oge, %min3A_222, %min3A_227 : vector<16xf32>
      %max3A_246 = arith.maximumf %min3A_222, %min3A_227 : vector<16xf32>
      %min3A_247 = arith.minimumf %min3A_222, %min3A_227 : vector<16xf32>
      %select_n3A_248 = arith.select %ge3A_245, %select_n3A_224, %select_n3A_229 : vector<16xi1>, vector<16xi32>
      %select_n3A_249 = arith.select %ge3A_245, %select_n3A_229, %select_n3A_224 : vector<16xi1>, vector<16xi32>
      %ge3A_250 = arith.cmpf oge, %max3A_236, %min3A_232 : vector<16xf32>
      %max3A_251 = arith.maximumf %max3A_236, %min3A_232 : vector<16xf32>
      %min3A_252 = arith.minimumf %max3A_236, %min3A_232 : vector<16xf32>
      %select_n3A_253 = arith.select %ge3A_250, %select_n3A_238, %select_n3A_234 : vector<16xi1>, vector<16xi32>
      %select_n3A_254 = arith.select %ge3A_250, %select_n3A_234, %select_n3A_238 : vector<16xi1>, vector<16xi32>
      %ge3A_255 = arith.cmpf oge, %max3A_246, %min3A_242 : vector<16xf32>
      %max3A_256 = arith.maximumf %max3A_246, %min3A_242 : vector<16xf32>
      %min3A_257 = arith.minimumf %max3A_246, %min3A_242 : vector<16xf32>
      %select_n3A_258 = arith.select %ge3A_255, %select_n3A_248, %select_n3A_244 : vector<16xi1>, vector<16xi32>
      %select_n3A_259 = arith.select %ge3A_255, %select_n3A_244, %select_n3A_248 : vector<16xi1>, vector<16xi32>
      %ge3A_260 = arith.cmpf oge, %max3A_231, %max3A_241 : vector<16xf32>
      %max3A_261 = arith.maximumf %max3A_231, %max3A_241 : vector<16xf32>
      %min3A_262 = arith.minimumf %max3A_231, %max3A_241 : vector<16xf32>
      %select_n3A_263 = arith.select %ge3A_260, %select_n3A_233, %select_n3A_243 : vector<16xi1>, vector<16xi32>
      %select_n3A_264 = arith.select %ge3A_260, %select_n3A_243, %select_n3A_233 : vector<16xi1>, vector<16xi32>
      %ge3A_265 = arith.cmpf oge, %max3A_251, %max3A_256 : vector<16xf32>
      %max3A_266 = arith.maximumf %max3A_251, %max3A_256 : vector<16xf32>
      %min3A_267 = arith.minimumf %max3A_251, %max3A_256 : vector<16xf32>
      %select_n3A_268 = arith.select %ge3A_265, %select_n3A_253, %select_n3A_258 : vector<16xi1>, vector<16xi32>
      %select_n3A_269 = arith.select %ge3A_265, %select_n3A_258, %select_n3A_253 : vector<16xi1>, vector<16xi32>
      %ge3A_270 = arith.cmpf oge, %min3A_252, %min3A_257 : vector<16xf32>
      %max3A_271 = arith.maximumf %min3A_252, %min3A_257 : vector<16xf32>
      %min3A_272 = arith.minimumf %min3A_252, %min3A_257 : vector<16xf32>
      %select_n3A_273 = arith.select %ge3A_270, %select_n3A_254, %select_n3A_259 : vector<16xi1>, vector<16xi32>
      %select_n3A_274 = arith.select %ge3A_270, %select_n3A_259, %select_n3A_254 : vector<16xi1>, vector<16xi32>
      %ge3A_275 = arith.cmpf oge, %min3A_237, %min3A_247 : vector<16xf32>
      %max3A_276 = arith.maximumf %min3A_237, %min3A_247 : vector<16xf32>
      %min3A_277 = arith.minimumf %min3A_237, %min3A_247 : vector<16xf32>
      %select_n3A_278 = arith.select %ge3A_275, %select_n3A_239, %select_n3A_249 : vector<16xi1>, vector<16xi32>
      %select_n3A_279 = arith.select %ge3A_275, %select_n3A_249, %select_n3A_239 : vector<16xi1>, vector<16xi32>
      %ge3A_280 = arith.cmpf oge, %max3A_271, %min3A_262 : vector<16xf32>
      %max3A_281 = arith.maximumf %max3A_271, %min3A_262 : vector<16xf32>
      %min3A_282 = arith.minimumf %max3A_271, %min3A_262 : vector<16xf32>
      %select_n3A_283 = arith.select %ge3A_280, %select_n3A_273, %select_n3A_264 : vector<16xi1>, vector<16xi32>
      %select_n3A_284 = arith.select %ge3A_280, %select_n3A_264, %select_n3A_273 : vector<16xi1>, vector<16xi32>
      %ge3A_285 = arith.cmpf oge, %max3A_276, %min3A_267 : vector<16xf32>
      %max3A_286 = arith.maximumf %max3A_276, %min3A_267 : vector<16xf32>
      %min3A_287 = arith.minimumf %max3A_276, %min3A_267 : vector<16xf32>
      %select_n3A_288 = arith.select %ge3A_285, %select_n3A_278, %select_n3A_269 : vector<16xi1>, vector<16xi32>
      %select_n3A_289 = arith.select %ge3A_285, %select_n3A_269, %select_n3A_278 : vector<16xi1>, vector<16xi32>
      %ge3A_290 = arith.cmpf oge, %max3A_266, %max3A_281 : vector<16xf32>
      %max3A_291 = arith.maximumf %max3A_266, %max3A_281 : vector<16xf32>
      %min3A_292 = arith.minimumf %max3A_266, %max3A_281 : vector<16xf32>
      %select_n3A_293 = arith.select %ge3A_290, %select_n3A_268, %select_n3A_283 : vector<16xi1>, vector<16xi32>
      %select_n3A_294 = arith.select %ge3A_290, %select_n3A_283, %select_n3A_268 : vector<16xi1>, vector<16xi32>
      %ge3A_295 = arith.cmpf oge, %max3A_286, %min3A_282 : vector<16xf32>
      %max3A_296 = arith.maximumf %max3A_286, %min3A_282 : vector<16xf32>
      %min3A_297 = arith.minimumf %max3A_286, %min3A_282 : vector<16xf32>
      %select_n3A_298 = arith.select %ge3A_295, %select_n3A_288, %select_n3A_284 : vector<16xi1>, vector<16xi32>
      %select_n3A_299 = arith.select %ge3A_295, %select_n3A_284, %select_n3A_288 : vector<16xi1>, vector<16xi32>
      %ge3A_300 = arith.cmpf oge, %min3A_287, %min3A_272 : vector<16xf32>
      %max3A_301 = arith.maximumf %min3A_287, %min3A_272 : vector<16xf32>
      %min3A_302 = arith.minimumf %min3A_287, %min3A_272 : vector<16xf32>
      %select_n3A_303 = arith.select %ge3A_300, %select_n3A_289, %select_n3A_274 : vector<16xi1>, vector<16xi32>
      %select_n3A_304 = arith.select %ge3A_300, %select_n3A_274, %select_n3A_289 : vector<16xi1>, vector<16xi32>
      %get3A_305 = arith.constant 16 : i32
      %get3A_306 = arith.index_cast %get3A_305 : i32 to index
      %get3A_307 = arith.index_cast %mul3A_8 : i32 to index
      %get3A_308 = tpu.vector_load %arg5[%get3A_306, %get3A_307] {strides = array<i32>} : memref<64x256xf32, #tpu.memory_space<vmem>>, vector<1x16xf32>,
      %get3A_309 = vector.shape_cast %get3A_308 : vector<1x16xf32> to vector<16xf32>
      %get3A_310 = arith.constant 17 : i32
      %get3A_311 = arith.index_cast %get3A_310 : i32 to index
      %get3A_312 = arith.index_cast %mul3A_8 : i32 to index
      %get3A_313 = tpu.vector_load %arg5[%get3A_311, %get3A_312] {strides = array<i32>} : memref<64x256xf32, #tpu.memory_space<vmem>>, vector<1x16xf32>,
      %get3A_314 = vector.shape_cast %get3A_313 : vector<1x16xf32> to vector<16xf32>
      %get3A_315 = arith.constant 18 : i32
      %get3A_316 = arith.index_cast %get3A_315 : i32 to index
      %get3A_317 = arith.index_cast %mul3A_8 : i32 to index
      %get3A_318 = tpu.vector_load %arg5[%get3A_316, %get3A_317] {strides = array<i32>} : memref<64x256xf32, #tpu.memory_space<vmem>>, vector<1x16xf32>,
      %get3A_319 = vector.shape_cast %get3A_318 : vector<1x16xf32> to vector<16xf32>
      %get3A_320 = arith.constant 19 : i32
      %get3A_321 = arith.index_cast %get3A_320 : i32 to index
      %get3A_322 = arith.index_cast %mul3A_8 : i32 to index
      %get3A_323 = tpu.vector_load %arg5[%get3A_321, %get3A_322] {strides = array<i32>} : memref<64x256xf32, #tpu.memory_space<vmem>>, vector<1x16xf32>,
      %get3A_324 = vector.shape_cast %get3A_323 : vector<1x16xf32> to vector<16xf32>
      %get3A_325 = arith.constant 20 : i32
      %get3A_326 = arith.index_cast %get3A_325 : i32 to index
      %get3A_327 = arith.index_cast %mul3A_8 : i32 to index
      %get3A_328 = tpu.vector_load %arg5[%get3A_326, %get3A_327] {strides = array<i32>} : memref<64x256xf32, #tpu.memory_space<vmem>>, vector<1x16xf32>,
      %get3A_329 = vector.shape_cast %get3A_328 : vector<1x16xf32> to vector<16xf32>
      %get3A_330 = arith.constant 21 : i32
      %get3A_331 = arith.index_cast %get3A_330 : i32 to index
      %get3A_332 = arith.index_cast %mul3A_8 : i32 to index
      %get3A_333 = tpu.vector_load %arg5[%get3A_331, %get3A_332] {strides = array<i32>} : memref<64x256xf32, #tpu.memory_space<vmem>>, vector<1x16xf32>,
      %get3A_334 = vector.shape_cast %get3A_333 : vector<1x16xf32> to vector<16xf32>
      %get3A_335 = arith.constant 22 : i32
      %get3A_336 = arith.index_cast %get3A_335 : i32 to index
      %get3A_337 = arith.index_cast %mul3A_8 : i32 to index
      %get3A_338 = tpu.vector_load %arg5[%get3A_336, %get3A_337] {strides = array<i32>} : memref<64x256xf32, #tpu.memory_space<vmem>>, vector<1x16xf32>,
      %get3A_339 = vector.shape_cast %get3A_338 : vector<1x16xf32> to vector<16xf32>
      %get3A_340 = arith.constant 23 : i32
      %get3A_341 = arith.index_cast %get3A_340 : i32 to index
      %get3A_342 = arith.index_cast %mul3A_8 : i32 to index
      %get3A_343 = tpu.vector_load %arg5[%get3A_341, %get3A_342] {strides = array<i32>} : memref<64x256xf32, #tpu.memory_space<vmem>>, vector<1x16xf32>,
      %get3A_344 = vector.shape_cast %get3A_343 : vector<1x16xf32> to vector<16xf32>
      %broadcast_in_dim3A_345 = arith.constant 16 : i32
      %broadcast_in_dim3A_346 = vector.broadcast %broadcast_in_dim3A_345 : i32 to vector<16xi32>
      %broadcast_in_dim3A_347 = arith.constant 17 : i32
      %broadcast_in_dim3A_348 = vector.broadcast %broadcast_in_dim3A_347 : i32 to vector<16xi32>
      %broadcast_in_dim3A_349 = arith.constant 18 : i32
      %broadcast_in_dim3A_350 = vector.broadcast %broadcast_in_dim3A_349 : i32 to vector<16xi32>
      %broadcast_in_dim3A_351 = arith.constant 19 : i32
      %broadcast_in_dim3A_352 = vector.broadcast %broadcast_in_dim3A_351 : i32 to vector<16xi32>
      %broadcast_in_dim3A_353 = arith.constant 20 : i32
      %broadcast_in_dim3A_354 = vector.broadcast %broadcast_in_dim3A_353 : i32 to vector<16xi32>
      %broadcast_in_dim3A_355 = arith.constant 21 : i32
      %broadcast_in_dim3A_356 = vector.broadcast %broadcast_in_dim3A_355 : i32 to vector<16xi32>
      %broadcast_in_dim3A_357 = arith.constant 22 : i32
      %broadcast_in_dim3A_358 = vector.broadcast %broadcast_in_dim3A_357 : i32 to vector<16xi32>
      %broadcast_in_dim3A_359 = arith.constant 23 : i32
      %broadcast_in_dim3A_360 = vector.broadcast %broadcast_in_dim3A_359 : i32 to vector<16xi32>
      %ge3A_361 = arith.cmpf oge, %get3A_309, %get3A_314 : vector<16xf32>
      %max3A_362 = arith.maximumf %get3A_309, %get3A_314 : vector<16xf32>
      %min3A_363 = arith.minimumf %get3A_309, %get3A_314 : vector<16xf32>
      %select_n3A_364 = arith.select %ge3A_361, %broadcast_in_dim3A_346, %broadcast_in_dim3A_348 : vector<16xi1>, vector<16xi32>
      %select_n3A_365 = arith.select %ge3A_361, %broadcast_in_dim3A_348, %broadcast_in_dim3A_346 : vector<16xi1>, vector<16xi32>
      %ge3A_366 = arith.cmpf oge, %get3A_319, %get3A_324 : vector<16xf32>
      %max3A_367 = arith.maximumf %get3A_319, %get3A_324 : vector<16xf32>
      %min3A_368 = arith.minimumf %get3A_319, %get3A_324 : vector<16xf32>
      %select_n3A_369 = arith.select %ge3A_366, %broadcast_in_dim3A_350, %broadcast_in_dim3A_352 : vector<16xi1>, vector<16xi32>
      %select_n3A_370 = arith.select %ge3A_366, %broadcast_in_dim3A_352, %broadcast_in_dim3A_350 : vector<16xi1>, vector<16xi32>
      %ge3A_371 = arith.cmpf oge, %get3A_329, %get3A_334 : vector<16xf32>
      %max3A_372 = arith.maximumf %get3A_329, %get3A_334 : vector<16xf32>
      %min3A_373 = arith.minimumf %get3A_329, %get3A_334 : vector<16xf32>
      %select_n3A_374 = arith.select %ge3A_371, %broadcast_in_dim3A_354, %broadcast_in_dim3A_356 : vector<16xi1>, vector<16xi32>
      %select_n3A_375 = arith.select %ge3A_371, %broadcast_in_dim3A_356, %broadcast_in_dim3A_354 : vector<16xi1>, vector<16xi32>
      %ge3A_376 = arith.cmpf oge, %get3A_339, %get3A_344 : vector<16xf32>
      %max3A_377 = arith.maximumf %get3A_339, %get3A_344 : vector<16xf32>
      %min3A_378 = arith.minimumf %get3A_339, %get3A_344 : vector<16xf32>
      %select_n3A_379 = arith.select %ge3A_376, %broadcast_in_dim3A_358, %broadcast_in_dim3A_360 : vector<16xi1>, vector<16xi32>
      %select_n3A_380 = arith.select %ge3A_376, %broadcast_in_dim3A_360, %broadcast_in_dim3A_358 : vector<16xi1>, vector<16xi32>
      %ge3A_381 = arith.cmpf oge, %max3A_362, %max3A_367 : vector<16xf32>
      %max3A_382 = arith.maximumf %max3A_362, %max3A_367 : vector<16xf32>
      %min3A_383 = arith.minimumf %max3A_362, %max3A_367 : vector<16xf32>
      %select_n3A_384 = arith.select %ge3A_381, %select_n3A_364, %select_n3A_369 : vector<16xi1>, vector<16xi32>
      %select_n3A_385 = arith.select %ge3A_381, %select_n3A_369, %select_n3A_364 : vector<16xi1>, vector<16xi32>
      %ge3A_386 = arith.cmpf oge, %min3A_363, %min3A_368 : vector<16xf32>
      %max3A_387 = arith.maximumf %min3A_363, %min3A_368 : vector<16xf32>
      %min3A_388 = arith.minimumf %min3A_363, %min3A_368 : vector<16xf32>
      %select_n3A_389 = arith.select %ge3A_386, %select_n3A_365, %select_n3A_370 : vector<16xi1>, vector<16xi32>
      %select_n3A_390 = arith.select %ge3A_386, %select_n3A_370, %select_n3A_365 : vector<16xi1>, vector<16xi32>
      %ge3A_391 = arith.cmpf oge, %max3A_372, %max3A_377 : vector<16xf32>
      %max3A_392 = arith.maximumf %max3A_372, %max3A_377 : vector<16xf32>
      %min3A_393 = arith.minimumf %max3A_372, %max3A_377 : vector<16xf32>
      %select_n3A_394 = arith.select %ge3A_391, %select_n3A_374, %select_n3A_379 : vector<16xi1>, vector<16xi32>
      %select_n3A_395 = arith.select %ge3A_391, %select_n3A_379, %select_n3A_374 : vector<16xi1>, vector<16xi32>
      %ge3A_396 = arith.cmpf oge, %min3A_373, %min3A_378 : vector<16xf32>
      %max3A_397 = arith.maximumf %min3A_373, %min3A_378 : vector<16xf32>
      %min3A_398 = arith.minimumf %min3A_373, %min3A_378 : vector<16xf32>
      %select_n3A_399 = arith.select %ge3A_396, %select_n3A_375, %select_n3A_380 : vector<16xi1>, vector<16xi32>
      %select_n3A_400 = arith.select %ge3A_396, %select_n3A_380, %select_n3A_375 : vector<16xi1>, vector<16xi32>
      %ge3A_401 = arith.cmpf oge, %max3A_387, %min3A_383 : vector<16xf32>
      %max3A_402 = arith.maximumf %max3A_387, %min3A_383 : vector<16xf32>
      %min3A_403 = arith.minimumf %max3A_387, %min3A_383 : vector<16xf32>
      %select_n3A_404 = arith.select %ge3A_401, %select_n3A_389, %select_n3A_385 : vector<16xi1>, vector<16xi32>
      %select_n3A_405 = arith.select %ge3A_401, %select_n3A_385, %select_n3A_389 : vector<16xi1>, vector<16xi32>
      %ge3A_406 = arith.cmpf oge, %max3A_397, %min3A_393 : vector<16xf32>
      %max3A_407 = arith.maximumf %max3A_397, %min3A_393 : vector<16xf32>
      %min3A_408 = arith.minimumf %max3A_397, %min3A_393 : vector<16xf32>
      %select_n3A_409 = arith.select %ge3A_406, %select_n3A_399, %select_n3A_395 : vector<16xi1>, vector<16xi32>
      %select_n3A_410 = arith.select %ge3A_406, %select_n3A_395, %select_n3A_399 : vector<16xi1>, vector<16xi32>
      %ge3A_411 = arith.cmpf oge, %max3A_382, %max3A_392 : vector<16xf32>
      %max3A_412 = arith.maximumf %max3A_382, %max3A_392 : vector<16xf32>
      %min3A_413 = arith.minimumf %max3A_382, %max3A_392 : vector<16xf32>
      %select_n3A_414 = arith.select %ge3A_411, %select_n3A_384, %select_n3A_394 : vector<16xi1>, vector<16xi32>
      %select_n3A_415 = arith.select %ge3A_411, %select_n3A_394, %select_n3A_384 : vector<16xi1>, vector<16xi32>
      %ge3A_416 = arith.cmpf oge, %max3A_402, %max3A_407 : vector<16xf32>
      %max3A_417 = arith.maximumf %max3A_402, %max3A_407 : vector<16xf32>
      %min3A_418 = arith.minimumf %max3A_402, %max3A_407 : vector<16xf32>
      %select_n3A_419 = arith.select %ge3A_416, %select_n3A_404, %select_n3A_409 : vector<16xi1>, vector<16xi32>
      %select_n3A_420 = arith.select %ge3A_416, %select_n3A_409, %select_n3A_404 : vector<16xi1>, vector<16xi32>
      %ge3A_421 = arith.cmpf oge, %min3A_403, %min3A_408 : vector<16xf32>
      %max3A_422 = arith.maximumf %min3A_403, %min3A_408 : vector<16xf32>
      %min3A_423 = arith.minimumf %min3A_403, %min3A_408 : vector<16xf32>
      %select_n3A_424 = arith.select %ge3A_421, %select_n3A_405, %select_n3A_410 : vector<16xi1>, vector<16xi32>
      %select_n3A_425 = arith.select %ge3A_421, %select_n3A_410, %select_n3A_405 : vector<16xi1>, vector<16xi32>
      %ge3A_426 = arith.cmpf oge, %min3A_388, %min3A_398 : vector<16xf32>
      %max3A_427 = arith.maximumf %min3A_388, %min3A_398 : vector<16xf32>
      %min3A_428 = arith.minimumf %min3A_388, %min3A_398 : vector<16xf32>
      %select_n3A_429 = arith.select %ge3A_426, %select_n3A_390, %select_n3A_400 : vector<16xi1>, vector<16xi32>
      %select_n3A_430 = arith.select %ge3A_426, %select_n3A_400, %select_n3A_390 : vector<16xi1>, vector<16xi32>
      %ge3A_431 = arith.cmpf oge, %max3A_422, %min3A_413 : vector<16xf32>
      %max3A_432 = arith.maximumf %max3A_422, %min3A_413 : vector<16xf32>
      %min3A_433 = arith.minimumf %max3A_422, %min3A_413 : vector<16xf32>
      %select_n3A_434 = arith.select %ge3A_431, %select_n3A_424, %select_n3A_415 : vector<16xi1>, vector<16xi32>
      %select_n3A_435 = arith.select %ge3A_431, %select_n3A_415, %select_n3A_424 : vector<16xi1>, vector<16xi32>
      %ge3A_436 = arith.cmpf oge, %max3A_427, %min3A_418 : vector<16xf32>
      %max3A_437 = arith.maximumf %max3A_427, %min3A_418 : vector<16xf32>
      %min3A_438 = arith.minimumf %max3A_427, %min3A_418 : vector<16xf32>
      %select_n3A_439 = arith.select %ge3A_436, %select_n3A_429, %select_n3A_420 : vector<16xi1>, vector<16xi32>
      %select_n3A_440 = arith.select %ge3A_436, %select_n3A_420, %select_n3A_429 : vector<16xi1>, vector<16xi32>
      %ge3A_441 = arith.cmpf oge, %max3A_417, %max3A_432 : vector<16xf32>
      %max3A_442 = arith.maximumf %max3A_417, %max3A_432 : vector<16xf32>
      %min3A_443 = arith.minimumf %max3A_417, %max3A_432 : vector<16xf32>
      %select_n3A_444 = arith.select %ge3A_441, %select_n3A_419, %select_n3A_434 : vector<16xi1>, vector<16xi32>
      %select_n3A_445 = arith.select %ge3A_441, %select_n3A_434, %select_n3A_419 : vector<16xi1>, vector<16xi32>
      %ge3A_446 = arith.cmpf oge, %max3A_437, %min3A_433 : vector<16xf32>
      %max3A_447 = arith.maximumf %max3A_437, %min3A_433 : vector<16xf32>
      %min3A_448 = arith.minimumf %max3A_437, %min3A_433 : vector<16xf32>
      %select_n3A_449 = arith.select %ge3A_446, %select_n3A_439, %select_n3A_435 : vector<16xi1>, vector<16xi32>
      %select_n3A_450 = arith.select %ge3A_446, %select_n3A_435, %select_n3A_439 : vector<16xi1>, vector<16xi32>
      %ge3A_451 = arith.cmpf oge, %min3A_438, %min3A_423 : vector<16xf32>
      %max3A_452 = arith.maximumf %min3A_438, %min3A_423 : vector<16xf32>
      %min3A_453 = arith.minimumf %min3A_438, %min3A_423 : vector<16xf32>
      %select_n3A_454 = arith.select %ge3A_451, %select_n3A_440, %select_n3A_425 : vector<16xi1>, vector<16xi32>
      %select_n3A_455 = arith.select %ge3A_451, %select_n3A_425, %select_n3A_440 : vector<16xi1>, vector<16xi32>
      %get3A_456 = arith.constant 24 : i32
      %get3A_457 = arith.index_cast %get3A_456 : i32 to index
      %get3A_458 = arith.index_cast %mul3A_8 : i32 to index
      %get3A_459 = tpu.vector_load %arg5[%get3A_457, %get3A_458] {strides = array<i32>} : memref<64x256xf32, #tpu.memory_space<vmem>>, vector<1x16xf32>,
      %get3A_460 = vector.shape_cast %get3A_459 : vector<1x16xf32> to vector<16xf32>
      %get3A_461 = arith.constant 25 : i32
      %get3A_462 = arith.index_cast %get3A_461 : i32 to index
      %get3A_463 = arith.index_cast %mul3A_8 : i32 to index
      %get3A_464 = tpu.vector_load %arg5[%get3A_462, %get3A_463] {strides = array<i32>} : memref<64x256xf32, #tpu.memory_space<vmem>>, vector<1x16xf32>,
      %get3A_465 = vector.shape_cast %get3A_464 : vector<1x16xf32> to vector<16xf32>
      %get3A_466 = arith.constant 26 : i32
      %get3A_467 = arith.index_cast %get3A_466 : i32 to index
      %get3A_468 = arith.index_cast %mul3A_8 : i32 to index
      %get3A_469 = tpu.vector_load %arg5[%get3A_467, %get3A_468] {strides = array<i32>} : memref<64x256xf32, #tpu.memory_space<vmem>>, vector<1x16xf32>,
      %get3A_470 = vector.shape_cast %get3A_469 : vector<1x16xf32> to vector<16xf32>
      %get3A_471 = arith.constant 27 : i32
      %get3A_472 = arith.index_cast %get3A_471 : i32 to index
      %get3A_473 = arith.index_cast %mul3A_8 : i32 to index
      %get3A_474 = tpu.vector_load %arg5[%get3A_472, %get3A_473] {strides = array<i32>} : memref<64x256xf32, #tpu.memory_space<vmem>>, vector<1x16xf32>,
      %get3A_475 = vector.shape_cast %get3A_474 : vector<1x16xf32> to vector<16xf32>
      %get3A_476 = arith.constant 28 : i32
      %get3A_477 = arith.index_cast %get3A_476 : i32 to index
      %get3A_478 = arith.index_cast %mul3A_8 : i32 to index
      %get3A_479 = tpu.vector_load %arg5[%get3A_477, %get3A_478] {strides = array<i32>} : memref<64x256xf32, #tpu.memory_space<vmem>>, vector<1x16xf32>,
      %get3A_480 = vector.shape_cast %get3A_479 : vector<1x16xf32> to vector<16xf32>
      %get3A_481 = arith.constant 29 : i32
      %get3A_482 = arith.index_cast %get3A_481 : i32 to index
      %get3A_483 = arith.index_cast %mul3A_8 : i32 to index
      %get3A_484 = tpu.vector_load %arg5[%get3A_482, %get3A_483] {strides = array<i32>} : memref<64x256xf32, #tpu.memory_space<vmem>>, vector<1x16xf32>,
      %get3A_485 = vector.shape_cast %get3A_484 : vector<1x16xf32> to vector<16xf32>
      %get3A_486 = arith.constant 30 : i32
      %get3A_487 = arith.index_cast %get3A_486 : i32 to index
      %get3A_488 = arith.index_cast %mul3A_8 : i32 to index
      %get3A_489 = tpu.vector_load %arg5[%get3A_487, %get3A_488] {strides = array<i32>} : memref<64x256xf32, #tpu.memory_space<vmem>>, vector<1x16xf32>,
      %get3A_490 = vector.shape_cast %get3A_489 : vector<1x16xf32> to vector<16xf32>
      %get3A_491 = arith.constant 31 : i32
      %get3A_492 = arith.index_cast %get3A_491 : i32 to index
      %get3A_493 = arith.index_cast %mul3A_8 : i32 to index
      %get3A_494 = tpu.vector_load %arg5[%get3A_492, %get3A_493] {strides = array<i32>} : memref<64x256xf32, #tpu.memory_space<vmem>>, vector<1x16xf32>,
      %get3A_495 = vector.shape_cast %get3A_494 : vector<1x16xf32> to vector<16xf32>
      %broadcast_in_dim3A_496 = arith.constant 24 : i32
      %broadcast_in_dim3A_497 = vector.broadcast %broadcast_in_dim3A_496 : i32 to vector<16xi32>
      %broadcast_in_dim3A_498 = arith.constant 25 : i32
      %broadcast_in_dim3A_499 = vector.broadcast %broadcast_in_dim3A_498 : i32 to vector<16xi32>
      %broadcast_in_dim3A_500 = arith.constant 26 : i32
      %broadcast_in_dim3A_501 = vector.broadcast %broadcast_in_dim3A_500 : i32 to vector<16xi32>
      %broadcast_in_dim3A_502 = arith.constant 27 : i32
      %broadcast_in_dim3A_503 = vector.broadcast %broadcast_in_dim3A_502 : i32 to vector<16xi32>
      %broadcast_in_dim3A_504 = arith.constant 28 : i32
      %broadcast_in_dim3A_505 = vector.broadcast %broadcast_in_dim3A_504 : i32 to vector<16xi32>
      %broadcast_in_dim3A_506 = arith.constant 29 : i32
      %broadcast_in_dim3A_507 = vector.broadcast %broadcast_in_dim3A_506 : i32 to vector<16xi32>
      %broadcast_in_dim3A_508 = arith.constant 30 : i32
      %broadcast_in_dim3A_509 = vector.broadcast %broadcast_in_dim3A_508 : i32 to vector<16xi32>
      %broadcast_in_dim3A_510 = arith.constant 31 : i32
      %broadcast_in_dim3A_511 = vector.broadcast %broadcast_in_dim3A_510 : i32 to vector<16xi32>
      %ge3A_512 = arith.cmpf oge, %get3A_460, %get3A_465 : vector<16xf32>
      %max3A_513 = arith.maximumf %get3A_460, %get3A_465 : vector<16xf32>
      %min3A_514 = arith.minimumf %get3A_460, %get3A_465 : vector<16xf32>
      %select_n3A_515 = arith.select %ge3A_512, %broadcast_in_dim3A_497, %broadcast_in_dim3A_499 : vector<16xi1>, vector<16xi32>
      %select_n3A_516 = arith.select %ge3A_512, %broadcast_in_dim3A_499, %broadcast_in_dim3A_497 : vector<16xi1>, vector<16xi32>
      %ge3A_517 = arith.cmpf oge, %get3A_470, %get3A_475 : vector<16xf32>
      %max3A_518 = arith.maximumf %get3A_470, %get3A_475 : vector<16xf32>
      %min3A_519 = arith.minimumf %get3A_470, %get3A_475 : vector<16xf32>
      %select_n3A_520 = arith.select %ge3A_517, %broadcast_in_dim3A_501, %broadcast_in_dim3A_503 : vector<16xi1>, vector<16xi32>
      %select_n3A_521 = arith.select %ge3A_517, %broadcast_in_dim3A_503, %broadcast_in_dim3A_501 : vector<16xi1>, vector<16xi32>
      %ge3A_522 = arith.cmpf oge, %get3A_480, %get3A_485 : vector<16xf32>
      %max3A_523 = arith.maximumf %get3A_480, %get3A_485 : vector<16xf32>
      %min3A_524 = arith.minimumf %get3A_480, %get3A_485 : vector<16xf32>
      %select_n3A_525 = arith.select %ge3A_522, %broadcast_in_dim3A_505, %broadcast_in_dim3A_507 : vector<16xi1>, vector<16xi32>
      %select_n3A_526 = arith.select %ge3A_522, %broadcast_in_dim3A_507, %broadcast_in_dim3A_505 : vector<16xi1>, vector<16xi32>
      %ge3A_527 = arith.cmpf oge, %get3A_490, %get3A_495 : vector<16xf32>
      %max3A_528 = arith.maximumf %get3A_490, %get3A_495 : vector<16xf32>
      %min3A_529 = arith.minimumf %get3A_490, %get3A_495 : vector<16xf32>
      %select_n3A_530 = arith.select %ge3A_527, %broadcast_in_dim3A_509, %broadcast_in_dim3A_511 : vector<16xi1>, vector<16xi32>
      %select_n3A_531 = arith.select %ge3A_527, %broadcast_in_dim3A_511, %broadcast_in_dim3A_509 : vector<16xi1>, vector<16xi32>
      %ge3A_532 = arith.cmpf oge, %max3A_513, %max3A_518 : vector<16xf32>
      %max3A_533 = arith.maximumf %max3A_513, %max3A_518 : vector<16xf32>
      %min3A_534 = arith.minimumf %max3A_513, %max3A_518 : vector<16xf32>
      %select_n3A_535 = arith.select %ge3A_532, %select_n3A_515, %select_n3A_520 : vector<16xi1>, vector<16xi32>
      %select_n3A_536 = arith.select %ge3A_532, %select_n3A_520, %select_n3A_515 : vector<16xi1>, vector<16xi32>
      %ge3A_537 = arith.cmpf oge, %min3A_514, %min3A_519 : vector<16xf32>
      %max3A_538 = arith.maximumf %min3A_514, %min3A_519 : vector<16xf32>
      %min3A_539 = arith.minimumf %min3A_514, %min3A_519 : vector<16xf32>
      %select_n3A_540 = arith.select %ge3A_537, %select_n3A_516, %select_n3A_521 : vector<16xi1>, vector<16xi32>
      %select_n3A_541 = arith.select %ge3A_537, %select_n3A_521, %select_n3A_516 : vector<16xi1>, vector<16xi32>
      %ge3A_542 = arith.cmpf oge, %max3A_523, %max3A_528 : vector<16xf32>
      %max3A_543 = arith.maximumf %max3A_523, %max3A_528 : vector<16xf32>
      %min3A_544 = arith.minimumf %max3A_523, %max3A_528 : vector<16xf32>
      %select_n3A_545 = arith.select %ge3A_542, %select_n3A_525, %select_n3A_530 : vector<16xi1>, vector<16xi32>
      %select_n3A_546 = arith.select %ge3A_542, %select_n3A_530, %select_n3A_525 : vector<16xi1>, vector<16xi32>
      %ge3A_547 = arith.cmpf oge, %min3A_524, %min3A_529 : vector<16xf32>
      %max3A_548 = arith.maximumf %min3A_524, %min3A_529 : vector<16xf32>
      %min3A_549 = arith.minimumf %min3A_524, %min3A_529 : vector<16xf32>
      %select_n3A_550 = arith.select %ge3A_547, %select_n3A_526, %select_n3A_531 : vector<16xi1>, vector<16xi32>
      %select_n3A_551 = arith.select %ge3A_547, %select_n3A_531, %select_n3A_526 : vector<16xi1>, vector<16xi32>
      %ge3A_552 = arith.cmpf oge, %max3A_538, %min3A_534 : vector<16xf32>
      %max3A_553 = arith.maximumf %max3A_538, %min3A_534 : vector<16xf32>
      %min3A_554 = arith.minimumf %max3A_538, %min3A_534 : vector<16xf32>
      %select_n3A_555 = arith.select %ge3A_552, %select_n3A_540, %select_n3A_536 : vector<16xi1>, vector<16xi32>
      %select_n3A_556 = arith.select %ge3A_552, %select_n3A_536, %select_n3A_540 : vector<16xi1>, vector<16xi32>
      %ge3A_557 = arith.cmpf oge, %max3A_548, %min3A_544 : vector<16xf32>
      %max3A_558 = arith.maximumf %max3A_548, %min3A_544 : vector<16xf32>
      %min3A_559 = arith.minimumf %max3A_548, %min3A_544 : vector<16xf32>
      %select_n3A_560 = arith.select %ge3A_557, %select_n3A_550, %select_n3A_546 : vector<16xi1>, vector<16xi32>
      %select_n3A_561 = arith.select %ge3A_557, %select_n3A_546, %select_n3A_550 : vector<16xi1>, vector<16xi32>
      %ge3A_562 = arith.cmpf oge, %max3A_533, %max3A_543 : vector<16xf32>
      %max3A_563 = arith.maximumf %max3A_533, %max3A_543 : vector<16xf32>
      %min3A_564 = arith.minimumf %max3A_533, %max3A_543 : vector<16xf32>
      %select_n3A_565 = arith.select %ge3A_562, %select_n3A_535, %select_n3A_545 : vector<16xi1>, vector<16xi32>
      %select_n3A_566 = arith.select %ge3A_562, %select_n3A_545, %select_n3A_535 : vector<16xi1>, vector<16xi32>
      %ge3A_567 = arith.cmpf oge, %max3A_553, %max3A_558 : vector<16xf32>
      %max3A_568 = arith.maximumf %max3A_553, %max3A_558 : vector<16xf32>
      %min3A_569 = arith.minimumf %max3A_553, %max3A_558 : vector<16xf32>
      %select_n3A_570 = arith.select %ge3A_567, %select_n3A_555, %select_n3A_560 : vector<16xi1>, vector<16xi32>
      %select_n3A_571 = arith.select %ge3A_567, %select_n3A_560, %select_n3A_555 : vector<16xi1>, vector<16xi32>
      %ge3A_572 = arith.cmpf oge, %min3A_554, %min3A_559 : vector<16xf32>
      %max3A_573 = arith.maximumf %min3A_554, %min3A_559 : vector<16xf32>
      %min3A_574 = arith.minimumf %min3A_554, %min3A_559 : vector<16xf32>
      %select_n3A_575 = arith.select %ge3A_572, %select_n3A_556, %select_n3A_561 : vector<16xi1>, vector<16xi32>
      %select_n3A_576 = arith.select %ge3A_572, %select_n3A_561, %select_n3A_556 : vector<16xi1>, vector<16xi32>
      %ge3A_577 = arith.cmpf oge, %min3A_539, %min3A_549 : vector<16xf32>
      %max3A_578 = arith.maximumf %min3A_539, %min3A_549 : vector<16xf32>
      %min3A_579 = arith.minimumf %min3A_539, %min3A_549 : vector<16xf32>
      %select_n3A_580 = arith.select %ge3A_577, %select_n3A_541, %select_n3A_551 : vector<16xi1>, vector<16xi32>
      %select_n3A_581 = arith.select %ge3A_577, %select_n3A_551, %select_n3A_541 : vector<16xi1>, vector<16xi32>
      %ge3A_582 = arith.cmpf oge, %max3A_573, %min3A_564 : vector<16xf32>
      %max3A_583 = arith.maximumf %max3A_573, %min3A_564 : vector<16xf32>
      %min3A_584 = arith.minimumf %max3A_573, %min3A_564 : vector<16xf32>
      %select_n3A_585 = arith.select %ge3A_582, %select_n3A_575, %select_n3A_566 : vector<16xi1>, vector<16xi32>
      %select_n3A_586 = arith.select %ge3A_582, %select_n3A_566, %select_n3A_575 : vector<16xi1>, vector<16xi32>
      %ge3A_587 = arith.cmpf oge, %max3A_578, %min3A_569 : vector<16xf32>
      %max3A_588 = arith.maximumf %max3A_578, %min3A_569 : vector<16xf32>
      %min3A_589 = arith.minimumf %max3A_578, %min3A_569 : vector<16xf32>
      %select_n3A_590 = arith.select %ge3A_587, %select_n3A_580, %select_n3A_571 : vector<16xi1>, vector<16xi32>
      %select_n3A_591 = arith.select %ge3A_587, %select_n3A_571, %select_n3A_580 : vector<16xi1>, vector<16xi32>
      %ge3A_592 = arith.cmpf oge, %max3A_568, %max3A_583 : vector<16xf32>
      %max3A_593 = arith.maximumf %max3A_568, %max3A_583 : vector<16xf32>
      %min3A_594 = arith.minimumf %max3A_568, %max3A_583 : vector<16xf32>
      %select_n3A_595 = arith.select %ge3A_592, %select_n3A_570, %select_n3A_585 : vector<16xi1>, vector<16xi32>
      %select_n3A_596 = arith.select %ge3A_592, %select_n3A_585, %select_n3A_570 : vector<16xi1>, vector<16xi32>
      %ge3A_597 = arith.cmpf oge, %max3A_588, %min3A_584 : vector<16xf32>
      %max3A_598 = arith.maximumf %max3A_588, %min3A_584 : vector<16xf32>
      %min3A_599 = arith.minimumf %max3A_588, %min3A_584 : vector<16xf32>
      %select_n3A_600 = arith.select %ge3A_597, %select_n3A_590, %select_n3A_586 : vector<16xi1>, vector<16xi32>
      %select_n3A_601 = arith.select %ge3A_597, %select_n3A_586, %select_n3A_590 : vector<16xi1>, vector<16xi32>
      %ge3A_602 = arith.cmpf oge, %min3A_589, %min3A_574 : vector<16xf32>
      %max3A_603 = arith.maximumf %min3A_589, %min3A_574 : vector<16xf32>
      %min3A_604 = arith.minimumf %min3A_589, %min3A_574 : vector<16xf32>
      %select_n3A_605 = arith.select %ge3A_602, %select_n3A_591, %select_n3A_576 : vector<16xi1>, vector<16xi32>
      %select_n3A_606 = arith.select %ge3A_602, %select_n3A_576, %select_n3A_591 : vector<16xi1>, vector<16xi32>
      %get3A_607 = arith.constant 32 : i32
      %get3A_608 = arith.index_cast %get3A_607 : i32 to index
      %get3A_609 = arith.index_cast %mul3A_8 : i32 to index
      %get3A_610 = tpu.vector_load %arg5[%get3A_608, %get3A_609] {strides = array<i32>} : memref<64x256xf32, #tpu.memory_space<vmem>>, vector<1x16xf32>,
      %get3A_611 = vector.shape_cast %get3A_610 : vector<1x16xf32> to vector<16xf32>
      %get3A_612 = arith.constant 33 : i32
      %get3A_613 = arith.index_cast %get3A_612 : i32 to index
      %get3A_614 = arith.index_cast %mul3A_8 : i32 to index
      %get3A_615 = tpu.vector_load %arg5[%get3A_613, %get3A_614] {strides = array<i32>} : memref<64x256xf32, #tpu.memory_space<vmem>>, vector<1x16xf32>,
      %get3A_616 = vector.shape_cast %get3A_615 : vector<1x16xf32> to vector<16xf32>
      %get3A_617 = arith.constant 34 : i32
      %get3A_618 = arith.index_cast %get3A_617 : i32 to index
      %get3A_619 = arith.index_cast %mul3A_8 : i32 to index
      %get3A_620 = tpu.vector_load %arg5[%get3A_618, %get3A_619] {strides = array<i32>} : memref<64x256xf32, #tpu.memory_space<vmem>>, vector<1x16xf32>,
      %get3A_621 = vector.shape_cast %get3A_620 : vector<1x16xf32> to vector<16xf32>
      %get3A_622 = arith.constant 35 : i32
      %get3A_623 = arith.index_cast %get3A_622 : i32 to index
      %get3A_624 = arith.index_cast %mul3A_8 : i32 to index
      %get3A_625 = tpu.vector_load %arg5[%get3A_623, %get3A_624] {strides = array<i32>} : memref<64x256xf32, #tpu.memory_space<vmem>>, vector<1x16xf32>,
      %get3A_626 = vector.shape_cast %get3A_625 : vector<1x16xf32> to vector<16xf32>
      %get3A_627 = arith.constant 36 : i32
      %get3A_628 = arith.index_cast %get3A_627 : i32 to index
      %get3A_629 = arith.index_cast %mul3A_8 : i32 to index
      %get3A_630 = tpu.vector_load %arg5[%get3A_628, %get3A_629] {strides = array<i32>} : memref<64x256xf32, #tpu.memory_space<vmem>>, vector<1x16xf32>,
      %get3A_631 = vector.shape_cast %get3A_630 : vector<1x16xf32> to vector<16xf32>
      %get3A_632 = arith.constant 37 : i32
      %get3A_633 = arith.index_cast %get3A_632 : i32 to index
      %get3A_634 = arith.index_cast %mul3A_8 : i32 to index
      %get3A_635 = tpu.vector_load %arg5[%get3A_633, %get3A_634] {strides = array<i32>} : memref<64x256xf32, #tpu.memory_space<vmem>>, vector<1x16xf32>,
      %get3A_636 = vector.shape_cast %get3A_635 : vector<1x16xf32> to vector<16xf32>
      %get3A_637 = arith.constant 38 : i32
      %get3A_638 = arith.index_cast %get3A_637 : i32 to index
      %get3A_639 = arith.index_cast %mul3A_8 : i32 to index
      %get3A_640 = tpu.vector_load %arg5[%get3A_638, %get3A_639] {strides = array<i32>} : memref<64x256xf32, #tpu.memory_space<vmem>>, vector<1x16xf32>,
      %get3A_641 = vector.shape_cast %get3A_640 : vector<1x16xf32> to vector<16xf32>
      %get3A_642 = arith.constant 39 : i32
      %get3A_643 = arith.index_cast %get3A_642 : i32 to index
      %get3A_644 = arith.index_cast %mul3A_8 : i32 to index
      %get3A_645 = tpu.vector_load %arg5[%get3A_643, %get3A_644] {strides = array<i32>} : memref<64x256xf32, #tpu.memory_space<vmem>>, vector<1x16xf32>,
      %get3A_646 = vector.shape_cast %get3A_645 : vector<1x16xf32> to vector<16xf32>
      %broadcast_in_dim3A_647 = arith.constant 32 : i32
      %broadcast_in_dim3A_648 = vector.broadcast %broadcast_in_dim3A_647 : i32 to vector<16xi32>
      %broadcast_in_dim3A_649 = arith.constant 33 : i32
      %broadcast_in_dim3A_650 = vector.broadcast %broadcast_in_dim3A_649 : i32 to vector<16xi32>
      %broadcast_in_dim3A_651 = arith.constant 34 : i32
      %broadcast_in_dim3A_652 = vector.broadcast %broadcast_in_dim3A_651 : i32 to vector<16xi32>
      %broadcast_in_dim3A_653 = arith.constant 35 : i32
      %broadcast_in_dim3A_654 = vector.broadcast %broadcast_in_dim3A_653 : i32 to vector<16xi32>
      %broadcast_in_dim3A_655 = arith.constant 36 : i32
      %broadcast_in_dim3A_656 = vector.broadcast %broadcast_in_dim3A_655 : i32 to vector<16xi32>
      %broadcast_in_dim3A_657 = arith.constant 37 : i32
      %broadcast_in_dim3A_658 = vector.broadcast %broadcast_in_dim3A_657 : i32 to vector<16xi32>
      %broadcast_in_dim3A_659 = arith.constant 38 : i32
      %broadcast_in_dim3A_660 = vector.broadcast %broadcast_in_dim3A_659 : i32 to vector<16xi32>
      %broadcast_in_dim3A_661 = arith.constant 39 : i32
      %broadcast_in_dim3A_662 = vector.broadcast %broadcast_in_dim3A_661 : i32 to vector<16xi32>
      %ge3A_663 = arith.cmpf oge, %get3A_611, %get3A_616 : vector<16xf32>
      %max3A_664 = arith.maximumf %get3A_611, %get3A_616 : vector<16xf32>
      %min3A_665 = arith.minimumf %get3A_611, %get3A_616 : vector<16xf32>
      %select_n3A_666 = arith.select %ge3A_663, %broadcast_in_dim3A_648, %broadcast_in_dim3A_650 : vector<16xi1>, vector<16xi32>
      %select_n3A_667 = arith.select %ge3A_663, %broadcast_in_dim3A_650, %broadcast_in_dim3A_648 : vector<16xi1>, vector<16xi32>
      %ge3A_668 = arith.cmpf oge, %get3A_621, %get3A_626 : vector<16xf32>
      %max3A_669 = arith.maximumf %get3A_621, %get3A_626 : vector<16xf32>
      %min3A_670 = arith.minimumf %get3A_621, %get3A_626 : vector<16xf32>
      %select_n3A_671 = arith.select %ge3A_668, %broadcast_in_dim3A_652, %broadcast_in_dim3A_654 : vector<16xi1>, vector<16xi32>
      %select_n3A_672 = arith.select %ge3A_668, %broadcast_in_dim3A_654, %broadcast_in_dim3A_652 : vector<16xi1>, vector<16xi32>
      %ge3A_673 = arith.cmpf oge, %get3A_631, %get3A_636 : vector<16xf32>
      %max3A_674 = arith.maximumf %get3A_631, %get3A_636 : vector<16xf32>
      %min3A_675 = arith.minimumf %get3A_631, %get3A_636 : vector<16xf32>
      %select_n3A_676 = arith.select %ge3A_673, %broadcast_in_dim3A_656, %broadcast_in_dim3A_658 : vector<16xi1>, vector<16xi32>
      %select_n3A_677 = arith.select %ge3A_673, %broadcast_in_dim3A_658, %broadcast_in_dim3A_656 : vector<16xi1>, vector<16xi32>
      %ge3A_678 = arith.cmpf oge, %get3A_641, %get3A_646 : vector<16xf32>
      %max3A_679 = arith.maximumf %get3A_641, %get3A_646 : vector<16xf32>
      %min3A_680 = arith.minimumf %get3A_641, %get3A_646 : vector<16xf32>
      %select_n3A_681 = arith.select %ge3A_678, %broadcast_in_dim3A_660, %broadcast_in_dim3A_662 : vector<16xi1>, vector<16xi32>
      %select_n3A_682 = arith.select %ge3A_678, %broadcast_in_dim3A_662, %broadcast_in_dim3A_660 : vector<16xi1>, vector<16xi32>
      %ge3A_683 = arith.cmpf oge, %max3A_664, %max3A_669 : vector<16xf32>
      %max3A_684 = arith.maximumf %max3A_664, %max3A_669 : vector<16xf32>
      %min3A_685 = arith.minimumf %max3A_664, %max3A_669 : vector<16xf32>
      %select_n3A_686 = arith.select %ge3A_683, %select_n3A_666, %select_n3A_671 : vector<16xi1>, vector<16xi32>
      %select_n3A_687 = arith.select %ge3A_683, %select_n3A_671, %select_n3A_666 : vector<16xi1>, vector<16xi32>
      %ge3A_688 = arith.cmpf oge, %min3A_665, %min3A_670 : vector<16xf32>
      %max3A_689 = arith.maximumf %min3A_665, %min3A_670 : vector<16xf32>
      %min3A_690 = arith.minimumf %min3A_665, %min3A_670 : vector<16xf32>
      %select_n3A_691 = arith.select %ge3A_688, %select_n3A_667, %select_n3A_672 : vector<16xi1>, vector<16xi32>
      %select_n3A_692 = arith.select %ge3A_688, %select_n3A_672, %select_n3A_667 : vector<16xi1>, vector<16xi32>
      %ge3A_693 = arith.cmpf oge, %max3A_674, %max3A_679 : vector<16xf32>
      %max3A_694 = arith.maximumf %max3A_674, %max3A_679 : vector<16xf32>
      %min3A_695 = arith.minimumf %max3A_674, %max3A_679 : vector<16xf32>
      %select_n3A_696 = arith.select %ge3A_693, %select_n3A_676, %select_n3A_681 : vector<16xi1>, vector<16xi32>
      %select_n3A_697 = arith.select %ge3A_693, %select_n3A_681, %select_n3A_676 : vector<16xi1>, vector<16xi32>
      %ge3A_698 = arith.cmpf oge, %min3A_675, %min3A_680 : vector<16xf32>
      %max3A_699 = arith.maximumf %min3A_675, %min3A_680 : vector<16xf32>
      %min3A_700 = arith.minimumf %min3A_675, %min3A_680 : vector<16xf32>
      %select_n3A_701 = arith.select %ge3A_698, %select_n3A_677, %select_n3A_682 : vector<16xi1>, vector<16xi32>
      %select_n3A_702 = arith.select %ge3A_698, %select_n3A_682, %select_n3A_677 : vector<16xi1>, vector<16xi32>
      %ge3A_703 = arith.cmpf oge, %max3A_689, %min3A_685 : vector<16xf32>
      %max3A_704 = arith.maximumf %max3A_689, %min3A_685 : vector<16xf32>
      %min3A_705 = arith.minimumf %max3A_689, %min3A_685 : vector<16xf32>
      %select_n3A_706 = arith.select %ge3A_703, %select_n3A_691, %select_n3A_687 : vector<16xi1>, vector<16xi32>
      %select_n3A_707 = arith.select %ge3A_703, %select_n3A_687, %select_n3A_691 : vector<16xi1>, vector<16xi32>
      %ge3A_708 = arith.cmpf oge, %max3A_699, %min3A_695 : vector<16xf32>
      %max3A_709 = arith.maximumf %max3A_699, %min3A_695 : vector<16xf32>
      %min3A_710 = arith.minimumf %max3A_699, %min3A_695 : vector<16xf32>
      %select_n3A_711 = arith.select %ge3A_708, %select_n3A_701, %select_n3A_697 : vector<16xi1>, vector<16xi32>
      %select_n3A_712 = arith.select %ge3A_708, %select_n3A_697, %select_n3A_701 : vector<16xi1>, vector<16xi32>
      %ge3A_713 = arith.cmpf oge, %max3A_684, %max3A_694 : vector<16xf32>
      %max3A_714 = arith.maximumf %max3A_684, %max3A_694 : vector<16xf32>
      %min3A_715 = arith.minimumf %max3A_684, %max3A_694 : vector<16xf32>
      %select_n3A_716 = arith.select %ge3A_713, %select_n3A_686, %select_n3A_696 : vector<16xi1>, vector<16xi32>
      %select_n3A_717 = arith.select %ge3A_713, %select_n3A_696, %select_n3A_686 : vector<16xi1>, vector<16xi32>
      %ge3A_718 = arith.cmpf oge, %max3A_704, %max3A_709 : vector<16xf32>
      %max3A_719 = arith.maximumf %max3A_704, %max3A_709 : vector<16xf32>
      %min3A_720 = arith.minimumf %max3A_704, %max3A_709 : vector<16xf32>
      %select_n3A_721 = arith.select %ge3A_718, %select_n3A_706, %select_n3A_711 : vector<16xi1>, vector<16xi32>
      %select_n3A_722 = arith.select %ge3A_718, %select_n3A_711, %select_n3A_706 : vector<16xi1>, vector<16xi32>
      %ge3A_723 = arith.cmpf oge, %min3A_705, %min3A_710 : vector<16xf32>
      %max3A_724 = arith.maximumf %min3A_705, %min3A_710 : vector<16xf32>
      %min3A_725 = arith.minimumf %min3A_705, %min3A_710 : vector<16xf32>
      %select_n3A_726 = arith.select %ge3A_723, %select_n3A_707, %select_n3A_712 : vector<16xi1>, vector<16xi32>
      %select_n3A_727 = arith.select %ge3A_723, %select_n3A_712, %select_n3A_707 : vector<16xi1>, vector<16xi32>
      %ge3A_728 = arith.cmpf oge, %min3A_690, %min3A_700 : vector<16xf32>
      %max3A_729 = arith.maximumf %min3A_690, %min3A_700 : vector<16xf32>
      %min3A_730 = arith.minimumf %min3A_690, %min3A_700 : vector<16xf32>
      %select_n3A_731 = arith.select %ge3A_728, %select_n3A_692, %select_n3A_702 : vector<16xi1>, vector<16xi32>
      %select_n3A_732 = arith.select %ge3A_728, %select_n3A_702, %select_n3A_692 : vector<16xi1>, vector<16xi32>
      %ge3A_733 = arith.cmpf oge, %max3A_724, %min3A_715 : vector<16xf32>
      %max3A_734 = arith.maximumf %max3A_724, %min3A_715 : vector<16xf32>
      %min3A_735 = arith.minimumf %max3A_724, %min3A_715 : vector<16xf32>
      %select_n3A_736 = arith.select %ge3A_733, %select_n3A_726, %select_n3A_717 : vector<16xi1>, vector<16xi32>
      %select_n3A_737 = arith.select %ge3A_733, %select_n3A_717, %select_n3A_726 : vector<16xi1>, vector<16xi32>
      %ge3A_738 = arith.cmpf oge, %max3A_729, %min3A_720 : vector<16xf32>
      %max3A_739 = arith.maximumf %max3A_729, %min3A_720 : vector<16xf32>
      %min3A_740 = arith.minimumf %max3A_729, %min3A_720 : vector<16xf32>
      %select_n3A_741 = arith.select %ge3A_738, %select_n3A_731, %select_n3A_722 : vector<16xi1>, vector<16xi32>
      %select_n3A_742 = arith.select %ge3A_738, %select_n3A_722, %select_n3A_731 : vector<16xi1>, vector<16xi32>
      %ge3A_743 = arith.cmpf oge, %max3A_719, %max3A_734 : vector<16xf32>
      %max3A_744 = arith.maximumf %max3A_719, %max3A_734 : vector<16xf32>
      %min3A_745 = arith.minimumf %max3A_719, %max3A_734 : vector<16xf32>
      %select_n3A_746 = arith.select %ge3A_743, %select_n3A_721, %select_n3A_736 : vector<16xi1>, vector<16xi32>
      %select_n3A_747 = arith.select %ge3A_743, %select_n3A_736, %select_n3A_721 : vector<16xi1>, vector<16xi32>
      %ge3A_748 = arith.cmpf oge, %max3A_739, %min3A_735 : vector<16xf32>
      %max3A_749 = arith.maximumf %max3A_739, %min3A_735 : vector<16xf32>
      %min3A_750 = arith.minimumf %max3A_739, %min3A_735 : vector<16xf32>
      %select_n3A_751 = arith.select %ge3A_748, %select_n3A_741, %select_n3A_737 : vector<16xi1>, vector<16xi32>
      %select_n3A_752 = arith.select %ge3A_748, %select_n3A_737, %select_n3A_741 : vector<16xi1>, vector<16xi32>
      %ge3A_753 = arith.cmpf oge, %min3A_740, %min3A_725 : vector<16xf32>
      %max3A_754 = arith.maximumf %min3A_740, %min3A_725 : vector<16xf32>
      %min3A_755 = arith.minimumf %min3A_740, %min3A_725 : vector<16xf32>
      %select_n3A_756 = arith.select %ge3A_753, %select_n3A_742, %select_n3A_727 : vector<16xi1>, vector<16xi32>
      %select_n3A_757 = arith.select %ge3A_753, %select_n3A_727, %select_n3A_742 : vector<16xi1>, vector<16xi32>
      %get3A_758 = arith.constant 40 : i32
      %get3A_759 = arith.index_cast %get3A_758 : i32 to index
      %get3A_760 = arith.index_cast %mul3A_8 : i32 to index
      %get3A_761 = tpu.vector_load %arg5[%get3A_759, %get3A_760] {strides = array<i32>} : memref<64x256xf32, #tpu.memory_space<vmem>>, vector<1x16xf32>,
      %get3A_762 = vector.shape_cast %get3A_761 : vector<1x16xf32> to vector<16xf32>
      %get3A_763 = arith.constant 41 : i32
      %get3A_764 = arith.index_cast %get3A_763 : i32 to index
      %get3A_765 = arith.index_cast %mul3A_8 : i32 to index
      %get3A_766 = tpu.vector_load %arg5[%get3A_764, %get3A_765] {strides = array<i32>} : memref<64x256xf32, #tpu.memory_space<vmem>>, vector<1x16xf32>,
      %get3A_767 = vector.shape_cast %get3A_766 : vector<1x16xf32> to vector<16xf32>
      %get3A_768 = arith.constant 42 : i32
      %get3A_769 = arith.index_cast %get3A_768 : i32 to index
      %get3A_770 = arith.index_cast %mul3A_8 : i32 to index
      %get3A_771 = tpu.vector_load %arg5[%get3A_769, %get3A_770] {strides = array<i32>} : memref<64x256xf32, #tpu.memory_space<vmem>>, vector<1x16xf32>,
      %get3A_772 = vector.shape_cast %get3A_771 : vector<1x16xf32> to vector<16xf32>
      %get3A_773 = arith.constant 43 : i32
      %get3A_774 = arith.index_cast %get3A_773 : i32 to index
      %get3A_775 = arith.index_cast %mul3A_8 : i32 to index
      %get3A_776 = tpu.vector_load %arg5[%get3A_774, %get3A_775] {strides = array<i32>} : memref<64x256xf32, #tpu.memory_space<vmem>>, vector<1x16xf32>,
      %get3A_777 = vector.shape_cast %get3A_776 : vector<1x16xf32> to vector<16xf32>
      %get3A_778 = arith.constant 44 : i32
      %get3A_779 = arith.index_cast %get3A_778 : i32 to index
      %get3A_780 = arith.index_cast %mul3A_8 : i32 to index
      %get3A_781 = tpu.vector_load %arg5[%get3A_779, %get3A_780] {strides = array<i32>} : memref<64x256xf32, #tpu.memory_space<vmem>>, vector<1x16xf32>,
      %get3A_782 = vector.shape_cast %get3A_781 : vector<1x16xf32> to vector<16xf32>
      %get3A_783 = arith.constant 45 : i32
      %get3A_784 = arith.index_cast %get3A_783 : i32 to index
      %get3A_785 = arith.index_cast %mul3A_8 : i32 to index
      %get3A_786 = tpu.vector_load %arg5[%get3A_784, %get3A_785] {strides = array<i32>} : memref<64x256xf32, #tpu.memory_space<vmem>>, vector<1x16xf32>,
      %get3A_787 = vector.shape_cast %get3A_786 : vector<1x16xf32> to vector<16xf32>
      %get3A_788 = arith.constant 46 : i32
      %get3A_789 = arith.index_cast %get3A_788 : i32 to index
      %get3A_790 = arith.index_cast %mul3A_8 : i32 to index
      %get3A_791 = tpu.vector_load %arg5[%get3A_789, %get3A_790] {strides = array<i32>} : memref<64x256xf32, #tpu.memory_space<vmem>>, vector<1x16xf32>,
      %get3A_792 = vector.shape_cast %get3A_791 : vector<1x16xf32> to vector<16xf32>
      %get3A_793 = arith.constant 47 : i32
      %get3A_794 = arith.index_cast %get3A_793 : i32 to index
      %get3A_795 = arith.index_cast %mul3A_8 : i32 to index
      %get3A_796 = tpu.vector_load %arg5[%get3A_794, %get3A_795] {strides = array<i32>} : memref<64x256xf32, #tpu.memory_space<vmem>>, vector<1x16xf32>,
      %get3A_797 = vector.shape_cast %get3A_796 : vector<1x16xf32> to vector<16xf32>
      %broadcast_in_dim3A_798 = arith.constant 40 : i32
      %broadcast_in_dim3A_799 = vector.broadcast %broadcast_in_dim3A_798 : i32 to vector<16xi32>
      %broadcast_in_dim3A_800 = arith.constant 41 : i32
      %broadcast_in_dim3A_801 = vector.broadcast %broadcast_in_dim3A_800 : i32 to vector<16xi32>
      %broadcast_in_dim3A_802 = arith.constant 42 : i32
      %broadcast_in_dim3A_803 = vector.broadcast %broadcast_in_dim3A_802 : i32 to vector<16xi32>
      %broadcast_in_dim3A_804 = arith.constant 43 : i32
      %broadcast_in_dim3A_805 = vector.broadcast %broadcast_in_dim3A_804 : i32 to vector<16xi32>
      %broadcast_in_dim3A_806 = arith.constant 44 : i32
      %broadcast_in_dim3A_807 = vector.broadcast %broadcast_in_dim3A_806 : i32 to vector<16xi32>
      %broadcast_in_dim3A_808 = arith.constant 45 : i32
      %broadcast_in_dim3A_809 = vector.broadcast %broadcast_in_dim3A_808 : i32 to vector<16xi32>
      %broadcast_in_dim3A_810 = arith.constant 46 : i32
      %broadcast_in_dim3A_811 = vector.broadcast %broadcast_in_dim3A_810 : i32 to vector<16xi32>
      %broadcast_in_dim3A_812 = arith.constant 47 : i32
      %broadcast_in_dim3A_813 = vector.broadcast %broadcast_in_dim3A_812 : i32 to vector<16xi32>
      %ge3A_814 = arith.cmpf oge, %get3A_762, %get3A_767 : vector<16xf32>
      %max3A_815 = arith.maximumf %get3A_762, %get3A_767 : vector<16xf32>
      %min3A_816 = arith.minimumf %get3A_762, %get3A_767 : vector<16xf32>
      %select_n3A_817 = arith.select %ge3A_814, %broadcast_in_dim3A_799, %broadcast_in_dim3A_801 : vector<16xi1>, vector<16xi32>
      %select_n3A_818 = arith.select %ge3A_814, %broadcast_in_dim3A_801, %broadcast_in_dim3A_799 : vector<16xi1>, vector<16xi32>
      %ge3A_819 = arith.cmpf oge, %get3A_772, %get3A_777 : vector<16xf32>
      %max3A_820 = arith.maximumf %get3A_772, %get3A_777 : vector<16xf32>
      %min3A_821 = arith.minimumf %get3A_772, %get3A_777 : vector<16xf32>
      %select_n3A_822 = arith.select %ge3A_819, %broadcast_in_dim3A_803, %broadcast_in_dim3A_805 : vector<16xi1>, vector<16xi32>
      %select_n3A_823 = arith.select %ge3A_819, %broadcast_in_dim3A_805, %broadcast_in_dim3A_803 : vector<16xi1>, vector<16xi32>
      %ge3A_824 = arith.cmpf oge, %get3A_782, %get3A_787 : vector<16xf32>
      %max3A_825 = arith.maximumf %get3A_782, %get3A_787 : vector<16xf32>
      %min3A_826 = arith.minimumf %get3A_782, %get3A_787 : vector<16xf32>
      %select_n3A_827 = arith.select %ge3A_824, %broadcast_in_dim3A_807, %broadcast_in_dim3A_809 : vector<16xi1>, vector<16xi32>
      %select_n3A_828 = arith.select %ge3A_824, %broadcast_in_dim3A_809, %broadcast_in_dim3A_807 : vector<16xi1>, vector<16xi32>
      %ge3A_829 = arith.cmpf oge, %get3A_792, %get3A_797 : vector<16xf32>
      %max3A_830 = arith.maximumf %get3A_792, %get3A_797 : vector<16xf32>
      %min3A_831 = arith.minimumf %get3A_792, %get3A_797 : vector<16xf32>
      %select_n3A_832 = arith.select %ge3A_829, %broadcast_in_dim3A_811, %broadcast_in_dim3A_813 : vector<16xi1>, vector<16xi32>
      %select_n3A_833 = arith.select %ge3A_829, %broadcast_in_dim3A_813, %broadcast_in_dim3A_811 : vector<16xi1>, vector<16xi32>
      %ge3A_834 = arith.cmpf oge, %max3A_815, %max3A_820 : vector<16xf32>
      %max3A_835 = arith.maximumf %max3A_815, %max3A_820 : vector<16xf32>
      %min3A_836 = arith.minimumf %max3A_815, %max3A_820 : vector<16xf32>
      %select_n3A_837 = arith.select %ge3A_834, %select_n3A_817, %select_n3A_822 : vector<16xi1>, vector<16xi32>
      %select_n3A_838 = arith.select %ge3A_834, %select_n3A_822, %select_n3A_817 : vector<16xi1>, vector<16xi32>
      %ge3A_839 = arith.cmpf oge, %min3A_816, %min3A_821 : vector<16xf32>
      %max3A_840 = arith.maximumf %min3A_816, %min3A_821 : vector<16xf32>
      %min3A_841 = arith.minimumf %min3A_816, %min3A_821 : vector<16xf32>
      %select_n3A_842 = arith.select %ge3A_839, %select_n3A_818, %select_n3A_823 : vector<16xi1>, vector<16xi32>
      %select_n3A_843 = arith.select %ge3A_839, %select_n3A_823, %select_n3A_818 : vector<16xi1>, vector<16xi32>
      %ge3A_844 = arith.cmpf oge, %max3A_825, %max3A_830 : vector<16xf32>
      %max3A_845 = arith.maximumf %max3A_825, %max3A_830 : vector<16xf32>
      %min3A_846 = arith.minimumf %max3A_825, %max3A_830 : vector<16xf32>
      %select_n3A_847 = arith.select %ge3A_844, %select_n3A_827, %select_n3A_832 : vector<16xi1>, vector<16xi32>
      %select_n3A_848 = arith.select %ge3A_844, %select_n3A_832, %select_n3A_827 : vector<16xi1>, vector<16xi32>
      %ge3A_849 = arith.cmpf oge, %min3A_826, %min3A_831 : vector<16xf32>
      %max3A_850 = arith.maximumf %min3A_826, %min3A_831 : vector<16xf32>
      %min3A_851 = arith.minimumf %min3A_826, %min3A_831 : vector<16xf32>
      %select_n3A_852 = arith.select %ge3A_849, %select_n3A_828, %select_n3A_833 : vector<16xi1>, vector<16xi32>
      %select_n3A_853 = arith.select %ge3A_849, %select_n3A_833, %select_n3A_828 : vector<16xi1>, vector<16xi32>
      %ge3A_854 = arith.cmpf oge, %max3A_840, %min3A_836 : vector<16xf32>
      %max3A_855 = arith.maximumf %max3A_840, %min3A_836 : vector<16xf32>
      %min3A_856 = arith.minimumf %max3A_840, %min3A_836 : vector<16xf32>
      %select_n3A_857 = arith.select %ge3A_854, %select_n3A_842, %select_n3A_838 : vector<16xi1>, vector<16xi32>
      %select_n3A_858 = arith.select %ge3A_854, %select_n3A_838, %select_n3A_842 : vector<16xi1>, vector<16xi32>
      %ge3A_859 = arith.cmpf oge, %max3A_850, %min3A_846 : vector<16xf32>
      %max3A_860 = arith.maximumf %max3A_850, %min3A_846 : vector<16xf32>
      %min3A_861 = arith.minimumf %max3A_850, %min3A_846 : vector<16xf32>
      %select_n3A_862 = arith.select %ge3A_859, %select_n3A_852, %select_n3A_848 : vector<16xi1>, vector<16xi32>
      %select_n3A_863 = arith.select %ge3A_859, %select_n3A_848, %select_n3A_852 : vector<16xi1>, vector<16xi32>
      %ge3A_864 = arith.cmpf oge, %max3A_835, %max3A_845 : vector<16xf32>
      %max3A_865 = arith.maximumf %max3A_835, %max3A_845 : vector<16xf32>
      %min3A_866 = arith.minimumf %max3A_835, %max3A_845 : vector<16xf32>
      %select_n3A_867 = arith.select %ge3A_864, %select_n3A_837, %select_n3A_847 : vector<16xi1>, vector<16xi32>
      %select_n3A_868 = arith.select %ge3A_864, %select_n3A_847, %select_n3A_837 : vector<16xi1>, vector<16xi32>
      %ge3A_869 = arith.cmpf oge, %max3A_855, %max3A_860 : vector<16xf32>
      %max3A_870 = arith.maximumf %max3A_855, %max3A_860 : vector<16xf32>
      %min3A_871 = arith.minimumf %max3A_855, %max3A_860 : vector<16xf32>
      %select_n3A_872 = arith.select %ge3A_869, %select_n3A_857, %select_n3A_862 : vector<16xi1>, vector<16xi32>
      %select_n3A_873 = arith.select %ge3A_869, %select_n3A_862, %select_n3A_857 : vector<16xi1>, vector<16xi32>
      %ge3A_874 = arith.cmpf oge, %min3A_856, %min3A_861 : vector<16xf32>
      %max3A_875 = arith.maximumf %min3A_856, %min3A_861 : vector<16xf32>
      %min3A_876 = arith.minimumf %min3A_856, %min3A_861 : vector<16xf32>
      %select_n3A_877 = arith.select %ge3A_874, %select_n3A_858, %select_n3A_863 : vector<16xi1>, vector<16xi32>
      %select_n3A_878 = arith.select %ge3A_874, %select_n3A_863, %select_n3A_858 : vector<16xi1>, vector<16xi32>
      %ge3A_879 = arith.cmpf oge, %min3A_841, %min3A_851 : vector<16xf32>
      %max3A_880 = arith.maximumf %min3A_841, %min3A_851 : vector<16xf32>
      %min3A_881 = arith.minimumf %min3A_841, %min3A_851 : vector<16xf32>
      %select_n3A_882 = arith.select %ge3A_879, %select_n3A_843, %select_n3A_853 : vector<16xi1>, vector<16xi32>
      %select_n3A_883 = arith.select %ge3A_879, %select_n3A_853, %select_n3A_843 : vector<16xi1>, vector<16xi32>
      %ge3A_884 = arith.cmpf oge, %max3A_875, %min3A_866 : vector<16xf32>
      %max3A_885 = arith.maximumf %max3A_875, %min3A_866 : vector<16xf32>
      %min3A_886 = arith.minimumf %max3A_875, %min3A_866 : vector<16xf32>
      %select_n3A_887 = arith.select %ge3A_884, %select_n3A_877, %select_n3A_868 : vector<16xi1>, vector<16xi32>
      %select_n3A_888 = arith.select %ge3A_884, %select_n3A_868, %select_n3A_877 : vector<16xi1>, vector<16xi32>
      %ge3A_889 = arith.cmpf oge, %max3A_880, %min3A_871 : vector<16xf32>
      %max3A_890 = arith.maximumf %max3A_880, %min3A_871 : vector<16xf32>
      %min3A_891 = arith.minimumf %max3A_880, %min3A_871 : vector<16xf32>
      %select_n3A_892 = arith.select %ge3A_889, %select_n3A_882, %select_n3A_873 : vector<16xi1>, vector<16xi32>
      %select_n3A_893 = arith.select %ge3A_889, %select_n3A_873, %select_n3A_882 : vector<16xi1>, vector<16xi32>
      %ge3A_894 = arith.cmpf oge, %max3A_870, %max3A_885 : vector<16xf32>
      %max3A_895 = arith.maximumf %max3A_870, %max3A_885 : vector<16xf32>
      %min3A_896 = arith.minimumf %max3A_870, %max3A_885 : vector<16xf32>
      %select_n3A_897 = arith.select %ge3A_894, %select_n3A_872, %select_n3A_887 : vector<16xi1>, vector<16xi32>
      %select_n3A_898 = arith.select %ge3A_894, %select_n3A_887, %select_n3A_872 : vector<16xi1>, vector<16xi32>
      %ge3A_899 = arith.cmpf oge, %max3A_890, %min3A_886 : vector<16xf32>
      %max3A_900 = arith.maximumf %max3A_890, %min3A_886 : vector<16xf32>
      %min3A_901 = arith.minimumf %max3A_890, %min3A_886 : vector<16xf32>
      %select_n3A_902 = arith.select %ge3A_899, %select_n3A_892, %select_n3A_888 : vector<16xi1>, vector<16xi32>
      %select_n3A_903 = arith.select %ge3A_899, %select_n3A_888, %select_n3A_892 : vector<16xi1>, vector<16xi32>
      %ge3A_904 = arith.cmpf oge, %min3A_891, %min3A_876 : vector<16xf32>
      %max3A_905 = arith.maximumf %min3A_891, %min3A_876 : vector<16xf32>
      %min3A_906 = arith.minimumf %min3A_891, %min3A_876 : vector<16xf32>
      %select_n3A_907 = arith.select %ge3A_904, %select_n3A_893, %select_n3A_878 : vector<16xi1>, vector<16xi32>
      %select_n3A_908 = arith.select %ge3A_904, %select_n3A_878, %select_n3A_893 : vector<16xi1>, vector<16xi32>
      %get3A_909 = arith.constant 48 : i32
      %get3A_910 = arith.index_cast %get3A_909 : i32 to index
      %get3A_911 = arith.index_cast %mul3A_8 : i32 to index
      %get3A_912 = tpu.vector_load %arg5[%get3A_910, %get3A_911] {strides = array<i32>} : memref<64x256xf32, #tpu.memory_space<vmem>>, vector<1x16xf32>,
      %get3A_913 = vector.shape_cast %get3A_912 : vector<1x16xf32> to vector<16xf32>
      %get3A_914 = arith.constant 49 : i32
      %get3A_915 = arith.index_cast %get3A_914 : i32 to index
      %get3A_916 = arith.index_cast %mul3A_8 : i32 to index
      %get3A_917 = tpu.vector_load %arg5[%get3A_915, %get3A_916] {strides = array<i32>} : memref<64x256xf32, #tpu.memory_space<vmem>>, vector<1x16xf32>,
      %get3A_918 = vector.shape_cast %get3A_917 : vector<1x16xf32> to vector<16xf32>
      %get3A_919 = arith.constant 50 : i32
      %get3A_920 = arith.index_cast %get3A_919 : i32 to index
      %get3A_921 = arith.index_cast %mul3A_8 : i32 to index
      %get3A_922 = tpu.vector_load %arg5[%get3A_920, %get3A_921] {strides = array<i32>} : memref<64x256xf32, #tpu.memory_space<vmem>>, vector<1x16xf32>,
      %get3A_923 = vector.shape_cast %get3A_922 : vector<1x16xf32> to vector<16xf32>
      %get3A_924 = arith.constant 51 : i32
      %get3A_925 = arith.index_cast %get3A_924 : i32 to index
      %get3A_926 = arith.index_cast %mul3A_8 : i32 to index
      %get3A_927 = tpu.vector_load %arg5[%get3A_925, %get3A_926] {strides = array<i32>} : memref<64x256xf32, #tpu.memory_space<vmem>>, vector<1x16xf32>,
      %get3A_928 = vector.shape_cast %get3A_927 : vector<1x16xf32> to vector<16xf32>
      %get3A_929 = arith.constant 52 : i32
      %get3A_930 = arith.index_cast %get3A_929 : i32 to index
      %get3A_931 = arith.index_cast %mul3A_8 : i32 to index
      %get3A_932 = tpu.vector_load %arg5[%get3A_930, %get3A_931] {strides = array<i32>} : memref<64x256xf32, #tpu.memory_space<vmem>>, vector<1x16xf32>,
      %get3A_933 = vector.shape_cast %get3A_932 : vector<1x16xf32> to vector<16xf32>
      %get3A_934 = arith.constant 53 : i32
      %get3A_935 = arith.index_cast %get3A_934 : i32 to index
      %get3A_936 = arith.index_cast %mul3A_8 : i32 to index
      %get3A_937 = tpu.vector_load %arg5[%get3A_935, %get3A_936] {strides = array<i32>} : memref<64x256xf32, #tpu.memory_space<vmem>>, vector<1x16xf32>,
      %get3A_938 = vector.shape_cast %get3A_937 : vector<1x16xf32> to vector<16xf32>
      %get3A_939 = arith.constant 54 : i32
      %get3A_940 = arith.index_cast %get3A_939 : i32 to index
      %get3A_941 = arith.index_cast %mul3A_8 : i32 to index
      %get3A_942 = tpu.vector_load %arg5[%get3A_940, %get3A_941] {strides = array<i32>} : memref<64x256xf32, #tpu.memory_space<vmem>>, vector<1x16xf32>,
      %get3A_943 = vector.shape_cast %get3A_942 : vector<1x16xf32> to vector<16xf32>
      %get3A_944 = arith.constant 55 : i32
      %get3A_945 = arith.index_cast %get3A_944 : i32 to index
      %get3A_946 = arith.index_cast %mul3A_8 : i32 to index
      %get3A_947 = tpu.vector_load %arg5[%get3A_945, %get3A_946] {strides = array<i32>} : memref<64x256xf32, #tpu.memory_space<vmem>>, vector<1x16xf32>,
      %get3A_948 = vector.shape_cast %get3A_947 : vector<1x16xf32> to vector<16xf32>
      %broadcast_in_dim3A_949 = arith.constant 48 : i32
      %broadcast_in_dim3A_950 = vector.broadcast %broadcast_in_dim3A_949 : i32 to vector<16xi32>
      %broadcast_in_dim3A_951 = arith.constant 49 : i32
      %broadcast_in_dim3A_952 = vector.broadcast %broadcast_in_dim3A_951 : i32 to vector<16xi32>
      %broadcast_in_dim3A_953 = arith.constant 50 : i32
      %broadcast_in_dim3A_954 = vector.broadcast %broadcast_in_dim3A_953 : i32 to vector<16xi32>
      %broadcast_in_dim3A_955 = arith.constant 51 : i32
      %broadcast_in_dim3A_956 = vector.broadcast %broadcast_in_dim3A_955 : i32 to vector<16xi32>
      %broadcast_in_dim3A_957 = arith.constant 52 : i32
      %broadcast_in_dim3A_958 = vector.broadcast %broadcast_in_dim3A_957 : i32 to vector<16xi32>
      %broadcast_in_dim3A_959 = arith.constant 53 : i32
      %broadcast_in_dim3A_960 = vector.broadcast %broadcast_in_dim3A_959 : i32 to vector<16xi32>
      %broadcast_in_dim3A_961 = arith.constant 54 : i32
      %broadcast_in_dim3A_962 = vector.broadcast %broadcast_in_dim3A_961 : i32 to vector<16xi32>
      %broadcast_in_dim3A_963 = arith.constant 55 : i32
      %broadcast_in_dim3A_964 = vector.broadcast %broadcast_in_dim3A_963 : i32 to vector<16xi32>
      %ge3A_965 = arith.cmpf oge, %get3A_913, %get3A_918 : vector<16xf32>
      %max3A_966 = arith.maximumf %get3A_913, %get3A_918 : vector<16xf32>
      %min3A_967 = arith.minimumf %get3A_913, %get3A_918 : vector<16xf32>
      %select_n3A_968 = arith.select %ge3A_965, %broadcast_in_dim3A_950, %broadcast_in_dim3A_952 : vector<16xi1>, vector<16xi32>
      %select_n3A_969 = arith.select %ge3A_965, %broadcast_in_dim3A_952, %broadcast_in_dim3A_950 : vector<16xi1>, vector<16xi32>
      %ge3A_970 = arith.cmpf oge, %get3A_923, %get3A_928 : vector<16xf32>
      %max3A_971 = arith.maximumf %get3A_923, %get3A_928 : vector<16xf32>
      %min3A_972 = arith.minimumf %get3A_923, %get3A_928 : vector<16xf32>
      %select_n3A_973 = arith.select %ge3A_970, %broadcast_in_dim3A_954, %broadcast_in_dim3A_956 : vector<16xi1>, vector<16xi32>
      %select_n3A_974 = arith.select %ge3A_970, %broadcast_in_dim3A_956, %broadcast_in_dim3A_954 : vector<16xi1>, vector<16xi32>
      %ge3A_975 = arith.cmpf oge, %get3A_933, %get3A_938 : vector<16xf32>
      %max3A_976 = arith.maximumf %get3A_933, %get3A_938 : vector<16xf32>
      %min3A_977 = arith.minimumf %get3A_933, %get3A_938 : vector<16xf32>
      %select_n3A_978 = arith.select %ge3A_975, %broadcast_in_dim3A_958, %broadcast_in_dim3A_960 : vector<16xi1>, vector<16xi32>
      %select_n3A_979 = arith.select %ge3A_975, %broadcast_in_dim3A_960, %broadcast_in_dim3A_958 : vector<16xi1>, vector<16xi32>
      %ge3A_980 = arith.cmpf oge, %get3A_943, %get3A_948 : vector<16xf32>
      %max3A_981 = arith.maximumf %get3A_943, %get3A_948 : vector<16xf32>
      %min3A_982 = arith.minimumf %get3A_943, %get3A_948 : vector<16xf32>
      %select_n3A_983 = arith.select %ge3A_980, %broadcast_in_dim3A_962, %broadcast_in_dim3A_964 : vector<16xi1>, vector<16xi32>
      %select_n3A_984 = arith.select %ge3A_980, %broadcast_in_dim3A_964, %broadcast_in_dim3A_962 : vector<16xi1>, vector<16xi32>
      %ge3A_985 = arith.cmpf oge, %max3A_966, %max3A_971 : vector<16xf32>
      %max3A_986 = arith.maximumf %max3A_966, %max3A_971 : vector<16xf32>
      %min3A_987 = arith.minimumf %max3A_966, %max3A_971 : vector<16xf32>
      %select_n3A_988 = arith.select %ge3A_985, %select_n3A_968, %select_n3A_973 : vector<16xi1>, vector<16xi32>
      %select_n3A_989 = arith.select %ge3A_985, %select_n3A_973, %select_n3A_968 : vector<16xi1>, vector<16xi32>
      %ge3A_990 = arith.cmpf oge, %min3A_967, %min3A_972 : vector<16xf32>
      %max3A_991 = arith.maximumf %min3A_967, %min3A_972 : vector<16xf32>
      %min3A_992 = arith.minimumf %min3A_967, %min3A_972 : vector<16xf32>
      %select_n3A_993 = arith.select %ge3A_990, %select_n3A_969, %select_n3A_974 : vector<16xi1>, vector<16xi32>
      %select_n3A_994 = arith.select %ge3A_990, %select_n3A_974, %select_n3A_969 : vector<16xi1>, vector<16xi32>
      %ge3A_995 = arith.cmpf oge, %max3A_976, %max3A_981 : vector<16xf32>
      %max3A_996 = arith.maximumf %max3A_976, %max3A_981 : vector<16xf32>
      %min3A_997 = arith.minimumf %max3A_976, %max3A_981 : vector<16xf32>
      %select_n3A_998 = arith.select %ge3A_995, %select_n3A_978, %select_n3A_983 : vector<16xi1>, vector<16xi32>
      %select_n3A_999 = arith.select %ge3A_995, %select_n3A_983, %select_n3A_978 : vector<16xi1>, vector<16xi32>
      %ge3A_1000 = arith.cmpf oge, %min3A_977, %min3A_982 : vector<16xf32>
      %max3A_1001 = arith.maximumf %min3A_977, %min3A_982 : vector<16xf32>
      %min3A_1002 = arith.minimumf %min3A_977, %min3A_982 : vector<16xf32>
      %select_n3A_1003 = arith.select %ge3A_1000, %select_n3A_979, %select_n3A_984 : vector<16xi1>, vector<16xi32>
      %select_n3A_1004 = arith.select %ge3A_1000, %select_n3A_984, %select_n3A_979 : vector<16xi1>, vector<16xi32>
      %ge3A_1005 = arith.cmpf oge, %max3A_991, %min3A_987 : vector<16xf32>
      %max3A_1006 = arith.maximumf %max3A_991, %min3A_987 : vector<16xf32>
      %min3A_1007 = arith.minimumf %max3A_991, %min3A_987 : vector<16xf32>
      %select_n3A_1008 = arith.select %ge3A_1005, %select_n3A_993, %select_n3A_989 : vector<16xi1>, vector<16xi32>
      %select_n3A_1009 = arith.select %ge3A_1005, %select_n3A_989, %select_n3A_993 : vector<16xi1>, vector<16xi32>
      %ge3A_1010 = arith.cmpf oge, %max3A_1001, %min3A_997 : vector<16xf32>
      %max3A_1011 = arith.maximumf %max3A_1001, %min3A_997 : vector<16xf32>
      %min3A_1012 = arith.minimumf %max3A_1001, %min3A_997 : vector<16xf32>
      %select_n3A_1013 = arith.select %ge3A_1010, %select_n3A_1003, %select_n3A_999 : vector<16xi1>, vector<16xi32>
      %select_n3A_1014 = arith.select %ge3A_1010, %select_n3A_999, %select_n3A_1003 : vector<16xi1>, vector<16xi32>
      %ge3A_1015 = arith.cmpf oge, %max3A_986, %max3A_996 : vector<16xf32>
      %max3A_1016 = arith.maximumf %max3A_986, %max3A_996 : vector<16xf32>
      %min3A_1017 = arith.minimumf %max3A_986, %max3A_996 : vector<16xf32>
      %select_n3A_1018 = arith.select %ge3A_1015, %select_n3A_988, %select_n3A_998 : vector<16xi1>, vector<16xi32>
      %select_n3A_1019 = arith.select %ge3A_1015, %select_n3A_998, %select_n3A_988 : vector<16xi1>, vector<16xi32>
      %ge3A_1020 = arith.cmpf oge, %max3A_1006, %max3A_1011 : vector<16xf32>
      %max3A_1021 = arith.maximumf %max3A_1006, %max3A_1011 : vector<16xf32>
      %min3A_1022 = arith.minimumf %max3A_1006, %max3A_1011 : vector<16xf32>
      %select_n3A_1023 = arith.select %ge3A_1020, %select_n3A_1008, %select_n3A_1013 : vector<16xi1>, vector<16xi32>
      %select_n3A_1024 = arith.select %ge3A_1020, %select_n3A_1013, %select_n3A_1008 : vector<16xi1>, vector<16xi32>
      %ge3A_1025 = arith.cmpf oge, %min3A_1007, %min3A_1012 : vector<16xf32>
      %max3A_1026 = arith.maximumf %min3A_1007, %min3A_1012 : vector<16xf32>
      %min3A_1027 = arith.minimumf %min3A_1007, %min3A_1012 : vector<16xf32>
      %select_n3A_1028 = arith.select %ge3A_1025, %select_n3A_1009, %select_n3A_1014 : vector<16xi1>, vector<16xi32>
      %select_n3A_1029 = arith.select %ge3A_1025, %select_n3A_1014, %select_n3A_1009 : vector<16xi1>, vector<16xi32>
      %ge3A_1030 = arith.cmpf oge, %min3A_992, %min3A_1002 : vector<16xf32>
      %max3A_1031 = arith.maximumf %min3A_992, %min3A_1002 : vector<16xf32>
      %min3A_1032 = arith.minimumf %min3A_992, %min3A_1002 : vector<16xf32>
      %select_n3A_1033 = arith.select %ge3A_1030, %select_n3A_994, %select_n3A_1004 : vector<16xi1>, vector<16xi32>
      %select_n3A_1034 = arith.select %ge3A_1030, %select_n3A_1004, %select_n3A_994 : vector<16xi1>, vector<16xi32>
      %ge3A_1035 = arith.cmpf oge, %max3A_1026, %min3A_1017 : vector<16xf32>
      %max3A_1036 = arith.maximumf %max3A_1026, %min3A_1017 : vector<16xf32>
      %min3A_1037 = arith.minimumf %max3A_1026, %min3A_1017 : vector<16xf32>
      %select_n3A_1038 = arith.select %ge3A_1035, %select_n3A_1028, %select_n3A_1019 : vector<16xi1>, vector<16xi32>
      %select_n3A_1039 = arith.select %ge3A_1035, %select_n3A_1019, %select_n3A_1028 : vector<16xi1>, vector<16xi32>
      %ge3A_1040 = arith.cmpf oge, %max3A_1031, %min3A_1022 : vector<16xf32>
      %max3A_1041 = arith.maximumf %max3A_1031, %min3A_1022 : vector<16xf32>
      %min3A_1042 = arith.minimumf %max3A_1031, %min3A_1022 : vector<16xf32>
      %select_n3A_1043 = arith.select %ge3A_1040, %select_n3A_1033, %select_n3A_1024 : vector<16xi1>, vector<16xi32>
      %select_n3A_1044 = arith.select %ge3A_1040, %select_n3A_1024, %select_n3A_1033 : vector<16xi1>, vector<16xi32>
      %ge3A_1045 = arith.cmpf oge, %max3A_1021, %max3A_1036 : vector<16xf32>
      %max3A_1046 = arith.maximumf %max3A_1021, %max3A_1036 : vector<16xf32>
      %min3A_1047 = arith.minimumf %max3A_1021, %max3A_1036 : vector<16xf32>
      %select_n3A_1048 = arith.select %ge3A_1045, %select_n3A_1023, %select_n3A_1038 : vector<16xi1>, vector<16xi32>
      %select_n3A_1049 = arith.select %ge3A_1045, %select_n3A_1038, %select_n3A_1023 : vector<16xi1>, vector<16xi32>
      %ge3A_1050 = arith.cmpf oge, %max3A_1041, %min3A_1037 : vector<16xf32>
      %max3A_1051 = arith.maximumf %max3A_1041, %min3A_1037 : vector<16xf32>
      %min3A_1052 = arith.minimumf %max3A_1041, %min3A_1037 : vector<16xf32>
      %select_n3A_1053 = arith.select %ge3A_1050, %select_n3A_1043, %select_n3A_1039 : vector<16xi1>, vector<16xi32>
      %select_n3A_1054 = arith.select %ge3A_1050, %select_n3A_1039, %select_n3A_1043 : vector<16xi1>, vector<16xi32>
      %ge3A_1055 = arith.cmpf oge, %min3A_1042, %min3A_1027 : vector<16xf32>
      %max3A_1056 = arith.maximumf %min3A_1042, %min3A_1027 : vector<16xf32>
      %min3A_1057 = arith.minimumf %min3A_1042, %min3A_1027 : vector<16xf32>
      %select_n3A_1058 = arith.select %ge3A_1055, %select_n3A_1044, %select_n3A_1029 : vector<16xi1>, vector<16xi32>
      %select_n3A_1059 = arith.select %ge3A_1055, %select_n3A_1029, %select_n3A_1044 : vector<16xi1>, vector<16xi32>
      %get3A_1060 = arith.constant 56 : i32
      %get3A_1061 = arith.index_cast %get3A_1060 : i32 to index
      %get3A_1062 = arith.index_cast %mul3A_8 : i32 to index
      %get3A_1063 = tpu.vector_load %arg5[%get3A_1061, %get3A_1062] {strides = array<i32>} : memref<64x256xf32, #tpu.memory_space<vmem>>, vector<1x16xf32>,
      %get3A_1064 = vector.shape_cast %get3A_1063 : vector<1x16xf32> to vector<16xf32>
      %get3A_1065 = arith.constant 57 : i32
      %get3A_1066 = arith.index_cast %get3A_1065 : i32 to index
      %get3A_1067 = arith.index_cast %mul3A_8 : i32 to index
      %get3A_1068 = tpu.vector_load %arg5[%get3A_1066, %get3A_1067] {strides = array<i32>} : memref<64x256xf32, #tpu.memory_space<vmem>>, vector<1x16xf32>,
      %get3A_1069 = vector.shape_cast %get3A_1068 : vector<1x16xf32> to vector<16xf32>
      %get3A_1070 = arith.constant 58 : i32
      %get3A_1071 = arith.index_cast %get3A_1070 : i32 to index
      %get3A_1072 = arith.index_cast %mul3A_8 : i32 to index
      %get3A_1073 = tpu.vector_load %arg5[%get3A_1071, %get3A_1072] {strides = array<i32>} : memref<64x256xf32, #tpu.memory_space<vmem>>, vector<1x16xf32>,
      %get3A_1074 = vector.shape_cast %get3A_1073 : vector<1x16xf32> to vector<16xf32>
      %get3A_1075 = arith.constant 59 : i32
      %get3A_1076 = arith.index_cast %get3A_1075 : i32 to index
      %get3A_1077 = arith.index_cast %mul3A_8 : i32 to index
      %get3A_1078 = tpu.vector_load %arg5[%get3A_1076, %get3A_1077] {strides = array<i32>} : memref<64x256xf32, #tpu.memory_space<vmem>>, vector<1x16xf32>,
      %get3A_1079 = vector.shape_cast %get3A_1078 : vector<1x16xf32> to vector<16xf32>
      %get3A_1080 = arith.constant 60 : i32
      %get3A_1081 = arith.index_cast %get3A_1080 : i32 to index
      %get3A_1082 = arith.index_cast %mul3A_8 : i32 to index
      %get3A_1083 = tpu.vector_load %arg5[%get3A_1081, %get3A_1082] {strides = array<i32>} : memref<64x256xf32, #tpu.memory_space<vmem>>, vector<1x16xf32>,
      %get3A_1084 = vector.shape_cast %get3A_1083 : vector<1x16xf32> to vector<16xf32>
      %get3A_1085 = arith.constant 61 : i32
      %get3A_1086 = arith.index_cast %get3A_1085 : i32 to index
      %get3A_1087 = arith.index_cast %mul3A_8 : i32 to index
      %get3A_1088 = tpu.vector_load %arg5[%get3A_1086, %get3A_1087] {strides = array<i32>} : memref<64x256xf32, #tpu.memory_space<vmem>>, vector<1x16xf32>,
      %get3A_1089 = vector.shape_cast %get3A_1088 : vector<1x16xf32> to vector<16xf32>
      %get3A_1090 = arith.constant 62 : i32
      %get3A_1091 = arith.index_cast %get3A_1090 : i32 to index
      %get3A_1092 = arith.index_cast %mul3A_8 : i32 to index
      %get3A_1093 = tpu.vector_load %arg5[%get3A_1091, %get3A_1092] {strides = array<i32>} : memref<64x256xf32, #tpu.memory_space<vmem>>, vector<1x16xf32>,
      %get3A_1094 = vector.shape_cast %get3A_1093 : vector<1x16xf32> to vector<16xf32>
      %get3A_1095 = arith.constant 63 : i32
      %get3A_1096 = arith.index_cast %get3A_1095 : i32 to index
      %get3A_1097 = arith.index_cast %mul3A_8 : i32 to index
      %get3A_1098 = tpu.vector_load %arg5[%get3A_1096, %get3A_1097] {strides = array<i32>} : memref<64x256xf32, #tpu.memory_space<vmem>>, vector<1x16xf32>,
      %get3A_1099 = vector.shape_cast %get3A_1098 : vector<1x16xf32> to vector<16xf32>
      %broadcast_in_dim3A_1100 = arith.constant 56 : i32
      %broadcast_in_dim3A_1101 = vector.broadcast %broadcast_in_dim3A_1100 : i32 to vector<16xi32>
      %broadcast_in_dim3A_1102 = arith.constant 57 : i32
      %broadcast_in_dim3A_1103 = vector.broadcast %broadcast_in_dim3A_1102 : i32 to vector<16xi32>
      %broadcast_in_dim3A_1104 = arith.constant 58 : i32
      %broadcast_in_dim3A_1105 = vector.broadcast %broadcast_in_dim3A_1104 : i32 to vector<16xi32>
      %broadcast_in_dim3A_1106 = arith.constant 59 : i32
      %broadcast_in_dim3A_1107 = vector.broadcast %broadcast_in_dim3A_1106 : i32 to vector<16xi32>
      %broadcast_in_dim3A_1108 = arith.constant 60 : i32
      %broadcast_in_dim3A_1109 = vector.broadcast %broadcast_in_dim3A_1108 : i32 to vector<16xi32>
      %broadcast_in_dim3A_1110 = arith.constant 61 : i32
      %broadcast_in_dim3A_1111 = vector.broadcast %broadcast_in_dim3A_1110 : i32 to vector<16xi32>
      %broadcast_in_dim3A_1112 = arith.constant 62 : i32
      %broadcast_in_dim3A_1113 = vector.broadcast %broadcast_in_dim3A_1112 : i32 to vector<16xi32>
      %broadcast_in_dim3A_1114 = arith.constant 63 : i32
      %broadcast_in_dim3A_1115 = vector.broadcast %broadcast_in_dim3A_1114 : i32 to vector<16xi32>
      %ge3A_1116 = arith.cmpf oge, %get3A_1064, %get3A_1069 : vector<16xf32>
      %max3A_1117 = arith.maximumf %get3A_1064, %get3A_1069 : vector<16xf32>
      %min3A_1118 = arith.minimumf %get3A_1064, %get3A_1069 : vector<16xf32>
      %select_n3A_1119 = arith.select %ge3A_1116, %broadcast_in_dim3A_1101, %broadcast_in_dim3A_1103 : vector<16xi1>, vector<16xi32>
      %select_n3A_1120 = arith.select %ge3A_1116, %broadcast_in_dim3A_1103, %broadcast_in_dim3A_1101 : vector<16xi1>, vector<16xi32>
      %ge3A_1121 = arith.cmpf oge, %get3A_1074, %get3A_1079 : vector<16xf32>
      %max3A_1122 = arith.maximumf %get3A_1074, %get3A_1079 : vector<16xf32>
      %min3A_1123 = arith.minimumf %get3A_1074, %get3A_1079 : vector<16xf32>
      %select_n3A_1124 = arith.select %ge3A_1121, %broadcast_in_dim3A_1105, %broadcast_in_dim3A_1107 : vector<16xi1>, vector<16xi32>
      %select_n3A_1125 = arith.select %ge3A_1121, %broadcast_in_dim3A_1107, %broadcast_in_dim3A_1105 : vector<16xi1>, vector<16xi32>
      %ge3A_1126 = arith.cmpf oge, %get3A_1084, %get3A_1089 : vector<16xf32>
      %max3A_1127 = arith.maximumf %get3A_1084, %get3A_1089 : vector<16xf32>
      %min3A_1128 = arith.minimumf %get3A_1084, %get3A_1089 : vector<16xf32>
      %select_n3A_1129 = arith.select %ge3A_1126, %broadcast_in_dim3A_1109, %broadcast_in_dim3A_1111 : vector<16xi1>, vector<16xi32>
      %select_n3A_1130 = arith.select %ge3A_1126, %broadcast_in_dim3A_1111, %broadcast_in_dim3A_1109 : vector<16xi1>, vector<16xi32>
      %ge3A_1131 = arith.cmpf oge, %get3A_1094, %get3A_1099 : vector<16xf32>
      %max3A_1132 = arith.maximumf %get3A_1094, %get3A_1099 : vector<16xf32>
      %min3A_1133 = arith.minimumf %get3A_1094, %get3A_1099 : vector<16xf32>
      %select_n3A_1134 = arith.select %ge3A_1131, %broadcast_in_dim3A_1113, %broadcast_in_dim3A_1115 : vector<16xi1>, vector<16xi32>
      %select_n3A_1135 = arith.select %ge3A_1131, %broadcast_in_dim3A_1115, %broadcast_in_dim3A_1113 : vector<16xi1>, vector<16xi32>
      %ge3A_1136 = arith.cmpf oge, %max3A_1117, %max3A_1122 : vector<16xf32>
      %max3A_1137 = arith.maximumf %max3A_1117, %max3A_1122 : vector<16xf32>
      %min3A_1138 = arith.minimumf %max3A_1117, %max3A_1122 : vector<16xf32>
      %select_n3A_1139 = arith.select %ge3A_1136, %select_n3A_1119, %select_n3A_1124 : vector<16xi1>, vector<16xi32>
      %select_n3A_1140 = arith.select %ge3A_1136, %select_n3A_1124, %select_n3A_1119 : vector<16xi1>, vector<16xi32>
      %ge3A_1141 = arith.cmpf oge, %min3A_1118, %min3A_1123 : vector<16xf32>
      %max3A_1142 = arith.maximumf %min3A_1118, %min3A_1123 : vector<16xf32>
      %min3A_1143 = arith.minimumf %min3A_1118, %min3A_1123 : vector<16xf32>
      %select_n3A_1144 = arith.select %ge3A_1141, %select_n3A_1120, %select_n3A_1125 : vector<16xi1>, vector<16xi32>
      %select_n3A_1145 = arith.select %ge3A_1141, %select_n3A_1125, %select_n3A_1120 : vector<16xi1>, vector<16xi32>
      %ge3A_1146 = arith.cmpf oge, %max3A_1127, %max3A_1132 : vector<16xf32>
      %max3A_1147 = arith.maximumf %max3A_1127, %max3A_1132 : vector<16xf32>
      %min3A_1148 = arith.minimumf %max3A_1127, %max3A_1132 : vector<16xf32>
      %select_n3A_1149 = arith.select %ge3A_1146, %select_n3A_1129, %select_n3A_1134 : vector<16xi1>, vector<16xi32>
      %select_n3A_1150 = arith.select %ge3A_1146, %select_n3A_1134, %select_n3A_1129 : vector<16xi1>, vector<16xi32>
      %ge3A_1151 = arith.cmpf oge, %min3A_1128, %min3A_1133 : vector<16xf32>
      %max3A_1152 = arith.maximumf %min3A_1128, %min3A_1133 : vector<16xf32>
      %min3A_1153 = arith.minimumf %min3A_1128, %min3A_1133 : vector<16xf32>
      %select_n3A_1154 = arith.select %ge3A_1151, %select_n3A_1130, %select_n3A_1135 : vector<16xi1>, vector<16xi32>
      %select_n3A_1155 = arith.select %ge3A_1151, %select_n3A_1135, %select_n3A_1130 : vector<16xi1>, vector<16xi32>
      %ge3A_1156 = arith.cmpf oge, %max3A_1142, %min3A_1138 : vector<16xf32>
      %max3A_1157 = arith.maximumf %max3A_1142, %min3A_1138 : vector<16xf32>
      %min3A_1158 = arith.minimumf %max3A_1142, %min3A_1138 : vector<16xf32>
      %select_n3A_1159 = arith.select %ge3A_1156, %select_n3A_1144, %select_n3A_1140 : vector<16xi1>, vector<16xi32>
      %select_n3A_1160 = arith.select %ge3A_1156, %select_n3A_1140, %select_n3A_1144 : vector<16xi1>, vector<16xi32>
      %ge3A_1161 = arith.cmpf oge, %max3A_1152, %min3A_1148 : vector<16xf32>
      %max3A_1162 = arith.maximumf %max3A_1152, %min3A_1148 : vector<16xf32>
      %min3A_1163 = arith.minimumf %max3A_1152, %min3A_1148 : vector<16xf32>
      %select_n3A_1164 = arith.select %ge3A_1161, %select_n3A_1154, %select_n3A_1150 : vector<16xi1>, vector<16xi32>
      %select_n3A_1165 = arith.select %ge3A_1161, %select_n3A_1150, %select_n3A_1154 : vector<16xi1>, vector<16xi32>
      %ge3A_1166 = arith.cmpf oge, %max3A_1137, %max3A_1147 : vector<16xf32>
      %max3A_1167 = arith.maximumf %max3A_1137, %max3A_1147 : vector<16xf32>
      %min3A_1168 = arith.minimumf %max3A_1137, %max3A_1147 : vector<16xf32>
      %select_n3A_1169 = arith.select %ge3A_1166, %select_n3A_1139, %select_n3A_1149 : vector<16xi1>, vector<16xi32>
      %select_n3A_1170 = arith.select %ge3A_1166, %select_n3A_1149, %select_n3A_1139 : vector<16xi1>, vector<16xi32>
      %ge3A_1171 = arith.cmpf oge, %max3A_1157, %max3A_1162 : vector<16xf32>
      %max3A_1172 = arith.maximumf %max3A_1157, %max3A_1162 : vector<16xf32>
      %min3A_1173 = arith.minimumf %max3A_1157, %max3A_1162 : vector<16xf32>
      %select_n3A_1174 = arith.select %ge3A_1171, %select_n3A_1159, %select_n3A_1164 : vector<16xi1>, vector<16xi32>
      %select_n3A_1175 = arith.select %ge3A_1171, %select_n3A_1164, %select_n3A_1159 : vector<16xi1>, vector<16xi32>
      %ge3A_1176 = arith.cmpf oge, %min3A_1158, %min3A_1163 : vector<16xf32>
      %max3A_1177 = arith.maximumf %min3A_1158, %min3A_1163 : vector<16xf32>
      %min3A_1178 = arith.minimumf %min3A_1158, %min3A_1163 : vector<16xf32>
      %select_n3A_1179 = arith.select %ge3A_1176, %select_n3A_1160, %select_n3A_1165 : vector<16xi1>, vector<16xi32>
      %select_n3A_1180 = arith.select %ge3A_1176, %select_n3A_1165, %select_n3A_1160 : vector<16xi1>, vector<16xi32>
      %ge3A_1181 = arith.cmpf oge, %min3A_1143, %min3A_1153 : vector<16xf32>
      %max3A_1182 = arith.maximumf %min3A_1143, %min3A_1153 : vector<16xf32>
      %min3A_1183 = arith.minimumf %min3A_1143, %min3A_1153 : vector<16xf32>
      %select_n3A_1184 = arith.select %ge3A_1181, %select_n3A_1145, %select_n3A_1155 : vector<16xi1>, vector<16xi32>
      %select_n3A_1185 = arith.select %ge3A_1181, %select_n3A_1155, %select_n3A_1145 : vector<16xi1>, vector<16xi32>
      %ge3A_1186 = arith.cmpf oge, %max3A_1177, %min3A_1168 : vector<16xf32>
      %max3A_1187 = arith.maximumf %max3A_1177, %min3A_1168 : vector<16xf32>
      %min3A_1188 = arith.minimumf %max3A_1177, %min3A_1168 : vector<16xf32>
      %select_n3A_1189 = arith.select %ge3A_1186, %select_n3A_1179, %select_n3A_1170 : vector<16xi1>, vector<16xi32>
      %select_n3A_1190 = arith.select %ge3A_1186, %select_n3A_1170, %select_n3A_1179 : vector<16xi1>, vector<16xi32>
      %ge3A_1191 = arith.cmpf oge, %max3A_1182, %min3A_1173 : vector<16xf32>
      %max3A_1192 = arith.maximumf %max3A_1182, %min3A_1173 : vector<16xf32>
      %min3A_1193 = arith.minimumf %max3A_1182, %min3A_1173 : vector<16xf32>
      %select_n3A_1194 = arith.select %ge3A_1191, %select_n3A_1184, %select_n3A_1175 : vector<16xi1>, vector<16xi32>
      %select_n3A_1195 = arith.select %ge3A_1191, %select_n3A_1175, %select_n3A_1184 : vector<16xi1>, vector<16xi32>
      %ge3A_1196 = arith.cmpf oge, %max3A_1172, %max3A_1187 : vector<16xf32>
      %max3A_1197 = arith.maximumf %max3A_1172, %max3A_1187 : vector<16xf32>
      %min3A_1198 = arith.minimumf %max3A_1172, %max3A_1187 : vector<16xf32>
      %select_n3A_1199 = arith.select %ge3A_1196, %select_n3A_1174, %select_n3A_1189 : vector<16xi1>, vector<16xi32>
      %select_n3A_1200 = arith.select %ge3A_1196, %select_n3A_1189, %select_n3A_1174 : vector<16xi1>, vector<16xi32>
      %ge3A_1201 = arith.cmpf oge, %max3A_1192, %min3A_1188 : vector<16xf32>
      %max3A_1202 = arith.maximumf %max3A_1192, %min3A_1188 : vector<16xf32>
      %min3A_1203 = arith.minimumf %max3A_1192, %min3A_1188 : vector<16xf32>
      %select_n3A_1204 = arith.select %ge3A_1201, %select_n3A_1194, %select_n3A_1190 : vector<16xi1>, vector<16xi32>
      %select_n3A_1205 = arith.select %ge3A_1201, %select_n3A_1190, %select_n3A_1194 : vector<16xi1>, vector<16xi32>
      %ge3A_1206 = arith.cmpf oge, %min3A_1193, %min3A_1178 : vector<16xf32>
      %max3A_1207 = arith.maximumf %min3A_1193, %min3A_1178 : vector<16xf32>
      %min3A_1208 = arith.minimumf %min3A_1193, %min3A_1178 : vector<16xf32>
      %select_n3A_1209 = arith.select %ge3A_1206, %select_n3A_1195, %select_n3A_1180 : vector<16xi1>, vector<16xi32>
      %select_n3A_1210 = arith.select %ge3A_1206, %select_n3A_1180, %select_n3A_1195 : vector<16xi1>, vector<16xi32>
      %ge3A_1211 = arith.cmpf oge, %max3A_110, %min3A_277 : vector<16xf32>
      %max3A_1212 = arith.maximumf %max3A_110, %min3A_277 : vector<16xf32>
      %select_n3A_1213 = arith.select %ge3A_1211, %select_n3A_112, %select_n3A_279 : vector<16xi1>, vector<16xi32>
      %ge3A_1214 = arith.cmpf oge, %max3A_140, %min3A_302 : vector<16xf32>
      %max3A_1215 = arith.maximumf %max3A_140, %min3A_302 : vector<16xf32>
      %select_n3A_1216 = arith.select %ge3A_1214, %select_n3A_142, %select_n3A_304 : vector<16xi1>, vector<16xi32>
      %ge3A_1217 = arith.cmpf oge, %min3A_141, %max3A_301 : vector<16xf32>
      %max3A_1218 = arith.maximumf %min3A_141, %max3A_301 : vector<16xf32>
      %select_n3A_1219 = arith.select %ge3A_1217, %select_n3A_143, %select_n3A_303 : vector<16xi1>, vector<16xi32>
      %ge3A_1220 = arith.cmpf oge, %max3A_145, %min3A_297 : vector<16xf32>
      %max3A_1221 = arith.maximumf %max3A_145, %min3A_297 : vector<16xf32>
      %select_n3A_1222 = arith.select %ge3A_1220, %select_n3A_147, %select_n3A_299 : vector<16xi1>, vector<16xi32>
      %ge3A_1223 = arith.cmpf oge, %min3A_146, %max3A_296 : vector<16xf32>
      %max3A_1224 = arith.maximumf %min3A_146, %max3A_296 : vector<16xf32>
      %select_n3A_1225 = arith.select %ge3A_1223, %select_n3A_148, %select_n3A_298 : vector<16xi1>, vector<16xi32>
      %ge3A_1226 = arith.cmpf oge, %max3A_150, %min3A_292 : vector<16xf32>
      %max3A_1227 = arith.maximumf %max3A_150, %min3A_292 : vector<16xf32>
      %select_n3A_1228 = arith.select %ge3A_1226, %select_n3A_152, %select_n3A_294 : vector<16xi1>, vector<16xi32>
      %ge3A_1229 = arith.cmpf oge, %min3A_151, %max3A_291 : vector<16xf32>
      %max3A_1230 = arith.maximumf %min3A_151, %max3A_291 : vector<16xf32>
      %select_n3A_1231 = arith.select %ge3A_1229, %select_n3A_153, %select_n3A_293 : vector<16xi1>, vector<16xi32>
      %ge3A_1232 = arith.cmpf oge, %min3A_126, %max3A_261 : vector<16xf32>
      %max3A_1233 = arith.maximumf %min3A_126, %max3A_261 : vector<16xf32>
      %select_n3A_1234 = arith.select %ge3A_1232, %select_n3A_128, %select_n3A_263 : vector<16xi1>, vector<16xi32>
      %ge3A_1235 = arith.cmpf oge, %max3A_1212, %max3A_1224 : vector<16xf32>
      %max3A_1236 = arith.maximumf %max3A_1212, %max3A_1224 : vector<16xf32>
      %min3A_1237 = arith.minimumf %max3A_1212, %max3A_1224 : vector<16xf32>
      %select_n3A_1238 = arith.select %ge3A_1235, %select_n3A_1213, %select_n3A_1225 : vector<16xi1>, vector<16xi32>
      %select_n3A_1239 = arith.select %ge3A_1235, %select_n3A_1225, %select_n3A_1213 : vector<16xi1>, vector<16xi32>
      %ge3A_1240 = arith.cmpf oge, %max3A_1215, %max3A_1227 : vector<16xf32>
      %max3A_1241 = arith.maximumf %max3A_1215, %max3A_1227 : vector<16xf32>
      %min3A_1242 = arith.minimumf %max3A_1215, %max3A_1227 : vector<16xf32>
      %select_n3A_1243 = arith.select %ge3A_1240, %select_n3A_1216, %select_n3A_1228 : vector<16xi1>, vector<16xi32>
      %select_n3A_1244 = arith.select %ge3A_1240, %select_n3A_1228, %select_n3A_1216 : vector<16xi1>, vector<16xi32>
      %ge3A_1245 = arith.cmpf oge, %max3A_1218, %max3A_1230 : vector<16xf32>
      %max3A_1246 = arith.maximumf %max3A_1218, %max3A_1230 : vector<16xf32>
      %min3A_1247 = arith.minimumf %max3A_1218, %max3A_1230 : vector<16xf32>
      %select_n3A_1248 = arith.select %ge3A_1245, %select_n3A_1219, %select_n3A_1231 : vector<16xi1>, vector<16xi32>
      %select_n3A_1249 = arith.select %ge3A_1245, %select_n3A_1231, %select_n3A_1219 : vector<16xi1>, vector<16xi32>
      %ge3A_1250 = arith.cmpf oge, %max3A_1221, %max3A_1233 : vector<16xf32>
      %max3A_1251 = arith.maximumf %max3A_1221, %max3A_1233 : vector<16xf32>
      %min3A_1252 = arith.minimumf %max3A_1221, %max3A_1233 : vector<16xf32>
      %select_n3A_1253 = arith.select %ge3A_1250, %select_n3A_1222, %select_n3A_1234 : vector<16xi1>, vector<16xi32>
      %select_n3A_1254 = arith.select %ge3A_1250, %select_n3A_1234, %select_n3A_1222 : vector<16xi1>, vector<16xi32>
      %ge3A_1255 = arith.cmpf oge, %max3A_1236, %max3A_1246 : vector<16xf32>
      %max3A_1256 = arith.maximumf %max3A_1236, %max3A_1246 : vector<16xf32>
      %min3A_1257 = arith.minimumf %max3A_1236, %max3A_1246 : vector<16xf32>
      %select_n3A_1258 = arith.select %ge3A_1255, %select_n3A_1238, %select_n3A_1248 : vector<16xi1>, vector<16xi32>
      %select_n3A_1259 = arith.select %ge3A_1255, %select_n3A_1248, %select_n3A_1238 : vector<16xi1>, vector<16xi32>
      %ge3A_1260 = arith.cmpf oge, %max3A_1241, %max3A_1251 : vector<16xf32>
      %max3A_1261 = arith.maximumf %max3A_1241, %max3A_1251 : vector<16xf32>
      %min3A_1262 = arith.minimumf %max3A_1241, %max3A_1251 : vector<16xf32>
      %select_n3A_1263 = arith.select %ge3A_1260, %select_n3A_1243, %select_n3A_1253 : vector<16xi1>, vector<16xi32>
      %select_n3A_1264 = arith.select %ge3A_1260, %select_n3A_1253, %select_n3A_1243 : vector<16xi1>, vector<16xi32>
      %ge3A_1265 = arith.cmpf oge, %min3A_1237, %min3A_1247 : vector<16xf32>
      %max3A_1266 = arith.maximumf %min3A_1237, %min3A_1247 : vector<16xf32>
      %min3A_1267 = arith.minimumf %min3A_1237, %min3A_1247 : vector<16xf32>
      %select_n3A_1268 = arith.select %ge3A_1265, %select_n3A_1239, %select_n3A_1249 : vector<16xi1>, vector<16xi32>
      %select_n3A_1269 = arith.select %ge3A_1265, %select_n3A_1249, %select_n3A_1239 : vector<16xi1>, vector<16xi32>
      %ge3A_1270 = arith.cmpf oge, %min3A_1242, %min3A_1252 : vector<16xf32>
      %max3A_1271 = arith.maximumf %min3A_1242, %min3A_1252 : vector<16xf32>
      %min3A_1272 = arith.minimumf %min3A_1242, %min3A_1252 : vector<16xf32>
      %select_n3A_1273 = arith.select %ge3A_1270, %select_n3A_1244, %select_n3A_1254 : vector<16xi1>, vector<16xi32>
      %select_n3A_1274 = arith.select %ge3A_1270, %select_n3A_1254, %select_n3A_1244 : vector<16xi1>, vector<16xi32>
      %ge3A_1275 = arith.cmpf oge, %max3A_1256, %max3A_1261 : vector<16xf32>
      %max3A_1276 = arith.maximumf %max3A_1256, %max3A_1261 : vector<16xf32>
      %min3A_1277 = arith.minimumf %max3A_1256, %max3A_1261 : vector<16xf32>
      %select_n3A_1278 = arith.select %ge3A_1275, %select_n3A_1258, %select_n3A_1263 : vector<16xi1>, vector<16xi32>
      %select_n3A_1279 = arith.select %ge3A_1275, %select_n3A_1263, %select_n3A_1258 : vector<16xi1>, vector<16xi32>
      %ge3A_1280 = arith.cmpf oge, %min3A_1257, %min3A_1262 : vector<16xf32>
      %max3A_1281 = arith.maximumf %min3A_1257, %min3A_1262 : vector<16xf32>
      %min3A_1282 = arith.minimumf %min3A_1257, %min3A_1262 : vector<16xf32>
      %select_n3A_1283 = arith.select %ge3A_1280, %select_n3A_1259, %select_n3A_1264 : vector<16xi1>, vector<16xi32>
      %select_n3A_1284 = arith.select %ge3A_1280, %select_n3A_1264, %select_n3A_1259 : vector<16xi1>, vector<16xi32>
      %ge3A_1285 = arith.cmpf oge, %max3A_1266, %max3A_1271 : vector<16xf32>
      %max3A_1286 = arith.maximumf %max3A_1266, %max3A_1271 : vector<16xf32>
      %min3A_1287 = arith.minimumf %max3A_1266, %max3A_1271 : vector<16xf32>
      %select_n3A_1288 = arith.select %ge3A_1285, %select_n3A_1268, %select_n3A_1273 : vector<16xi1>, vector<16xi32>
      %select_n3A_1289 = arith.select %ge3A_1285, %select_n3A_1273, %select_n3A_1268 : vector<16xi1>, vector<16xi32>
      %ge3A_1290 = arith.cmpf oge, %min3A_1267, %min3A_1272 : vector<16xf32>
      %max3A_1291 = arith.maximumf %min3A_1267, %min3A_1272 : vector<16xf32>
      %min3A_1292 = arith.minimumf %min3A_1267, %min3A_1272 : vector<16xf32>
      %select_n3A_1293 = arith.select %ge3A_1290, %select_n3A_1269, %select_n3A_1274 : vector<16xi1>, vector<16xi32>
      %select_n3A_1294 = arith.select %ge3A_1290, %select_n3A_1274, %select_n3A_1269 : vector<16xi1>, vector<16xi32>
      %ge3A_1295 = arith.cmpf oge, %max3A_412, %min3A_579 : vector<16xf32>
      %max3A_1296 = arith.maximumf %max3A_412, %min3A_579 : vector<16xf32>
      %select_n3A_1297 = arith.select %ge3A_1295, %select_n3A_414, %select_n3A_581 : vector<16xi1>, vector<16xi32>
      %ge3A_1298 = arith.cmpf oge, %max3A_442, %min3A_604 : vector<16xf32>
      %max3A_1299 = arith.maximumf %max3A_442, %min3A_604 : vector<16xf32>
      %select_n3A_1300 = arith.select %ge3A_1298, %select_n3A_444, %select_n3A_606 : vector<16xi1>, vector<16xi32>
      %ge3A_1301 = arith.cmpf oge, %min3A_443, %max3A_603 : vector<16xf32>
      %max3A_1302 = arith.maximumf %min3A_443, %max3A_603 : vector<16xf32>
      %select_n3A_1303 = arith.select %ge3A_1301, %select_n3A_445, %select_n3A_605 : vector<16xi1>, vector<16xi32>
      %ge3A_1304 = arith.cmpf oge, %max3A_447, %min3A_599 : vector<16xf32>
      %max3A_1305 = arith.maximumf %max3A_447, %min3A_599 : vector<16xf32>
      %select_n3A_1306 = arith.select %ge3A_1304, %select_n3A_449, %select_n3A_601 : vector<16xi1>, vector<16xi32>
      %ge3A_1307 = arith.cmpf oge, %min3A_448, %max3A_598 : vector<16xf32>
      %max3A_1308 = arith.maximumf %min3A_448, %max3A_598 : vector<16xf32>
      %select_n3A_1309 = arith.select %ge3A_1307, %select_n3A_450, %select_n3A_600 : vector<16xi1>, vector<16xi32>
      %ge3A_1310 = arith.cmpf oge, %max3A_452, %min3A_594 : vector<16xf32>
      %max3A_1311 = arith.maximumf %max3A_452, %min3A_594 : vector<16xf32>
      %select_n3A_1312 = arith.select %ge3A_1310, %select_n3A_454, %select_n3A_596 : vector<16xi1>, vector<16xi32>
      %ge3A_1313 = arith.cmpf oge, %min3A_453, %max3A_593 : vector<16xf32>
      %max3A_1314 = arith.maximumf %min3A_453, %max3A_593 : vector<16xf32>
      %select_n3A_1315 = arith.select %ge3A_1313, %select_n3A_455, %select_n3A_595 : vector<16xi1>, vector<16xi32>
      %ge3A_1316 = arith.cmpf oge, %min3A_428, %max3A_563 : vector<16xf32>
      %max3A_1317 = arith.maximumf %min3A_428, %max3A_563 : vector<16xf32>
      %select_n3A_1318 = arith.select %ge3A_1316, %select_n3A_430, %select_n3A_565 : vector<16xi1>, vector<16xi32>
      %ge3A_1319 = arith.cmpf oge, %max3A_1296, %max3A_1308 : vector<16xf32>
      %max3A_1320 = arith.maximumf %max3A_1296, %max3A_1308 : vector<16xf32>
      %min3A_1321 = arith.minimumf %max3A_1296, %max3A_1308 : vector<16xf32>
      %select_n3A_1322 = arith.select %ge3A_1319, %select_n3A_1297, %select_n3A_1309 : vector<16xi1>, vector<16xi32>
      %select_n3A_1323 = arith.select %ge3A_1319, %select_n3A_1309, %select_n3A_1297 : vector<16xi1>, vector<16xi32>
      %ge3A_1324 = arith.cmpf oge, %max3A_1299, %max3A_1311 : vector<16xf32>
      %max3A_1325 = arith.maximumf %max3A_1299, %max3A_1311 : vector<16xf32>
      %min3A_1326 = arith.minimumf %max3A_1299, %max3A_1311 : vector<16xf32>
      %select_n3A_1327 = arith.select %ge3A_1324, %select_n3A_1300, %select_n3A_1312 : vector<16xi1>, vector<16xi32>
      %select_n3A_1328 = arith.select %ge3A_1324, %select_n3A_1312, %select_n3A_1300 : vector<16xi1>, vector<16xi32>
      %ge3A_1329 = arith.cmpf oge, %max3A_1302, %max3A_1314 : vector<16xf32>
      %max3A_1330 = arith.maximumf %max3A_1302, %max3A_1314 : vector<16xf32>
      %min3A_1331 = arith.minimumf %max3A_1302, %max3A_1314 : vector<16xf32>
      %select_n3A_1332 = arith.select %ge3A_1329, %select_n3A_1303, %select_n3A_1315 : vector<16xi1>, vector<16xi32>
      %select_n3A_1333 = arith.select %ge3A_1329, %select_n3A_1315, %select_n3A_1303 : vector<16xi1>, vector<16xi32>
      %ge3A_1334 = arith.cmpf oge, %max3A_1305, %max3A_1317 : vector<16xf32>
      %max3A_1335 = arith.maximumf %max3A_1305, %max3A_1317 : vector<16xf32>
      %min3A_1336 = arith.minimumf %max3A_1305, %max3A_1317 : vector<16xf32>
      %select_n3A_1337 = arith.select %ge3A_1334, %select_n3A_1306, %select_n3A_1318 : vector<16xi1>, vector<16xi32>
      %select_n3A_1338 = arith.select %ge3A_1334, %select_n3A_1318, %select_n3A_1306 : vector<16xi1>, vector<16xi32>
      %ge3A_1339 = arith.cmpf oge, %max3A_1320, %max3A_1330 : vector<16xf32>
      %max3A_1340 = arith.maximumf %max3A_1320, %max3A_1330 : vector<16xf32>
      %min3A_1341 = arith.minimumf %max3A_1320, %max3A_1330 : vector<16xf32>
      %select_n3A_1342 = arith.select %ge3A_1339, %select_n3A_1322, %select_n3A_1332 : vector<16xi1>, vector<16xi32>
      %select_n3A_1343 = arith.select %ge3A_1339, %select_n3A_1332, %select_n3A_1322 : vector<16xi1>, vector<16xi32>
      %ge3A_1344 = arith.cmpf oge, %max3A_1325, %max3A_1335 : vector<16xf32>
      %max3A_1345 = arith.maximumf %max3A_1325, %max3A_1335 : vector<16xf32>
      %min3A_1346 = arith.minimumf %max3A_1325, %max3A_1335 : vector<16xf32>
      %select_n3A_1347 = arith.select %ge3A_1344, %select_n3A_1327, %select_n3A_1337 : vector<16xi1>, vector<16xi32>
      %select_n3A_1348 = arith.select %ge3A_1344, %select_n3A_1337, %select_n3A_1327 : vector<16xi1>, vector<16xi32>
      %ge3A_1349 = arith.cmpf oge, %min3A_1321, %min3A_1331 : vector<16xf32>
      %max3A_1350 = arith.maximumf %min3A_1321, %min3A_1331 : vector<16xf32>
      %min3A_1351 = arith.minimumf %min3A_1321, %min3A_1331 : vector<16xf32>
      %select_n3A_1352 = arith.select %ge3A_1349, %select_n3A_1323, %select_n3A_1333 : vector<16xi1>, vector<16xi32>
      %select_n3A_1353 = arith.select %ge3A_1349, %select_n3A_1333, %select_n3A_1323 : vector<16xi1>, vector<16xi32>
      %ge3A_1354 = arith.cmpf oge, %min3A_1326, %min3A_1336 : vector<16xf32>
      %max3A_1355 = arith.maximumf %min3A_1326, %min3A_1336 : vector<16xf32>
      %min3A_1356 = arith.minimumf %min3A_1326, %min3A_1336 : vector<16xf32>
      %select_n3A_1357 = arith.select %ge3A_1354, %select_n3A_1328, %select_n3A_1338 : vector<16xi1>, vector<16xi32>
      %select_n3A_1358 = arith.select %ge3A_1354, %select_n3A_1338, %select_n3A_1328 : vector<16xi1>, vector<16xi32>
      %ge3A_1359 = arith.cmpf oge, %max3A_1340, %max3A_1345 : vector<16xf32>
      %max3A_1360 = arith.maximumf %max3A_1340, %max3A_1345 : vector<16xf32>
      %min3A_1361 = arith.minimumf %max3A_1340, %max3A_1345 : vector<16xf32>
      %select_n3A_1362 = arith.select %ge3A_1359, %select_n3A_1342, %select_n3A_1347 : vector<16xi1>, vector<16xi32>
      %select_n3A_1363 = arith.select %ge3A_1359, %select_n3A_1347, %select_n3A_1342 : vector<16xi1>, vector<16xi32>
      %ge3A_1364 = arith.cmpf oge, %min3A_1341, %min3A_1346 : vector<16xf32>
      %max3A_1365 = arith.maximumf %min3A_1341, %min3A_1346 : vector<16xf32>
      %min3A_1366 = arith.minimumf %min3A_1341, %min3A_1346 : vector<16xf32>
      %select_n3A_1367 = arith.select %ge3A_1364, %select_n3A_1343, %select_n3A_1348 : vector<16xi1>, vector<16xi32>
      %select_n3A_1368 = arith.select %ge3A_1364, %select_n3A_1348, %select_n3A_1343 : vector<16xi1>, vector<16xi32>
      %ge3A_1369 = arith.cmpf oge, %max3A_1350, %max3A_1355 : vector<16xf32>
      %max3A_1370 = arith.maximumf %max3A_1350, %max3A_1355 : vector<16xf32>
      %min3A_1371 = arith.minimumf %max3A_1350, %max3A_1355 : vector<16xf32>
      %select_n3A_1372 = arith.select %ge3A_1369, %select_n3A_1352, %select_n3A_1357 : vector<16xi1>, vector<16xi32>
      %select_n3A_1373 = arith.select %ge3A_1369, %select_n3A_1357, %select_n3A_1352 : vector<16xi1>, vector<16xi32>
      %ge3A_1374 = arith.cmpf oge, %min3A_1351, %min3A_1356 : vector<16xf32>
      %max3A_1375 = arith.maximumf %min3A_1351, %min3A_1356 : vector<16xf32>
      %min3A_1376 = arith.minimumf %min3A_1351, %min3A_1356 : vector<16xf32>
      %select_n3A_1377 = arith.select %ge3A_1374, %select_n3A_1353, %select_n3A_1358 : vector<16xi1>, vector<16xi32>
      %select_n3A_1378 = arith.select %ge3A_1374, %select_n3A_1358, %select_n3A_1353 : vector<16xi1>, vector<16xi32>
      %ge3A_1379 = arith.cmpf oge, %max3A_714, %min3A_881 : vector<16xf32>
      %max3A_1380 = arith.maximumf %max3A_714, %min3A_881 : vector<16xf32>
      %select_n3A_1381 = arith.select %ge3A_1379, %select_n3A_716, %select_n3A_883 : vector<16xi1>, vector<16xi32>
      %ge3A_1382 = arith.cmpf oge, %max3A_744, %min3A_906 : vector<16xf32>
      %max3A_1383 = arith.maximumf %max3A_744, %min3A_906 : vector<16xf32>
      %select_n3A_1384 = arith.select %ge3A_1382, %select_n3A_746, %select_n3A_908 : vector<16xi1>, vector<16xi32>
      %ge3A_1385 = arith.cmpf oge, %min3A_745, %max3A_905 : vector<16xf32>
      %max3A_1386 = arith.maximumf %min3A_745, %max3A_905 : vector<16xf32>
      %select_n3A_1387 = arith.select %ge3A_1385, %select_n3A_747, %select_n3A_907 : vector<16xi1>, vector<16xi32>
      %ge3A_1388 = arith.cmpf oge, %max3A_749, %min3A_901 : vector<16xf32>
      %max3A_1389 = arith.maximumf %max3A_749, %min3A_901 : vector<16xf32>
      %select_n3A_1390 = arith.select %ge3A_1388, %select_n3A_751, %select_n3A_903 : vector<16xi1>, vector<16xi32>
      %ge3A_1391 = arith.cmpf oge, %min3A_750, %max3A_900 : vector<16xf32>
      %max3A_1392 = arith.maximumf %min3A_750, %max3A_900 : vector<16xf32>
      %select_n3A_1393 = arith.select %ge3A_1391, %select_n3A_752, %select_n3A_902 : vector<16xi1>, vector<16xi32>
      %ge3A_1394 = arith.cmpf oge, %max3A_754, %min3A_896 : vector<16xf32>
      %max3A_1395 = arith.maximumf %max3A_754, %min3A_896 : vector<16xf32>
      %select_n3A_1396 = arith.select %ge3A_1394, %select_n3A_756, %select_n3A_898 : vector<16xi1>, vector<16xi32>
      %ge3A_1397 = arith.cmpf oge, %min3A_755, %max3A_895 : vector<16xf32>
      %max3A_1398 = arith.maximumf %min3A_755, %max3A_895 : vector<16xf32>
      %select_n3A_1399 = arith.select %ge3A_1397, %select_n3A_757, %select_n3A_897 : vector<16xi1>, vector<16xi32>
      %ge3A_1400 = arith.cmpf oge, %min3A_730, %max3A_865 : vector<16xf32>
      %max3A_1401 = arith.maximumf %min3A_730, %max3A_865 : vector<16xf32>
      %select_n3A_1402 = arith.select %ge3A_1400, %select_n3A_732, %select_n3A_867 : vector<16xi1>, vector<16xi32>
      %ge3A_1403 = arith.cmpf oge, %max3A_1380, %max3A_1392 : vector<16xf32>
      %max3A_1404 = arith.maximumf %max3A_1380, %max3A_1392 : vector<16xf32>
      %min3A_1405 = arith.minimumf %max3A_1380, %max3A_1392 : vector<16xf32>
      %select_n3A_1406 = arith.select %ge3A_1403, %select_n3A_1381, %select_n3A_1393 : vector<16xi1>, vector<16xi32>
      %select_n3A_1407 = arith.select %ge3A_1403, %select_n3A_1393, %select_n3A_1381 : vector<16xi1>, vector<16xi32>
      %ge3A_1408 = arith.cmpf oge, %max3A_1383, %max3A_1395 : vector<16xf32>
      %max3A_1409 = arith.maximumf %max3A_1383, %max3A_1395 : vector<16xf32>
      %min3A_1410 = arith.minimumf %max3A_1383, %max3A_1395 : vector<16xf32>
      %select_n3A_1411 = arith.select %ge3A_1408, %select_n3A_1384, %select_n3A_1396 : vector<16xi1>, vector<16xi32>
      %select_n3A_1412 = arith.select %ge3A_1408, %select_n3A_1396, %select_n3A_1384 : vector<16xi1>, vector<16xi32>
      %ge3A_1413 = arith.cmpf oge, %max3A_1386, %max3A_1398 : vector<16xf32>
      %max3A_1414 = arith.maximumf %max3A_1386, %max3A_1398 : vector<16xf32>
      %min3A_1415 = arith.minimumf %max3A_1386, %max3A_1398 : vector<16xf32>
      %select_n3A_1416 = arith.select %ge3A_1413, %select_n3A_1387, %select_n3A_1399 : vector<16xi1>, vector<16xi32>
      %select_n3A_1417 = arith.select %ge3A_1413, %select_n3A_1399, %select_n3A_1387 : vector<16xi1>, vector<16xi32>
      %ge3A_1418 = arith.cmpf oge, %max3A_1389, %max3A_1401 : vector<16xf32>
      %max3A_1419 = arith.maximumf %max3A_1389, %max3A_1401 : vector<16xf32>
      %min3A_1420 = arith.minimumf %max3A_1389, %max3A_1401 : vector<16xf32>
      %select_n3A_1421 = arith.select %ge3A_1418, %select_n3A_1390, %select_n3A_1402 : vector<16xi1>, vector<16xi32>
      %select_n3A_1422 = arith.select %ge3A_1418, %select_n3A_1402, %select_n3A_1390 : vector<16xi1>, vector<16xi32>
      %ge3A_1423 = arith.cmpf oge, %max3A_1404, %max3A_1414 : vector<16xf32>
      %max3A_1424 = arith.maximumf %max3A_1404, %max3A_1414 : vector<16xf32>
      %min3A_1425 = arith.minimumf %max3A_1404, %max3A_1414 : vector<16xf32>
      %select_n3A_1426 = arith.select %ge3A_1423, %select_n3A_1406, %select_n3A_1416 : vector<16xi1>, vector<16xi32>
      %select_n3A_1427 = arith.select %ge3A_1423, %select_n3A_1416, %select_n3A_1406 : vector<16xi1>, vector<16xi32>
      %ge3A_1428 = arith.cmpf oge, %max3A_1409, %max3A_1419 : vector<16xf32>
      %max3A_1429 = arith.maximumf %max3A_1409, %max3A_1419 : vector<16xf32>
      %min3A_1430 = arith.minimumf %max3A_1409, %max3A_1419 : vector<16xf32>
      %select_n3A_1431 = arith.select %ge3A_1428, %select_n3A_1411, %select_n3A_1421 : vector<16xi1>, vector<16xi32>
      %select_n3A_1432 = arith.select %ge3A_1428, %select_n3A_1421, %select_n3A_1411 : vector<16xi1>, vector<16xi32>
      %ge3A_1433 = arith.cmpf oge, %min3A_1405, %min3A_1415 : vector<16xf32>
      %max3A_1434 = arith.maximumf %min3A_1405, %min3A_1415 : vector<16xf32>
      %min3A_1435 = arith.minimumf %min3A_1405, %min3A_1415 : vector<16xf32>
      %select_n3A_1436 = arith.select %ge3A_1433, %select_n3A_1407, %select_n3A_1417 : vector<16xi1>, vector<16xi32>
      %select_n3A_1437 = arith.select %ge3A_1433, %select_n3A_1417, %select_n3A_1407 : vector<16xi1>, vector<16xi32>
      %ge3A_1438 = arith.cmpf oge, %min3A_1410, %min3A_1420 : vector<16xf32>
      %max3A_1439 = arith.maximumf %min3A_1410, %min3A_1420 : vector<16xf32>
      %min3A_1440 = arith.minimumf %min3A_1410, %min3A_1420 : vector<16xf32>
      %select_n3A_1441 = arith.select %ge3A_1438, %select_n3A_1412, %select_n3A_1422 : vector<16xi1>, vector<16xi32>
      %select_n3A_1442 = arith.select %ge3A_1438, %select_n3A_1422, %select_n3A_1412 : vector<16xi1>, vector<16xi32>
      %ge3A_1443 = arith.cmpf oge, %max3A_1424, %max3A_1429 : vector<16xf32>
      %max3A_1444 = arith.maximumf %max3A_1424, %max3A_1429 : vector<16xf32>
      %min3A_1445 = arith.minimumf %max3A_1424, %max3A_1429 : vector<16xf32>
      %select_n3A_1446 = arith.select %ge3A_1443, %select_n3A_1426, %select_n3A_1431 : vector<16xi1>, vector<16xi32>
      %select_n3A_1447 = arith.select %ge3A_1443, %select_n3A_1431, %select_n3A_1426 : vector<16xi1>, vector<16xi32>
      %ge3A_1448 = arith.cmpf oge, %min3A_1425, %min3A_1430 : vector<16xf32>
      %max3A_1449 = arith.maximumf %min3A_1425, %min3A_1430 : vector<16xf32>
      %min3A_1450 = arith.minimumf %min3A_1425, %min3A_1430 : vector<16xf32>
      %select_n3A_1451 = arith.select %ge3A_1448, %select_n3A_1427, %select_n3A_1432 : vector<16xi1>, vector<16xi32>
      %select_n3A_1452 = arith.select %ge3A_1448, %select_n3A_1432, %select_n3A_1427 : vector<16xi1>, vector<16xi32>
      %ge3A_1453 = arith.cmpf oge, %max3A_1434, %max3A_1439 : vector<16xf32>
      %max3A_1454 = arith.maximumf %max3A_1434, %max3A_1439 : vector<16xf32>
      %min3A_1455 = arith.minimumf %max3A_1434, %max3A_1439 : vector<16xf32>
      %select_n3A_1456 = arith.select %ge3A_1453, %select_n3A_1436, %select_n3A_1441 : vector<16xi1>, vector<16xi32>
      %select_n3A_1457 = arith.select %ge3A_1453, %select_n3A_1441, %select_n3A_1436 : vector<16xi1>, vector<16xi32>
      %ge3A_1458 = arith.cmpf oge, %min3A_1435, %min3A_1440 : vector<16xf32>
      %max3A_1459 = arith.maximumf %min3A_1435, %min3A_1440 : vector<16xf32>
      %min3A_1460 = arith.minimumf %min3A_1435, %min3A_1440 : vector<16xf32>
      %select_n3A_1461 = arith.select %ge3A_1458, %select_n3A_1437, %select_n3A_1442 : vector<16xi1>, vector<16xi32>
      %select_n3A_1462 = arith.select %ge3A_1458, %select_n3A_1442, %select_n3A_1437 : vector<16xi1>, vector<16xi32>
      %ge3A_1463 = arith.cmpf oge, %max3A_1016, %min3A_1183 : vector<16xf32>
      %max3A_1464 = arith.maximumf %max3A_1016, %min3A_1183 : vector<16xf32>
      %select_n3A_1465 = arith.select %ge3A_1463, %select_n3A_1018, %select_n3A_1185 : vector<16xi1>, vector<16xi32>
      %ge3A_1466 = arith.cmpf oge, %max3A_1046, %min3A_1208 : vector<16xf32>
      %max3A_1467 = arith.maximumf %max3A_1046, %min3A_1208 : vector<16xf32>
      %select_n3A_1468 = arith.select %ge3A_1466, %select_n3A_1048, %select_n3A_1210 : vector<16xi1>, vector<16xi32>
      %ge3A_1469 = arith.cmpf oge, %min3A_1047, %max3A_1207 : vector<16xf32>
      %max3A_1470 = arith.maximumf %min3A_1047, %max3A_1207 : vector<16xf32>
      %select_n3A_1471 = arith.select %ge3A_1469, %select_n3A_1049, %select_n3A_1209 : vector<16xi1>, vector<16xi32>
      %ge3A_1472 = arith.cmpf oge, %max3A_1051, %min3A_1203 : vector<16xf32>
      %max3A_1473 = arith.maximumf %max3A_1051, %min3A_1203 : vector<16xf32>
      %select_n3A_1474 = arith.select %ge3A_1472, %select_n3A_1053, %select_n3A_1205 : vector<16xi1>, vector<16xi32>
      %ge3A_1475 = arith.cmpf oge, %min3A_1052, %max3A_1202 : vector<16xf32>
      %max3A_1476 = arith.maximumf %min3A_1052, %max3A_1202 : vector<16xf32>
      %select_n3A_1477 = arith.select %ge3A_1475, %select_n3A_1054, %select_n3A_1204 : vector<16xi1>, vector<16xi32>
      %ge3A_1478 = arith.cmpf oge, %max3A_1056, %min3A_1198 : vector<16xf32>
      %max3A_1479 = arith.maximumf %max3A_1056, %min3A_1198 : vector<16xf32>
      %select_n3A_1480 = arith.select %ge3A_1478, %select_n3A_1058, %select_n3A_1200 : vector<16xi1>, vector<16xi32>
      %ge3A_1481 = arith.cmpf oge, %min3A_1057, %max3A_1197 : vector<16xf32>
      %max3A_1482 = arith.maximumf %min3A_1057, %max3A_1197 : vector<16xf32>
      %select_n3A_1483 = arith.select %ge3A_1481, %select_n3A_1059, %select_n3A_1199 : vector<16xi1>, vector<16xi32>
      %ge3A_1484 = arith.cmpf oge, %min3A_1032, %max3A_1167 : vector<16xf32>
      %max3A_1485 = arith.maximumf %min3A_1032, %max3A_1167 : vector<16xf32>
      %select_n3A_1486 = arith.select %ge3A_1484, %select_n3A_1034, %select_n3A_1169 : vector<16xi1>, vector<16xi32>
      %ge3A_1487 = arith.cmpf oge, %max3A_1464, %max3A_1476 : vector<16xf32>
      %max3A_1488 = arith.maximumf %max3A_1464, %max3A_1476 : vector<16xf32>
      %min3A_1489 = arith.minimumf %max3A_1464, %max3A_1476 : vector<16xf32>
      %select_n3A_1490 = arith.select %ge3A_1487, %select_n3A_1465, %select_n3A_1477 : vector<16xi1>, vector<16xi32>
      %select_n3A_1491 = arith.select %ge3A_1487, %select_n3A_1477, %select_n3A_1465 : vector<16xi1>, vector<16xi32>
      %ge3A_1492 = arith.cmpf oge, %max3A_1467, %max3A_1479 : vector<16xf32>
      %max3A_1493 = arith.maximumf %max3A_1467, %max3A_1479 : vector<16xf32>
      %min3A_1494 = arith.minimumf %max3A_1467, %max3A_1479 : vector<16xf32>
      %select_n3A_1495 = arith.select %ge3A_1492, %select_n3A_1468, %select_n3A_1480 : vector<16xi1>, vector<16xi32>
      %select_n3A_1496 = arith.select %ge3A_1492, %select_n3A_1480, %select_n3A_1468 : vector<16xi1>, vector<16xi32>
      %ge3A_1497 = arith.cmpf oge, %max3A_1470, %max3A_1482 : vector<16xf32>
      %max3A_1498 = arith.maximumf %max3A_1470, %max3A_1482 : vector<16xf32>
      %min3A_1499 = arith.minimumf %max3A_1470, %max3A_1482 : vector<16xf32>
      %select_n3A_1500 = arith.select %ge3A_1497, %select_n3A_1471, %select_n3A_1483 : vector<16xi1>, vector<16xi32>
      %select_n3A_1501 = arith.select %ge3A_1497, %select_n3A_1483, %select_n3A_1471 : vector<16xi1>, vector<16xi32>
      %ge3A_1502 = arith.cmpf oge, %max3A_1473, %max3A_1485 : vector<16xf32>
      %max3A_1503 = arith.maximumf %max3A_1473, %max3A_1485 : vector<16xf32>
      %min3A_1504 = arith.minimumf %max3A_1473, %max3A_1485 : vector<16xf32>
      %select_n3A_1505 = arith.select %ge3A_1502, %select_n3A_1474, %select_n3A_1486 : vector<16xi1>, vector<16xi32>
      %select_n3A_1506 = arith.select %ge3A_1502, %select_n3A_1486, %select_n3A_1474 : vector<16xi1>, vector<16xi32>
      %ge3A_1507 = arith.cmpf oge, %max3A_1488, %max3A_1498 : vector<16xf32>
      %max3A_1508 = arith.maximumf %max3A_1488, %max3A_1498 : vector<16xf32>
      %min3A_1509 = arith.minimumf %max3A_1488, %max3A_1498 : vector<16xf32>
      %select_n3A_1510 = arith.select %ge3A_1507, %select_n3A_1490, %select_n3A_1500 : vector<16xi1>, vector<16xi32>
      %select_n3A_1511 = arith.select %ge3A_1507, %select_n3A_1500, %select_n3A_1490 : vector<16xi1>, vector<16xi32>
      %ge3A_1512 = arith.cmpf oge, %max3A_1493, %max3A_1503 : vector<16xf32>
      %max3A_1513 = arith.maximumf %max3A_1493, %max3A_1503 : vector<16xf32>
      %min3A_1514 = arith.minimumf %max3A_1493, %max3A_1503 : vector<16xf32>
      %select_n3A_1515 = arith.select %ge3A_1512, %select_n3A_1495, %select_n3A_1505 : vector<16xi1>, vector<16xi32>
      %select_n3A_1516 = arith.select %ge3A_1512, %select_n3A_1505, %select_n3A_1495 : vector<16xi1>, vector<16xi32>
      %ge3A_1517 = arith.cmpf oge, %min3A_1489, %min3A_1499 : vector<16xf32>
      %max3A_1518 = arith.maximumf %min3A_1489, %min3A_1499 : vector<16xf32>
      %min3A_1519 = arith.minimumf %min3A_1489, %min3A_1499 : vector<16xf32>
      %select_n3A_1520 = arith.select %ge3A_1517, %select_n3A_1491, %select_n3A_1501 : vector<16xi1>, vector<16xi32>
      %select_n3A_1521 = arith.select %ge3A_1517, %select_n3A_1501, %select_n3A_1491 : vector<16xi1>, vector<16xi32>
      %ge3A_1522 = arith.cmpf oge, %min3A_1494, %min3A_1504 : vector<16xf32>
      %max3A_1523 = arith.maximumf %min3A_1494, %min3A_1504 : vector<16xf32>
      %min3A_1524 = arith.minimumf %min3A_1494, %min3A_1504 : vector<16xf32>
      %select_n3A_1525 = arith.select %ge3A_1522, %select_n3A_1496, %select_n3A_1506 : vector<16xi1>, vector<16xi32>
      %select_n3A_1526 = arith.select %ge3A_1522, %select_n3A_1506, %select_n3A_1496 : vector<16xi1>, vector<16xi32>
      %ge3A_1527 = arith.cmpf oge, %max3A_1508, %max3A_1513 : vector<16xf32>
      %max3A_1528 = arith.maximumf %max3A_1508, %max3A_1513 : vector<16xf32>
      %min3A_1529 = arith.minimumf %max3A_1508, %max3A_1513 : vector<16xf32>
      %select_n3A_1530 = arith.select %ge3A_1527, %select_n3A_1510, %select_n3A_1515 : vector<16xi1>, vector<16xi32>
      %select_n3A_1531 = arith.select %ge3A_1527, %select_n3A_1515, %select_n3A_1510 : vector<16xi1>, vector<16xi32>
      %ge3A_1532 = arith.cmpf oge, %min3A_1509, %min3A_1514 : vector<16xf32>
      %max3A_1533 = arith.maximumf %min3A_1509, %min3A_1514 : vector<16xf32>
      %min3A_1534 = arith.minimumf %min3A_1509, %min3A_1514 : vector<16xf32>
      %select_n3A_1535 = arith.select %ge3A_1532, %select_n3A_1511, %select_n3A_1516 : vector<16xi1>, vector<16xi32>
      %select_n3A_1536 = arith.select %ge3A_1532, %select_n3A_1516, %select_n3A_1511 : vector<16xi1>, vector<16xi32>
      %ge3A_1537 = arith.cmpf oge, %max3A_1518, %max3A_1523 : vector<16xf32>
      %max3A_1538 = arith.maximumf %max3A_1518, %max3A_1523 : vector<16xf32>
      %min3A_1539 = arith.minimumf %max3A_1518, %max3A_1523 : vector<16xf32>
      %select_n3A_1540 = arith.select %ge3A_1537, %select_n3A_1520, %select_n3A_1525 : vector<16xi1>, vector<16xi32>
      %select_n3A_1541 = arith.select %ge3A_1537, %select_n3A_1525, %select_n3A_1520 : vector<16xi1>, vector<16xi32>
      %ge3A_1542 = arith.cmpf oge, %min3A_1519, %min3A_1524 : vector<16xf32>
      %max3A_1543 = arith.maximumf %min3A_1519, %min3A_1524 : vector<16xf32>
      %min3A_1544 = arith.minimumf %min3A_1519, %min3A_1524 : vector<16xf32>
      %select_n3A_1545 = arith.select %ge3A_1542, %select_n3A_1521, %select_n3A_1526 : vector<16xi1>, vector<16xi32>
      %select_n3A_1546 = arith.select %ge3A_1542, %select_n3A_1526, %select_n3A_1521 : vector<16xi1>, vector<16xi32>
      %ge3A_1547 = arith.cmpf oge, %max3A_1276, %min3A_1376 : vector<16xf32>
      %max3A_1548 = arith.maximumf %max3A_1276, %min3A_1376 : vector<16xf32>
      %select_n3A_1549 = arith.select %ge3A_1547, %select_n3A_1278, %select_n3A_1378 : vector<16xi1>, vector<16xi32>
      %ge3A_1550 = arith.cmpf oge, %min3A_1277, %max3A_1375 : vector<16xf32>
      %max3A_1551 = arith.maximumf %min3A_1277, %max3A_1375 : vector<16xf32>
      %select_n3A_1552 = arith.select %ge3A_1550, %select_n3A_1279, %select_n3A_1377 : vector<16xi1>, vector<16xi32>
      %ge3A_1553 = arith.cmpf oge, %max3A_1281, %min3A_1371 : vector<16xf32>
      %max3A_1554 = arith.maximumf %max3A_1281, %min3A_1371 : vector<16xf32>
      %select_n3A_1555 = arith.select %ge3A_1553, %select_n3A_1283, %select_n3A_1373 : vector<16xi1>, vector<16xi32>
      %ge3A_1556 = arith.cmpf oge, %min3A_1282, %max3A_1370 : vector<16xf32>
      %max3A_1557 = arith.maximumf %min3A_1282, %max3A_1370 : vector<16xf32>
      %select_n3A_1558 = arith.select %ge3A_1556, %select_n3A_1284, %select_n3A_1372 : vector<16xi1>, vector<16xi32>
      %ge3A_1559 = arith.cmpf oge, %max3A_1286, %min3A_1366 : vector<16xf32>
      %max3A_1560 = arith.maximumf %max3A_1286, %min3A_1366 : vector<16xf32>
      %select_n3A_1561 = arith.select %ge3A_1559, %select_n3A_1288, %select_n3A_1368 : vector<16xi1>, vector<16xi32>
      %ge3A_1562 = arith.cmpf oge, %min3A_1287, %max3A_1365 : vector<16xf32>
      %max3A_1563 = arith.maximumf %min3A_1287, %max3A_1365 : vector<16xf32>
      %select_n3A_1564 = arith.select %ge3A_1562, %select_n3A_1289, %select_n3A_1367 : vector<16xi1>, vector<16xi32>
      %ge3A_1565 = arith.cmpf oge, %max3A_1291, %min3A_1361 : vector<16xf32>
      %max3A_1566 = arith.maximumf %max3A_1291, %min3A_1361 : vector<16xf32>
      %select_n3A_1567 = arith.select %ge3A_1565, %select_n3A_1293, %select_n3A_1363 : vector<16xi1>, vector<16xi32>
      %ge3A_1568 = arith.cmpf oge, %min3A_1292, %max3A_1360 : vector<16xf32>
      %max3A_1569 = arith.maximumf %min3A_1292, %max3A_1360 : vector<16xf32>
      %select_n3A_1570 = arith.select %ge3A_1568, %select_n3A_1294, %select_n3A_1362 : vector<16xi1>, vector<16xi32>
      %ge3A_1571 = arith.cmpf oge, %max3A_1548, %max3A_1560 : vector<16xf32>
      %max3A_1572 = arith.maximumf %max3A_1548, %max3A_1560 : vector<16xf32>
      %min3A_1573 = arith.minimumf %max3A_1548, %max3A_1560 : vector<16xf32>
      %select_n3A_1574 = arith.select %ge3A_1571, %select_n3A_1549, %select_n3A_1561 : vector<16xi1>, vector<16xi32>
      %select_n3A_1575 = arith.select %ge3A_1571, %select_n3A_1561, %select_n3A_1549 : vector<16xi1>, vector<16xi32>
      %ge3A_1576 = arith.cmpf oge, %max3A_1551, %max3A_1563 : vector<16xf32>
      %max3A_1577 = arith.maximumf %max3A_1551, %max3A_1563 : vector<16xf32>
      %min3A_1578 = arith.minimumf %max3A_1551, %max3A_1563 : vector<16xf32>
      %select_n3A_1579 = arith.select %ge3A_1576, %select_n3A_1552, %select_n3A_1564 : vector<16xi1>, vector<16xi32>
      %select_n3A_1580 = arith.select %ge3A_1576, %select_n3A_1564, %select_n3A_1552 : vector<16xi1>, vector<16xi32>
      %ge3A_1581 = arith.cmpf oge, %max3A_1554, %max3A_1566 : vector<16xf32>
      %max3A_1582 = arith.maximumf %max3A_1554, %max3A_1566 : vector<16xf32>
      %min3A_1583 = arith.minimumf %max3A_1554, %max3A_1566 : vector<16xf32>
      %select_n3A_1584 = arith.select %ge3A_1581, %select_n3A_1555, %select_n3A_1567 : vector<16xi1>, vector<16xi32>
      %select_n3A_1585 = arith.select %ge3A_1581, %select_n3A_1567, %select_n3A_1555 : vector<16xi1>, vector<16xi32>
      %ge3A_1586 = arith.cmpf oge, %max3A_1557, %max3A_1569 : vector<16xf32>
      %max3A_1587 = arith.maximumf %max3A_1557, %max3A_1569 : vector<16xf32>
      %min3A_1588 = arith.minimumf %max3A_1557, %max3A_1569 : vector<16xf32>
      %select_n3A_1589 = arith.select %ge3A_1586, %select_n3A_1558, %select_n3A_1570 : vector<16xi1>, vector<16xi32>
      %select_n3A_1590 = arith.select %ge3A_1586, %select_n3A_1570, %select_n3A_1558 : vector<16xi1>, vector<16xi32>
      %ge3A_1591 = arith.cmpf oge, %max3A_1572, %max3A_1582 : vector<16xf32>
      %max3A_1592 = arith.maximumf %max3A_1572, %max3A_1582 : vector<16xf32>
      %min3A_1593 = arith.minimumf %max3A_1572, %max3A_1582 : vector<16xf32>
      %select_n3A_1594 = arith.select %ge3A_1591, %select_n3A_1574, %select_n3A_1584 : vector<16xi1>, vector<16xi32>
      %select_n3A_1595 = arith.select %ge3A_1591, %select_n3A_1584, %select_n3A_1574 : vector<16xi1>, vector<16xi32>
      %ge3A_1596 = arith.cmpf oge, %max3A_1577, %max3A_1587 : vector<16xf32>
      %max3A_1597 = arith.maximumf %max3A_1577, %max3A_1587 : vector<16xf32>
      %min3A_1598 = arith.minimumf %max3A_1577, %max3A_1587 : vector<16xf32>
      %select_n3A_1599 = arith.select %ge3A_1596, %select_n3A_1579, %select_n3A_1589 : vector<16xi1>, vector<16xi32>
      %select_n3A_1600 = arith.select %ge3A_1596, %select_n3A_1589, %select_n3A_1579 : vector<16xi1>, vector<16xi32>
      %ge3A_1601 = arith.cmpf oge, %min3A_1573, %min3A_1583 : vector<16xf32>
      %max3A_1602 = arith.maximumf %min3A_1573, %min3A_1583 : vector<16xf32>
      %min3A_1603 = arith.minimumf %min3A_1573, %min3A_1583 : vector<16xf32>
      %select_n3A_1604 = arith.select %ge3A_1601, %select_n3A_1575, %select_n3A_1585 : vector<16xi1>, vector<16xi32>
      %select_n3A_1605 = arith.select %ge3A_1601, %select_n3A_1585, %select_n3A_1575 : vector<16xi1>, vector<16xi32>
      %ge3A_1606 = arith.cmpf oge, %min3A_1578, %min3A_1588 : vector<16xf32>
      %max3A_1607 = arith.maximumf %min3A_1578, %min3A_1588 : vector<16xf32>
      %min3A_1608 = arith.minimumf %min3A_1578, %min3A_1588 : vector<16xf32>
      %select_n3A_1609 = arith.select %ge3A_1606, %select_n3A_1580, %select_n3A_1590 : vector<16xi1>, vector<16xi32>
      %select_n3A_1610 = arith.select %ge3A_1606, %select_n3A_1590, %select_n3A_1580 : vector<16xi1>, vector<16xi32>
      %ge3A_1611 = arith.cmpf oge, %max3A_1592, %max3A_1597 : vector<16xf32>
      %max3A_1612 = arith.maximumf %max3A_1592, %max3A_1597 : vector<16xf32>
      %min3A_1613 = arith.minimumf %max3A_1592, %max3A_1597 : vector<16xf32>
      %select_n3A_1614 = arith.select %ge3A_1611, %select_n3A_1594, %select_n3A_1599 : vector<16xi1>, vector<16xi32>
      %select_n3A_1615 = arith.select %ge3A_1611, %select_n3A_1599, %select_n3A_1594 : vector<16xi1>, vector<16xi32>
      %ge3A_1616 = arith.cmpf oge, %min3A_1593, %min3A_1598 : vector<16xf32>
      %max3A_1617 = arith.maximumf %min3A_1593, %min3A_1598 : vector<16xf32>
      %min3A_1618 = arith.minimumf %min3A_1593, %min3A_1598 : vector<16xf32>
      %select_n3A_1619 = arith.select %ge3A_1616, %select_n3A_1595, %select_n3A_1600 : vector<16xi1>, vector<16xi32>
      %select_n3A_1620 = arith.select %ge3A_1616, %select_n3A_1600, %select_n3A_1595 : vector<16xi1>, vector<16xi32>
      %ge3A_1621 = arith.cmpf oge, %max3A_1602, %max3A_1607 : vector<16xf32>
      %max3A_1622 = arith.maximumf %max3A_1602, %max3A_1607 : vector<16xf32>
      %min3A_1623 = arith.minimumf %max3A_1602, %max3A_1607 : vector<16xf32>
      %select_n3A_1624 = arith.select %ge3A_1621, %select_n3A_1604, %select_n3A_1609 : vector<16xi1>, vector<16xi32>
      %select_n3A_1625 = arith.select %ge3A_1621, %select_n3A_1609, %select_n3A_1604 : vector<16xi1>, vector<16xi32>
      %ge3A_1626 = arith.cmpf oge, %min3A_1603, %min3A_1608 : vector<16xf32>
      %max3A_1627 = arith.maximumf %min3A_1603, %min3A_1608 : vector<16xf32>
      %min3A_1628 = arith.minimumf %min3A_1603, %min3A_1608 : vector<16xf32>
      %select_n3A_1629 = arith.select %ge3A_1626, %select_n3A_1605, %select_n3A_1610 : vector<16xi1>, vector<16xi32>
      %select_n3A_1630 = arith.select %ge3A_1626, %select_n3A_1610, %select_n3A_1605 : vector<16xi1>, vector<16xi32>
      %ge3A_1631 = arith.cmpf oge, %max3A_1444, %min3A_1544 : vector<16xf32>
      %max3A_1632 = arith.maximumf %max3A_1444, %min3A_1544 : vector<16xf32>
      %select_n3A_1633 = arith.select %ge3A_1631, %select_n3A_1446, %select_n3A_1546 : vector<16xi1>, vector<16xi32>
      %ge3A_1634 = arith.cmpf oge, %min3A_1445, %max3A_1543 : vector<16xf32>
      %max3A_1635 = arith.maximumf %min3A_1445, %max3A_1543 : vector<16xf32>
      %select_n3A_1636 = arith.select %ge3A_1634, %select_n3A_1447, %select_n3A_1545 : vector<16xi1>, vector<16xi32>
      %ge3A_1637 = arith.cmpf oge, %max3A_1449, %min3A_1539 : vector<16xf32>
      %max3A_1638 = arith.maximumf %max3A_1449, %min3A_1539 : vector<16xf32>
      %select_n3A_1639 = arith.select %ge3A_1637, %select_n3A_1451, %select_n3A_1541 : vector<16xi1>, vector<16xi32>
      %ge3A_1640 = arith.cmpf oge, %min3A_1450, %max3A_1538 : vector<16xf32>
      %max3A_1641 = arith.maximumf %min3A_1450, %max3A_1538 : vector<16xf32>
      %select_n3A_1642 = arith.select %ge3A_1640, %select_n3A_1452, %select_n3A_1540 : vector<16xi1>, vector<16xi32>
      %ge3A_1643 = arith.cmpf oge, %max3A_1454, %min3A_1534 : vector<16xf32>
      %max3A_1644 = arith.maximumf %max3A_1454, %min3A_1534 : vector<16xf32>
      %select_n3A_1645 = arith.select %ge3A_1643, %select_n3A_1456, %select_n3A_1536 : vector<16xi1>, vector<16xi32>
      %ge3A_1646 = arith.cmpf oge, %min3A_1455, %max3A_1533 : vector<16xf32>
      %max3A_1647 = arith.maximumf %min3A_1455, %max3A_1533 : vector<16xf32>
      %select_n3A_1648 = arith.select %ge3A_1646, %select_n3A_1457, %select_n3A_1535 : vector<16xi1>, vector<16xi32>
      %ge3A_1649 = arith.cmpf oge, %max3A_1459, %min3A_1529 : vector<16xf32>
      %max3A_1650 = arith.maximumf %max3A_1459, %min3A_1529 : vector<16xf32>
      %select_n3A_1651 = arith.select %ge3A_1649, %select_n3A_1461, %select_n3A_1531 : vector<16xi1>, vector<16xi32>
      %ge3A_1652 = arith.cmpf oge, %min3A_1460, %max3A_1528 : vector<16xf32>
      %max3A_1653 = arith.maximumf %min3A_1460, %max3A_1528 : vector<16xf32>
      %select_n3A_1654 = arith.select %ge3A_1652, %select_n3A_1462, %select_n3A_1530 : vector<16xi1>, vector<16xi32>
      %ge3A_1655 = arith.cmpf oge, %max3A_1632, %max3A_1644 : vector<16xf32>
      %max3A_1656 = arith.maximumf %max3A_1632, %max3A_1644 : vector<16xf32>
      %min3A_1657 = arith.minimumf %max3A_1632, %max3A_1644 : vector<16xf32>
      %select_n3A_1658 = arith.select %ge3A_1655, %select_n3A_1633, %select_n3A_1645 : vector<16xi1>, vector<16xi32>
      %select_n3A_1659 = arith.select %ge3A_1655, %select_n3A_1645, %select_n3A_1633 : vector<16xi1>, vector<16xi32>
      %ge3A_1660 = arith.cmpf oge, %max3A_1635, %max3A_1647 : vector<16xf32>
      %max3A_1661 = arith.maximumf %max3A_1635, %max3A_1647 : vector<16xf32>
      %min3A_1662 = arith.minimumf %max3A_1635, %max3A_1647 : vector<16xf32>
      %select_n3A_1663 = arith.select %ge3A_1660, %select_n3A_1636, %select_n3A_1648 : vector<16xi1>, vector<16xi32>
      %select_n3A_1664 = arith.select %ge3A_1660, %select_n3A_1648, %select_n3A_1636 : vector<16xi1>, vector<16xi32>
      %ge3A_1665 = arith.cmpf oge, %max3A_1638, %max3A_1650 : vector<16xf32>
      %max3A_1666 = arith.maximumf %max3A_1638, %max3A_1650 : vector<16xf32>
      %min3A_1667 = arith.minimumf %max3A_1638, %max3A_1650 : vector<16xf32>
      %select_n3A_1668 = arith.select %ge3A_1665, %select_n3A_1639, %select_n3A_1651 : vector<16xi1>, vector<16xi32>
      %select_n3A_1669 = arith.select %ge3A_1665, %select_n3A_1651, %select_n3A_1639 : vector<16xi1>, vector<16xi32>
      %ge3A_1670 = arith.cmpf oge, %max3A_1641, %max3A_1653 : vector<16xf32>
      %max3A_1671 = arith.maximumf %max3A_1641, %max3A_1653 : vector<16xf32>
      %min3A_1672 = arith.minimumf %max3A_1641, %max3A_1653 : vector<16xf32>
      %select_n3A_1673 = arith.select %ge3A_1670, %select_n3A_1642, %select_n3A_1654 : vector<16xi1>, vector<16xi32>
      %select_n3A_1674 = arith.select %ge3A_1670, %select_n3A_1654, %select_n3A_1642 : vector<16xi1>, vector<16xi32>
      %ge3A_1675 = arith.cmpf oge, %max3A_1656, %max3A_1666 : vector<16xf32>
      %max3A_1676 = arith.maximumf %max3A_1656, %max3A_1666 : vector<16xf32>
      %min3A_1677 = arith.minimumf %max3A_1656, %max3A_1666 : vector<16xf32>
      %select_n3A_1678 = arith.select %ge3A_1675, %select_n3A_1658, %select_n3A_1668 : vector<16xi1>, vector<16xi32>
      %select_n3A_1679 = arith.select %ge3A_1675, %select_n3A_1668, %select_n3A_1658 : vector<16xi1>, vector<16xi32>
      %ge3A_1680 = arith.cmpf oge, %max3A_1661, %max3A_1671 : vector<16xf32>
      %max3A_1681 = arith.maximumf %max3A_1661, %max3A_1671 : vector<16xf32>
      %min3A_1682 = arith.minimumf %max3A_1661, %max3A_1671 : vector<16xf32>
      %select_n3A_1683 = arith.select %ge3A_1680, %select_n3A_1663, %select_n3A_1673 : vector<16xi1>, vector<16xi32>
      %select_n3A_1684 = arith.select %ge3A_1680, %select_n3A_1673, %select_n3A_1663 : vector<16xi1>, vector<16xi32>
      %ge3A_1685 = arith.cmpf oge, %min3A_1657, %min3A_1667 : vector<16xf32>
      %max3A_1686 = arith.maximumf %min3A_1657, %min3A_1667 : vector<16xf32>
      %min3A_1687 = arith.minimumf %min3A_1657, %min3A_1667 : vector<16xf32>
      %select_n3A_1688 = arith.select %ge3A_1685, %select_n3A_1659, %select_n3A_1669 : vector<16xi1>, vector<16xi32>
      %select_n3A_1689 = arith.select %ge3A_1685, %select_n3A_1669, %select_n3A_1659 : vector<16xi1>, vector<16xi32>
      %ge3A_1690 = arith.cmpf oge, %min3A_1662, %min3A_1672 : vector<16xf32>
      %max3A_1691 = arith.maximumf %min3A_1662, %min3A_1672 : vector<16xf32>
      %min3A_1692 = arith.minimumf %min3A_1662, %min3A_1672 : vector<16xf32>
      %select_n3A_1693 = arith.select %ge3A_1690, %select_n3A_1664, %select_n3A_1674 : vector<16xi1>, vector<16xi32>
      %select_n3A_1694 = arith.select %ge3A_1690, %select_n3A_1674, %select_n3A_1664 : vector<16xi1>, vector<16xi32>
      %ge3A_1695 = arith.cmpf oge, %max3A_1676, %max3A_1681 : vector<16xf32>
      %max3A_1696 = arith.maximumf %max3A_1676, %max3A_1681 : vector<16xf32>
      %min3A_1697 = arith.minimumf %max3A_1676, %max3A_1681 : vector<16xf32>
      %select_n3A_1698 = arith.select %ge3A_1695, %select_n3A_1678, %select_n3A_1683 : vector<16xi1>, vector<16xi32>
      %select_n3A_1699 = arith.select %ge3A_1695, %select_n3A_1683, %select_n3A_1678 : vector<16xi1>, vector<16xi32>
      %ge3A_1700 = arith.cmpf oge, %min3A_1677, %min3A_1682 : vector<16xf32>
      %max3A_1701 = arith.maximumf %min3A_1677, %min3A_1682 : vector<16xf32>
      %min3A_1702 = arith.minimumf %min3A_1677, %min3A_1682 : vector<16xf32>
      %select_n3A_1703 = arith.select %ge3A_1700, %select_n3A_1679, %select_n3A_1684 : vector<16xi1>, vector<16xi32>
      %select_n3A_1704 = arith.select %ge3A_1700, %select_n3A_1684, %select_n3A_1679 : vector<16xi1>, vector<16xi32>
      %ge3A_1705 = arith.cmpf oge, %max3A_1686, %max3A_1691 : vector<16xf32>
      %max3A_1706 = arith.maximumf %max3A_1686, %max3A_1691 : vector<16xf32>
      %min3A_1707 = arith.minimumf %max3A_1686, %max3A_1691 : vector<16xf32>
      %select_n3A_1708 = arith.select %ge3A_1705, %select_n3A_1688, %select_n3A_1693 : vector<16xi1>, vector<16xi32>
      %select_n3A_1709 = arith.select %ge3A_1705, %select_n3A_1693, %select_n3A_1688 : vector<16xi1>, vector<16xi32>
      %ge3A_1710 = arith.cmpf oge, %min3A_1687, %min3A_1692 : vector<16xf32>
      %max3A_1711 = arith.maximumf %min3A_1687, %min3A_1692 : vector<16xf32>
      %min3A_1712 = arith.minimumf %min3A_1687, %min3A_1692 : vector<16xf32>
      %select_n3A_1713 = arith.select %ge3A_1710, %select_n3A_1689, %select_n3A_1694 : vector<16xi1>, vector<16xi32>
      %select_n3A_1714 = arith.select %ge3A_1710, %select_n3A_1694, %select_n3A_1689 : vector<16xi1>, vector<16xi32>
      %ge3A_1715 = arith.cmpf oge, %max3A_1612, %min3A_1712 : vector<16xf32>
      %max3A_1716 = arith.maximumf %max3A_1612, %min3A_1712 : vector<16xf32>
      %select_n3A_1717 = arith.select %ge3A_1715, %select_n3A_1614, %select_n3A_1714 : vector<16xi1>, vector<16xi32>
      %ge3A_1718 = arith.cmpf oge, %min3A_1613, %max3A_1711 : vector<16xf32>
      %max3A_1719 = arith.maximumf %min3A_1613, %max3A_1711 : vector<16xf32>
      %select_n3A_1720 = arith.select %ge3A_1718, %select_n3A_1615, %select_n3A_1713 : vector<16xi1>, vector<16xi32>
      %ge3A_1721 = arith.cmpf oge, %max3A_1617, %min3A_1707 : vector<16xf32>
      %max3A_1722 = arith.maximumf %max3A_1617, %min3A_1707 : vector<16xf32>
      %select_n3A_1723 = arith.select %ge3A_1721, %select_n3A_1619, %select_n3A_1709 : vector<16xi1>, vector<16xi32>
      %ge3A_1724 = arith.cmpf oge, %min3A_1618, %max3A_1706 : vector<16xf32>
      %max3A_1725 = arith.maximumf %min3A_1618, %max3A_1706 : vector<16xf32>
      %select_n3A_1726 = arith.select %ge3A_1724, %select_n3A_1620, %select_n3A_1708 : vector<16xi1>, vector<16xi32>
      %ge3A_1727 = arith.cmpf oge, %max3A_1622, %min3A_1702 : vector<16xf32>
      %max3A_1728 = arith.maximumf %max3A_1622, %min3A_1702 : vector<16xf32>
      %select_n3A_1729 = arith.select %ge3A_1727, %select_n3A_1624, %select_n3A_1704 : vector<16xi1>, vector<16xi32>
      %ge3A_1730 = arith.cmpf oge, %min3A_1623, %max3A_1701 : vector<16xf32>
      %max3A_1731 = arith.maximumf %min3A_1623, %max3A_1701 : vector<16xf32>
      %select_n3A_1732 = arith.select %ge3A_1730, %select_n3A_1625, %select_n3A_1703 : vector<16xi1>, vector<16xi32>
      %ge3A_1733 = arith.cmpf oge, %max3A_1627, %min3A_1697 : vector<16xf32>
      %max3A_1734 = arith.maximumf %max3A_1627, %min3A_1697 : vector<16xf32>
      %select_n3A_1735 = arith.select %ge3A_1733, %select_n3A_1629, %select_n3A_1699 : vector<16xi1>, vector<16xi32>
      %ge3A_1736 = arith.cmpf oge, %min3A_1628, %max3A_1696 : vector<16xf32>
      %max3A_1737 = arith.maximumf %min3A_1628, %max3A_1696 : vector<16xf32>
      %select_n3A_1738 = arith.select %ge3A_1736, %select_n3A_1630, %select_n3A_1698 : vector<16xi1>, vector<16xi32>
      %ge3A_1739 = arith.cmpf oge, %max3A_1716, %max3A_1728 : vector<16xf32>
      %max3A_1740 = arith.maximumf %max3A_1716, %max3A_1728 : vector<16xf32>
      %min3A_1741 = arith.minimumf %max3A_1716, %max3A_1728 : vector<16xf32>
      %select_n3A_1742 = arith.select %ge3A_1739, %select_n3A_1717, %select_n3A_1729 : vector<16xi1>, vector<16xi32>
      %select_n3A_1743 = arith.select %ge3A_1739, %select_n3A_1729, %select_n3A_1717 : vector<16xi1>, vector<16xi32>
      %ge3A_1744 = arith.cmpf oge, %max3A_1719, %max3A_1731 : vector<16xf32>
      %max3A_1745 = arith.maximumf %max3A_1719, %max3A_1731 : vector<16xf32>
      %min3A_1746 = arith.minimumf %max3A_1719, %max3A_1731 : vector<16xf32>
      %select_n3A_1747 = arith.select %ge3A_1744, %select_n3A_1720, %select_n3A_1732 : vector<16xi1>, vector<16xi32>
      %select_n3A_1748 = arith.select %ge3A_1744, %select_n3A_1732, %select_n3A_1720 : vector<16xi1>, vector<16xi32>
      %ge3A_1749 = arith.cmpf oge, %max3A_1722, %max3A_1734 : vector<16xf32>
      %max3A_1750 = arith.maximumf %max3A_1722, %max3A_1734 : vector<16xf32>
      %min3A_1751 = arith.minimumf %max3A_1722, %max3A_1734 : vector<16xf32>
      %select_n3A_1752 = arith.select %ge3A_1749, %select_n3A_1723, %select_n3A_1735 : vector<16xi1>, vector<16xi32>
      %select_n3A_1753 = arith.select %ge3A_1749, %select_n3A_1735, %select_n3A_1723 : vector<16xi1>, vector<16xi32>
      %ge3A_1754 = arith.cmpf oge, %max3A_1725, %max3A_1737 : vector<16xf32>
      %max3A_1755 = arith.maximumf %max3A_1725, %max3A_1737 : vector<16xf32>
      %min3A_1756 = arith.minimumf %max3A_1725, %max3A_1737 : vector<16xf32>
      %select_n3A_1757 = arith.select %ge3A_1754, %select_n3A_1726, %select_n3A_1738 : vector<16xi1>, vector<16xi32>
      %select_n3A_1758 = arith.select %ge3A_1754, %select_n3A_1738, %select_n3A_1726 : vector<16xi1>, vector<16xi32>
      %ge3A_1759 = arith.cmpf oge, %max3A_1740, %max3A_1750 : vector<16xf32>
      %max3A_1760 = arith.maximumf %max3A_1740, %max3A_1750 : vector<16xf32>
      %min3A_1761 = arith.minimumf %max3A_1740, %max3A_1750 : vector<16xf32>
      %select_n3A_1762 = arith.select %ge3A_1759, %select_n3A_1742, %select_n3A_1752 : vector<16xi1>, vector<16xi32>
      %select_n3A_1763 = arith.select %ge3A_1759, %select_n3A_1752, %select_n3A_1742 : vector<16xi1>, vector<16xi32>
      %ge3A_1764 = arith.cmpf oge, %max3A_1745, %max3A_1755 : vector<16xf32>
      %max3A_1765 = arith.maximumf %max3A_1745, %max3A_1755 : vector<16xf32>
      %min3A_1766 = arith.minimumf %max3A_1745, %max3A_1755 : vector<16xf32>
      %select_n3A_1767 = arith.select %ge3A_1764, %select_n3A_1747, %select_n3A_1757 : vector<16xi1>, vector<16xi32>
      %select_n3A_1768 = arith.select %ge3A_1764, %select_n3A_1757, %select_n3A_1747 : vector<16xi1>, vector<16xi32>
      %ge3A_1769 = arith.cmpf oge, %min3A_1741, %min3A_1751 : vector<16xf32>
      %max3A_1770 = arith.maximumf %min3A_1741, %min3A_1751 : vector<16xf32>
      %min3A_1771 = arith.minimumf %min3A_1741, %min3A_1751 : vector<16xf32>
      %select_n3A_1772 = arith.select %ge3A_1769, %select_n3A_1743, %select_n3A_1753 : vector<16xi1>, vector<16xi32>
      %select_n3A_1773 = arith.select %ge3A_1769, %select_n3A_1753, %select_n3A_1743 : vector<16xi1>, vector<16xi32>
      %ge3A_1774 = arith.cmpf oge, %min3A_1746, %min3A_1756 : vector<16xf32>
      %max3A_1775 = arith.maximumf %min3A_1746, %min3A_1756 : vector<16xf32>
      %min3A_1776 = arith.minimumf %min3A_1746, %min3A_1756 : vector<16xf32>
      %select_n3A_1777 = arith.select %ge3A_1774, %select_n3A_1748, %select_n3A_1758 : vector<16xi1>, vector<16xi32>
      %select_n3A_1778 = arith.select %ge3A_1774, %select_n3A_1758, %select_n3A_1748 : vector<16xi1>, vector<16xi32>
      %ge3A_1779 = arith.cmpf oge, %max3A_1760, %max3A_1765 : vector<16xf32>
      %max3A_1780 = arith.maximumf %max3A_1760, %max3A_1765 : vector<16xf32>
      %min3A_1781 = arith.minimumf %max3A_1760, %max3A_1765 : vector<16xf32>
      %select_n3A_1782 = arith.select %ge3A_1779, %select_n3A_1762, %select_n3A_1767 : vector<16xi1>, vector<16xi32>
      %select_n3A_1783 = arith.select %ge3A_1779, %select_n3A_1767, %select_n3A_1762 : vector<16xi1>, vector<16xi32>
      %ge3A_1784 = arith.cmpf oge, %min3A_1761, %min3A_1766 : vector<16xf32>
      %max3A_1785 = arith.maximumf %min3A_1761, %min3A_1766 : vector<16xf32>
      %min3A_1786 = arith.minimumf %min3A_1761, %min3A_1766 : vector<16xf32>
      %select_n3A_1787 = arith.select %ge3A_1784, %select_n3A_1763, %select_n3A_1768 : vector<16xi1>, vector<16xi32>
      %select_n3A_1788 = arith.select %ge3A_1784, %select_n3A_1768, %select_n3A_1763 : vector<16xi1>, vector<16xi32>
      %ge3A_1789 = arith.cmpf oge, %max3A_1770, %max3A_1775 : vector<16xf32>
      %max3A_1790 = arith.maximumf %max3A_1770, %max3A_1775 : vector<16xf32>
      %min3A_1791 = arith.minimumf %max3A_1770, %max3A_1775 : vector<16xf32>
      %select_n3A_1792 = arith.select %ge3A_1789, %select_n3A_1772, %select_n3A_1777 : vector<16xi1>, vector<16xi32>
      %select_n3A_1793 = arith.select %ge3A_1789, %select_n3A_1777, %select_n3A_1772 : vector<16xi1>, vector<16xi32>
      %ge3A_1794 = arith.cmpf oge, %min3A_1771, %min3A_1776 : vector<16xf32>
      %max3A_1795 = arith.maximumf %min3A_1771, %min3A_1776 : vector<16xf32>
      %min3A_1796 = arith.minimumf %min3A_1771, %min3A_1776 : vector<16xf32>
      %select_n3A_1797 = arith.select %ge3A_1794, %select_n3A_1773, %select_n3A_1778 : vector<16xi1>, vector<16xi32>
      %select_n3A_1798 = arith.select %ge3A_1794, %select_n3A_1778, %select_n3A_1773 : vector<16xi1>, vector<16xi32>
      %sub3A = arith.subf %max3A_1780, %max3A_1780 : vector<16xf32>
      %exp3A = math.exp %sub3A : vector<16xf32>
      %sub3A_1799 = arith.subf %min3A_1781, %max3A_1780 : vector<16xf32>
      %exp3A_1800 = math.exp %sub3A_1799 : vector<16xf32>
      %sub3A_1801 = arith.subf %max3A_1785, %max3A_1780 : vector<16xf32>
      %exp3A_1802 = math.exp %sub3A_1801 : vector<16xf32>
      %sub3A_1803 = arith.subf %min3A_1786, %max3A_1780 : vector<16xf32>
      %exp3A_1804 = math.exp %sub3A_1803 : vector<16xf32>
      %sub3A_1805 = arith.subf %max3A_1790, %max3A_1780 : vector<16xf32>
      %exp3A_1806 = math.exp %sub3A_1805 : vector<16xf32>
      %sub3A_1807 = arith.subf %min3A_1791, %max3A_1780 : vector<16xf32>
      %exp3A_1808 = math.exp %sub3A_1807 : vector<16xf32>
      %sub3A_1809 = arith.subf %max3A_1795, %max3A_1780 : vector<16xf32>
      %exp3A_1810 = math.exp %sub3A_1809 : vector<16xf32>
      %sub3A_1811 = arith.subf %min3A_1796, %max3A_1780 : vector<16xf32>
      %exp3A_1812 = math.exp %sub3A_1811 : vector<16xf32>
      %add3A_1813 = arith.addf %exp3A, %exp3A_1800 : vector<16xf32>
      %add3A_1814 = arith.addf %add3A_1813, %exp3A_1802 : vector<16xf32>
      %add3A_1815 = arith.addf %add3A_1814, %exp3A_1804 : vector<16xf32>
      %add3A_1816 = arith.addf %add3A_1815, %exp3A_1806 : vector<16xf32>
      %add3A_1817 = arith.addf %add3A_1816, %exp3A_1808 : vector<16xf32>
      %add3A_1818 = arith.addf %add3A_1817, %exp3A_1810 : vector<16xf32>
      %add3A_1819 = arith.addf %add3A_1818, %exp3A_1812 : vector<16xf32>
      %div3A = arith.divf %exp3A, %add3A_1819 : vector<16xf32>
      %swap3A = arith.constant 0 : i32
      %swap3A_1820 = arith.index_cast %swap3A : i32 to index
      %swap3A_1821 = arith.index_cast %mul3A_8 : i32 to index
      %swap3A_1822 = tpu.vector_load %arg6[%swap3A_1820, %swap3A_1821] {strides = array<i32>} : memref<8x256xf32, #tpu.memory_space<vmem>>, vector<1x16xf32>,
      %swap3A_1823 = vector.shape_cast %swap3A_1822 : vector<1x16xf32> to vector<16xf32>
      %swap3A_1824 = vector.shape_cast %div3A : vector<16xf32> to vector<1x16xf32>
      tpu.vector_store %arg6[%swap3A_1820, %swap3A_1821], %swap3A_1824 {strides = array<i32>} : memref<8x256xf32, #tpu.memory_space<vmem>>, vector<1x16xf32>,
      %swap3A_1825 = arith.constant 0 : i32
      %swap3A_1826 = arith.index_cast %swap3A_1825 : i32 to index
      %swap3A_1827 = arith.index_cast %mul3A_8 : i32 to index
      %swap3A_1828 = tpu.vector_load %arg7[%swap3A_1826, %swap3A_1827] {strides = array<i32>} : memref<8x256xi32, #tpu.memory_space<vmem>>, vector<1x16xi32>,
      %swap3A_1829 = vector.shape_cast %swap3A_1828 : vector<1x16xi32> to vector<16xi32>
      %swap3A_1830 = vector.shape_cast %select_n3A_1782 : vector<16xi32> to vector<1x16xi32>
      tpu.vector_store %arg7[%swap3A_1826, %swap3A_1827], %swap3A_1830 {strides = array<i32>} : memref<8x256xi32, #tpu.memory_space<vmem>>, vector<1x16xi32>,
      %div3A_1831 = arith.divf %exp3A_1800, %add3A_1819 : vector<16xf32>
      %swap3A_1832 = arith.constant 1 : i32
      %swap3A_1833 = arith.index_cast %swap3A_1832 : i32 to index
      %swap3A_1834 = arith.index_cast %mul3A_8 : i32 to index
      %swap3A_1835 = tpu.vector_load %arg6[%swap3A_1833, %swap3A_1834] {strides = array<i32>} : memref<8x256xf32, #tpu.memory_space<vmem>>, vector<1x16xf32>,
      %swap3A_1836 = vector.shape_cast %swap3A_1835 : vector<1x16xf32> to vector<16xf32>
      %swap3A_1837 = vector.shape_cast %div3A_1831 : vector<16xf32> to vector<1x16xf32>
      tpu.vector_store %arg6[%swap3A_1833, %swap3A_1834], %swap3A_1837 {strides = array<i32>} : memref<8x256xf32, #tpu.memory_space<vmem>>, vector<1x16xf32>,
      %swap3A_1838 = arith.constant 1 : i32
      %swap3A_1839 = arith.index_cast %swap3A_1838 : i32 to index
      %swap3A_1840 = arith.index_cast %mul3A_8 : i32 to index
      %swap3A_1841 = tpu.vector_load %arg7[%swap3A_1839, %swap3A_1840] {strides = array<i32>} : memref<8x256xi32, #tpu.memory_space<vmem>>, vector<1x16xi32>,
      %swap3A_1842 = vector.shape_cast %swap3A_1841 : vector<1x16xi32> to vector<16xi32>
      %swap3A_1843 = vector.shape_cast %select_n3A_1783 : vector<16xi32> to vector<1x16xi32>
      tpu.vector_store %arg7[%swap3A_1839, %swap3A_1840], %swap3A_1843 {strides = array<i32>} : memref<8x256xi32, #tpu.memory_space<vmem>>, vector<1x16xi32>,
      %div3A_1844 = arith.divf %exp3A_1802, %add3A_1819 : vector<16xf32>
      %swap3A_1845 = arith.constant 2 : i32
      %swap3A_1846 = arith.index_cast %swap3A_1845 : i32 to index
      %swap3A_1847 = arith.index_cast %mul3A_8 : i32 to index
      %swap3A_1848 = tpu.vector_load %arg6[%swap3A_1846, %swap3A_1847] {strides = array<i32>} : memref<8x256xf32, #tpu.memory_space<vmem>>, vector<1x16xf32>,
      %swap3A_1849 = vector.shape_cast %swap3A_1848 : vector<1x16xf32> to vector<16xf32>
      %swap3A_1850 = vector.shape_cast %div3A_1844 : vector<16xf32> to vector<1x16xf32>
      tpu.vector_store %arg6[%swap3A_1846, %swap3A_1847], %swap3A_1850 {strides = array<i32>} : memref<8x256xf32, #tpu.memory_space<vmem>>, vector<1x16xf32>,
      %swap3A_1851 = arith.constant 2 : i32
      %swap3A_1852 = arith.index_cast %swap3A_1851 : i32 to index
      %swap3A_1853 = arith.index_cast %mul3A_8 : i32 to index
      %swap3A_1854 = tpu.vector_load %arg7[%swap3A_1852, %swap3A_1853] {strides = array<i32>} : memref<8x256xi32, #tpu.memory_space<vmem>>, vector<1x16xi32>,
      %swap3A_1855 = vector.shape_cast %swap3A_1854 : vector<1x16xi32> to vector<16xi32>
      %swap3A_1856 = vector.shape_cast %select_n3A_1787 : vector<16xi32> to vector<1x16xi32>
      tpu.vector_store %arg7[%swap3A_1852, %swap3A_1853], %swap3A_1856 {strides = array<i32>} : memref<8x256xi32, #tpu.memory_space<vmem>>, vector<1x16xi32>,
      %div3A_1857 = arith.divf %exp3A_1804, %add3A_1819 : vector<16xf32>
      %swap3A_1858 = arith.constant 3 : i32
      %swap3A_1859 = arith.index_cast %swap3A_1858 : i32 to index
      %swap3A_1860 = arith.index_cast %mul3A_8 : i32 to index
      %swap3A_1861 = tpu.vector_load %arg6[%swap3A_1859, %swap3A_1860] {strides = array<i32>} : memref<8x256xf32, #tpu.memory_space<vmem>>, vector<1x16xf32>,
      %swap3A_1862 = vector.shape_cast %swap3A_1861 : vector<1x16xf32> to vector<16xf32>
      %swap3A_1863 = vector.shape_cast %div3A_1857 : vector<16xf32> to vector<1x16xf32>
      tpu.vector_store %arg6[%swap3A_1859, %swap3A_1860], %swap3A_1863 {strides = array<i32>} : memref<8x256xf32, #tpu.memory_space<vmem>>, vector<1x16xf32>,
      %swap3A_1864 = arith.constant 3 : i32
      %swap3A_1865 = arith.index_cast %swap3A_1864 : i32 to index
      %swap3A_1866 = arith.index_cast %mul3A_8 : i32 to index
      %swap3A_1867 = tpu.vector_load %arg7[%swap3A_1865, %swap3A_1866] {strides = array<i32>} : memref<8x256xi32, #tpu.memory_space<vmem>>, vector<1x16xi32>,
      %swap3A_1868 = vector.shape_cast %swap3A_1867 : vector<1x16xi32> to vector<16xi32>
      %swap3A_1869 = vector.shape_cast %select_n3A_1788 : vector<16xi32> to vector<1x16xi32>
      tpu.vector_store %arg7[%swap3A_1865, %swap3A_1866], %swap3A_1869 {strides = array<i32>} : memref<8x256xi32, #tpu.memory_space<vmem>>, vector<1x16xi32>,
      %div3A_1870 = arith.divf %exp3A_1806, %add3A_1819 : vector<16xf32>
      %swap3A_1871 = arith.constant 4 : i32
      %swap3A_1872 = arith.index_cast %swap3A_1871 : i32 to index
      %swap3A_1873 = arith.index_cast %mul3A_8 : i32 to index
      %swap3A_1874 = tpu.vector_load %arg6[%swap3A_1872, %swap3A_1873] {strides = array<i32>} : memref<8x256xf32, #tpu.memory_space<vmem>>, vector<1x16xf32>,
      %swap3A_1875 = vector.shape_cast %swap3A_1874 : vector<1x16xf32> to vector<16xf32>
      %swap3A_1876 = vector.shape_cast %div3A_1870 : vector<16xf32> to vector<1x16xf32>
      tpu.vector_store %arg6[%swap3A_1872, %swap3A_1873], %swap3A_1876 {strides = array<i32>} : memref<8x256xf32, #tpu.memory_space<vmem>>, vector<1x16xf32>,
      %swap3A_1877 = arith.constant 4 : i32
      %swap3A_1878 = arith.index_cast %swap3A_1877 : i32 to index
      %swap3A_1879 = arith.index_cast %mul3A_8 : i32 to index
      %swap3A_1880 = tpu.vector_load %arg7[%swap3A_1878, %swap3A_1879] {strides = array<i32>} : memref<8x256xi32, #tpu.memory_space<vmem>>, vector<1x16xi32>,
      %swap3A_1881 = vector.shape_cast %swap3A_1880 : vector<1x16xi32> to vector<16xi32>
      %swap3A_1882 = vector.shape_cast %select_n3A_1792 : vector<16xi32> to vector<1x16xi32>
      tpu.vector_store %arg7[%swap3A_1878, %swap3A_1879], %swap3A_1882 {strides = array<i32>} : memref<8x256xi32, #tpu.memory_space<vmem>>, vector<1x16xi32>,
      %div3A_1883 = arith.divf %exp3A_1808, %add3A_1819 : vector<16xf32>
      %swap3A_1884 = arith.constant 5 : i32
      %swap3A_1885 = arith.index_cast %swap3A_1884 : i32 to index
      %swap3A_1886 = arith.index_cast %mul3A_8 : i32 to index
      %swap3A_1887 = tpu.vector_load %arg6[%swap3A_1885, %swap3A_1886] {strides = array<i32>} : memref<8x256xf32, #tpu.memory_space<vmem>>, vector<1x16xf32>,
      %swap3A_1888 = vector.shape_cast %swap3A_1887 : vector<1x16xf32> to vector<16xf32>
      %swap3A_1889 = vector.shape_cast %div3A_1883 : vector<16xf32> to vector<1x16xf32>
      tpu.vector_store %arg6[%swap3A_1885, %swap3A_1886], %swap3A_1889 {strides = array<i32>} : memref<8x256xf32, #tpu.memory_space<vmem>>, vector<1x16xf32>,
      %swap3A_1890 = arith.constant 5 : i32
      %swap3A_1891 = arith.index_cast %swap3A_1890 : i32 to index
      %swap3A_1892 = arith.index_cast %mul3A_8 : i32 to index
      %swap3A_1893 = tpu.vector_load %arg7[%swap3A_1891, %swap3A_1892] {strides = array<i32>} : memref<8x256xi32, #tpu.memory_space<vmem>>, vector<1x16xi32>,
      %swap3A_1894 = vector.shape_cast %swap3A_1893 : vector<1x16xi32> to vector<16xi32>
      %swap3A_1895 = vector.shape_cast %select_n3A_1793 : vector<16xi32> to vector<1x16xi32>
      tpu.vector_store %arg7[%swap3A_1891, %swap3A_1892], %swap3A_1895 {strides = array<i32>} : memref<8x256xi32, #tpu.memory_space<vmem>>, vector<1x16xi32>,
      %div3A_1896 = arith.divf %exp3A_1810, %add3A_1819 : vector<16xf32>
      %swap3A_1897 = arith.constant 6 : i32
      %swap3A_1898 = arith.index_cast %swap3A_1897 : i32 to index
      %swap3A_1899 = arith.index_cast %mul3A_8 : i32 to index
      %swap3A_1900 = tpu.vector_load %arg6[%swap3A_1898, %swap3A_1899] {strides = array<i32>} : memref<8x256xf32, #tpu.memory_space<vmem>>, vector<1x16xf32>,
      %swap3A_1901 = vector.shape_cast %swap3A_1900 : vector<1x16xf32> to vector<16xf32>
      %swap3A_1902 = vector.shape_cast %div3A_1896 : vector<16xf32> to vector<1x16xf32>
      tpu.vector_store %arg6[%swap3A_1898, %swap3A_1899], %swap3A_1902 {strides = array<i32>} : memref<8x256xf32, #tpu.memory_space<vmem>>, vector<1x16xf32>,
      %swap3A_1903 = arith.constant 6 : i32
      %swap3A_1904 = arith.index_cast %swap3A_1903 : i32 to index
      %swap3A_1905 = arith.index_cast %mul3A_8 : i32 to index
      %swap3A_1906 = tpu.vector_load %arg7[%swap3A_1904, %swap3A_1905] {strides = array<i32>} : memref<8x256xi32, #tpu.memory_space<vmem>>, vector<1x16xi32>,
      %swap3A_1907 = vector.shape_cast %swap3A_1906 : vector<1x16xi32> to vector<16xi32>
      %swap3A_1908 = vector.shape_cast %select_n3A_1797 : vector<16xi32> to vector<1x16xi32>
      tpu.vector_store %arg7[%swap3A_1904, %swap3A_1905], %swap3A_1908 {strides = array<i32>} : memref<8x256xi32, #tpu.memory_space<vmem>>, vector<1x16xi32>,
      %div3A_1909 = arith.divf %exp3A_1812, %add3A_1819 : vector<16xf32>
      %swap3A_1910 = arith.constant 7 : i32
      %swap3A_1911 = arith.index_cast %swap3A_1910 : i32 to index
      %swap3A_1912 = arith.index_cast %mul3A_8 : i32 to index
      %swap3A_1913 = tpu.vector_load %arg6[%swap3A_1911, %swap3A_1912] {strides = array<i32>} : memref<8x256xf32, #tpu.memory_space<vmem>>, vector<1x16xf32>,
      %swap3A_1914 = vector.shape_cast %swap3A_1913 : vector<1x16xf32> to vector<16xf32>
      %swap3A_1915 = vector.shape_cast %div3A_1909 : vector<16xf32> to vector<1x16xf32>
      tpu.vector_store %arg6[%swap3A_1911, %swap3A_1912], %swap3A_1915 {strides = array<i32>} : memref<8x256xf32, #tpu.memory_space<vmem>>, vector<1x16xf32>,
      %swap3A_1916 = arith.constant 7 : i32
      %swap3A_1917 = arith.index_cast %swap3A_1916 : i32 to index
      %swap3A_1918 = arith.index_cast %mul3A_8 : i32 to index
      %swap3A_1919 = tpu.vector_load %arg7[%swap3A_1917, %swap3A_1918] {strides = array<i32>} : memref<8x256xi32, #tpu.memory_space<vmem>>, vector<1x16xi32>,
      %swap3A_1920 = vector.shape_cast %swap3A_1919 : vector<1x16xi32> to vector<16xi32>
      %swap3A_1921 = vector.shape_cast %select_n3A_1798 : vector<16xi32> to vector<1x16xi32>
      tpu.vector_store %arg7[%swap3A_1917, %swap3A_1918], %swap3A_1921 {strides = array<i32>} : memref<8x256xi32, #tpu.memory_space<vmem>>, vector<1x16xi32>,
    }
    %scan3A_5 = arith.constant 16 : i32
    "tpu.region"() ({
      %run_scoped3A = tpu.sem_alloc : memref<!tpu.dma_semaphore, #tpu.memory_space<semaphore_mem>>
      %dma_start3A = arith.constant 0 : i32
      %dma_start3A_6 = arith.constant 0 : i32
      %dma_start3A_7 = tpu.memref_slice %arg3[%add3A, %dma_start3A, %dma_start3A_6] : memref<32x8x256xf32, #tpu.memory_space<hbm>> -> memref<1x8x256xf32, #tpu.memory_space<hbm>>
      %dma_start3A_8 = tpu.memref_squeeze %dma_start3A_7 : memref<1x8x256xf32, #tpu.memory_space<hbm>> -> memref<8x256xf32, #tpu.memory_space<hbm>>
      %dma_start3A_9 = arith.constant 0 : i32
      %dma_start3A_10 = arith.constant 0 : i32
      %dma_start3A_11 = tpu.memref_slice %arg3[%add3A, %dma_start3A_9, %dma_start3A_10] : memref<32x8x256xf32, #tpu.memory_space<hbm>> -> memref<1x8x256xf32, #tpu.memory_space<hbm>>
      %dma_start3A_12 = tpu.memref_squeeze %dma_start3A_11 : memref<1x8x256xf32, #tpu.memory_space<hbm>> -> memref<8x256xf32, #tpu.memory_space<hbm>>
      tpu.enqueue_dma source(%arg6 : memref<8x256xf32, #tpu.memory_space<vmem>>) target(%dma_start3A_12 : memref<8x256xf32, #tpu.memory_space<hbm>>) target_semaphore(%run_scoped3A : memref<!tpu.dma_semaphore, #tpu.memory_space<semaphore_mem>>)
      %dma_wait3A = arith.constant 0 : i32
      %dma_wait3A_13 = arith.constant 0 : i32
      %dma_wait3A_14 = tpu.memref_slice %arg3[%add3A, %dma_wait3A, %dma_wait3A_13] : memref<32x8x256xf32, #tpu.memory_space<hbm>> -> memref<1x8x256xf32, #tpu.memory_space<hbm>>
      %dma_wait3A_15 = tpu.memref_squeeze %dma_wait3A_14 : memref<1x8x256xf32, #tpu.memory_space<hbm>> -> memref<8x256xf32, #tpu.memory_space<hbm>>
      %dma_wait3A_16 = arith.constant 0 : i32
      %dma_wait3A_17 = arith.constant 0 : i32
      %dma_wait3A_18 = tpu.memref_slice %arg3[%add3A, %dma_wait3A_16, %dma_wait3A_17] : memref<32x8x256xf32, #tpu.memory_space<hbm>> -> memref<1x8x256xf32, #tpu.memory_space<hbm>>
      %dma_wait3A_19 = tpu.memref_squeeze %dma_wait3A_18 : memref<1x8x256xf32, #tpu.memory_space<hbm>> -> memref<8x256xf32, #tpu.memory_space<hbm>>
      tpu.wait_dma2 semaphore(%run_scoped3A : memref<!tpu.dma_semaphore, #tpu.memory_space<semaphore_mem>>) src(%arg6 : memref<8x256xf32, #tpu.memory_space<vmem>>) dst(%dma_wait3A_19 : memref<8x256xf32, #tpu.memory_space<hbm>>)
      tpu.yield
    }) : () -> ()
    "tpu.region"() ({
      %run_scoped3A = tpu.sem_alloc : memref<!tpu.dma_semaphore, #tpu.memory_space<semaphore_mem>>
      %dma_start3A = arith.constant 0 : i32
      %dma_start3A_6 = arith.constant 0 : i32
      %dma_start3A_7 = tpu.memref_slice %arg4[%add3A, %dma_start3A, %dma_start3A_6] : memref<32x8x256xi32, #tpu.memory_space<hbm>> -> memref<1x8x256xi32, #tpu.memory_space<hbm>>
      %dma_start3A_8 = tpu.memref_squeeze %dma_start3A_7 : memref<1x8x256xi32, #tpu.memory_space<hbm>> -> memref<8x256xi32, #tpu.memory_space<hbm>>
      %dma_start3A_9 = arith.constant 0 : i32
      %dma_start3A_10 = arith.constant 0 : i32
      %dma_start3A_11 = tpu.memref_slice %arg4[%add3A, %dma_start3A_9, %dma_start3A_10] : memref<32x8x256xi32, #tpu.memory_space<hbm>> -> memref<1x8x256xi32, #tpu.memory_space<hbm>>
      %dma_start3A_12 = tpu.memref_squeeze %dma_start3A_11 : memref<1x8x256xi32, #tpu.memory_space<hbm>> -> memref<8x256xi32, #tpu.memory_space<hbm>>
      tpu.enqueue_dma source(%arg7 : memref<8x256xi32, #tpu.memory_space<vmem>>) target(%dma_start3A_12 : memref<8x256xi32, #tpu.memory_space<hbm>>) target_semaphore(%run_scoped3A : memref<!tpu.dma_semaphore, #tpu.memory_space<semaphore_mem>>)
      %dma_wait3A = arith.constant 0 : i32
      %dma_wait3A_13 = arith.constant 0 : i32
      %dma_wait3A_14 = tpu.memref_slice %arg4[%add3A, %dma_wait3A, %dma_wait3A_13] : memref<32x8x256xi32, #tpu.memory_space<hbm>> -> memref<1x8x256xi32, #tpu.memory_space<hbm>>
      %dma_wait3A_15 = tpu.memref_squeeze %dma_wait3A_14 : memref<1x8x256xi32, #tpu.memory_space<hbm>> -> memref<8x256xi32, #tpu.memory_space<hbm>>
      %dma_wait3A_16 = arith.constant 0 : i32
      %dma_wait3A_17 = arith.constant 0 : i32
      %dma_wait3A_18 = tpu.memref_slice %arg4[%add3A, %dma_wait3A_16, %dma_wait3A_17] : memref<32x8x256xi32, #tpu.memory_space<hbm>> -> memref<1x8x256xi32, #tpu.memory_space<hbm>>
      %dma_wait3A_19 = tpu.memref_squeeze %dma_wait3A_18 : memref<1x8x256xi32, #tpu.memory_space<hbm>> -> memref<8x256xi32, #tpu.memory_space<hbm>>
      tpu.wait_dma2 semaphore(%run_scoped3A : memref<!tpu.dma_semaphore, #tpu.memory_space<semaphore_mem>>) src(%arg7 : memref<8x256xi32, #tpu.memory_space<vmem>>) dst(%dma_wait3A_19 : memref<8x256xi32, #tpu.memory_space<hbm>>)
      tpu.yield
    }) : () -> ()
    return
  }
}

module attributes {stable_mosaic.version = 14 : i64} {
  func.func @_matmul_kernel(%arg0: i32, %arg1: memref<512x4096xf32, #tpu.memory_space<vmem>>, %arg2: memref<64x4096xf32, #tpu.memory_space<vmem>>, %arg3: memref<2x64x256xf32, #tpu.memory_space<vmem>>) attributes {dimension_semantics = [#tpu.dimension_semantics<arbitrary>], iteration_bounds = array<i64: 16>, scalar_prefetch = 0 : i64, scratch_operands = 0 : i64, tpu.core_type = #tpu.core_type<tc>, window_params = [{transform_indices = @transform_0, window_bounds = array<i64: 512, 4096>}, {pipeline_mode = #tpu.pipeline_mode<synchronous>, transform_indices = @transform_1, window_bounds = array<i64: 64, 4096>}, {transform_indices = @transform_2, window_bounds = array<i64: 2, 64, 256>}]} {
    %get3A = arith.constant 0 : index
    %get3A_0 = arith.constant 0 : index
    %get3A_1 = vector.load %arg2[%get3A, %get3A_0] : memref<64x4096xf32, #tpu.memory_space<vmem>>, vector<64x4096xf32>
    %get3A_2 = arith.constant 0 : index
    %get3A_3 = arith.constant 0 : index
    %get3A_4 = vector.load %arg1[%get3A_2, %get3A_3] : memref<512x4096xf32, #tpu.memory_space<vmem>>, vector<512x4096xf32>
    %dot_general3A = arith.constant dense<0.000000e+00> : vector<64x512xf32>
    %dot_general3A_5 = tpu.matmul %get3A_1, %get3A_4, %dot_general3A {dimension_numbers = #tpu.dot_dimension_numbers<[1], [1], [0], [0], [0, 0, 1, 0], [], []>, transpose_lhs_hint = false} : vector<64x4096xf32>, vector<512x4096xf32>, vector<64x512xf32> -> vector<64x512xf32>
    %slice3A = vector.extract_strided_slice %dot_general3A_5 {offsets = [0, 0], sizes = [64, 256], strides = [1, 1]} : vector<64x512xf32> to vector<64x256xf32>
    %swap3A = arith.constant 0 : index
    %swap3A_6 = arith.constant 0 : index
    %swap3A_7 = arith.constant 0 : index
    %swap3A_8 = vector.load %arg3[%swap3A, %swap3A_6, %swap3A_7] : memref<2x64x256xf32, #tpu.memory_space<vmem>>, vector<1x64x256xf32>
    %swap3A_9 = vector.shape_cast %swap3A_8 : vector<1x64x256xf32> to vector<64x256xf32>
    %swap3A_10 = vector.shape_cast %slice3A : vector<64x256xf32> to vector<1x64x256xf32>
    tpu.vector_store %arg3[%swap3A, %swap3A_6, %swap3A_7], %swap3A_10 {strides = array<i32>} : memref<2x64x256xf32, #tpu.memory_space<vmem>>, vector<1x64x256xf32>,
    %slice3A_11 = vector.extract_strided_slice %dot_general3A_5 {offsets = [0, 256], sizes = [64, 256], strides = [1, 1]} : vector<64x512xf32> to vector<64x256xf32>
    %swap3A_12 = arith.constant 1 : index
    %swap3A_13 = arith.constant 0 : index
    %swap3A_14 = arith.constant 0 : index
    %swap3A_15 = vector.load %arg3[%swap3A_12, %swap3A_13, %swap3A_14] : memref<2x64x256xf32, #tpu.memory_space<vmem>>, vector<1x64x256xf32>
    %swap3A_16 = vector.shape_cast %swap3A_15 : vector<1x64x256xf32> to vector<64x256xf32>
    %swap3A_17 = vector.shape_cast %slice3A_11 : vector<64x256xf32> to vector<1x64x256xf32>
    tpu.vector_store %arg3[%swap3A_12, %swap3A_13, %swap3A_14], %swap3A_17 {strides = array<i32>} : memref<2x64x256xf32, #tpu.memory_space<vmem>>, vector<1x64x256xf32>,
    return
  }
  func.func @transform_0(%arg0: i32) -> (i32, i32) {
    %c0_i32 = arith.constant 0 : i32
    %c0_i32_0 = arith.constant 0 : i32
    return %arg0, %c0_i32 : i32, i32
  }
  func.func @transform_1(%arg0: i32) -> (i32, i32) {
    %c0_i32 = arith.constant 0 : i32
    %c0_i32_0 = arith.constant 0 : i32
    %c0_i32_1 = arith.constant 0 : i32
    return %c0_i32, %c0_i32_0 : i32, i32
  }
  func.func @transform_2(%arg0: i32) -> (i32, i32, i32) {
    %c0_i32 = arith.constant 0 : i32
    %c0_i32_0 = arith.constant 0 : i32
    %c0_i32_1 = arith.constant 0 : i32
    return %arg0, %c0_i32, %c0_i32_0 : i32, i32, i32
  }
}

</mosaic_0001>

<sc_bundles>
// kernel: kernel.4.cloned.1.call-start
scs
__scs_entry_jumppad:
0x0: {  	(pc) =	sbr.rel $0x88, $3  }
0x1: {  	(tag) =	ssettag $0x0;
	lr =	simm.s32 $0x1  }
0x2: {  	[smem:$0x3F9F] =	sst lr;
	_ =	strace $0xD0000000  }
0x3: {  	_ = 	snop  }
0x4: {  	_ = 	snop  }
0x5: {  	_ = 	snop  }
0x6: {  	_ = 	snop  }
0x7: {  	_ = 	snop  }
__scs_overlays_trampoline_lowered:
0x8: {  	[smem:$0x3FAE] =	sst s0  }
0x9: {  	[smem:$0x3FAF] =	sst s1  }
0xa: {  	[smem:$0x3FB0] =	sst s2  }
0xb: {  	[smem:$0x3FB1] =	sst s3  }
0xc: {  	[smem:$0x3FB2] =	sst s4  }
0xd: {  	[smem:$0x3FB3] =	sst s5  }
0xe: {  	[smem:$0x3FB4] =	sst s6  }
0xf: {  	[smem:$0x3FB5] =	sst s7  }
0x10: {  	[smem:$0x3FB6] =	sst s8  }
0x11: {  	[smem:$0x3FB7] =	sst s9;
	s0 =	simm.s32 @!p0 $0x0  }
0x12: {  	s1 =	sld [smem:$0x3F9D];
	s0 =	simm.s32 @p0 $0x1  }
0x13: {  	[smem:$0x3FB8] =	sst s0;
	s0 =	simm.s32 @!p1 $0x0  }
0x14: {  	s2 =	sld [smem:$0x3F9C];
	s0 =	simm.s32 @p1 $0x1  }
0x15: {  	[smem:$0x3FB9] =	sst s0;
	s0 =	simm.s32 @!p2 $0x0  }
0x16: {  	s3 =	sld [smem:$0x3FDB];
	s0 =	simm.s32 @p2 $0x1  }
0x17: {  	s4 =	simm.s32 $0x1BF5;
	[smem:$0x3FBB] =	sst s0  }
0x18: {  	s0 =	sld [smem:$0x3F9E];
	_ =	swait.ge [sflag:s4], $0x0  }
0x19: {  	s7 =	sld [smem:$0x3F9F]  }
0x1a: {  	s8 =	sadd.s32 $0xFFFFE003, lr  }
0x1b: {  	s9 =	sadd.s32 $0xFFFFFEF7, lr;
	s5 =	simm.s32 $0xFFFFFFFF;
	p2 =	slt.u32 s8, $0xFFFFF086  }
0x1c: {  	p1 =	slt.u32 s9, $0xF7A;
	s5 =	simm.s32 @!p2 $0x0  }
0x1d: {  	s5 =	simm.s32 @p1 $0x1;
	p0 =	seq.s32 s7, s2  }
0x1e: {  	s7 =	smul.u32 @!p0 $0xF7A, s2;
	p2 =	seq.s32 @!p0 s5, $0x0  }
0x1f: {  	s9 =	smul.u32 $0xF7A, s1;
	s8 =	simm.s32 @!p0 $0x1BF5;
	p2 =	por !p2, p0  }
0x20: {  	[sflag:s8] =	ssyncset.s32 @!p0 $0xFFFFF086;
	s6 =	sadd.s32 @!p0 s3, s7;
	s7 =	simm.s32 @!p0 $0x108  }
0x21: {  	s3 =	sadd.s32 s3, s9;
	s6 =	sadd.s32 @!p0 $0x88, s6;
	s7 =	simm.s32 @p2 $0x1082  }
0x22: {  	[simem:s7], [sflag:s8] =	dma.local @!p0 [hbm:s6], $0xF7A  }
0x23: {  	s9 =	sor.u32 $0xD0000000, s2;
	s6 =	simm.s32 $0x108;
	_ =	swait.ge @!p0 [sflag:s8], $0x0  }
0x24: {  	s3 =	sadd.s32 $0x88, s3;
	s6 =	simm.s32 @!p1 $0x1082;
	[sflag:s4] =	ssyncset.s32 $0xFFFFF086  }
0x25: {  	[simem:s6], [sflag:s4] =	dma.local [hbm:s3], $0xF7A  }
0x26: {  	[smem:$0x3F9F] =	sst s1;
	(tag) =	ssettag s2;
	_ =	strace s9  }
0x27: {  	s1 =	sld [smem:$0x3FAF]  }
0x28: {  	s2 =	sld [smem:$0x3FB0]  }
0x29: {  	s4 =	sld [smem:$0x3FB2]  }
0x2a: {  	p0 =	seq.s32 s5, $0x0;
	s5 =	sld [smem:$0x3FB3]  }
0x2b: {  	s6 =	sld [smem:$0x3FB4]  }
0x2c: {  	s7 =	sld [smem:$0x3FB5]  }
0x2d: {  	s3 =	simm.s32 $0x108;
	s8 =	sld [smem:$0x3FB6]  }
0x2e: {  	s3 =	simm.s32 @!p0 $0x1082;
	s9 =	sld [smem:$0x3FB7]  }
0x2f: {  	lr =	sadd.s32 s0, s3;
	s0 =	sld [smem:$0x3FAE]  }
0x30: {  	s3 =	sld [smem:$0x3FB1]  }
0x31: {  	[smem:$0x3FBA] =	sst s10  }
0x32: {  	s10 =	sld [smem:$0x3FB8];
	_ =	sdelay $0x3  }
0x33: {  	p0 =	seq.s32 s10, $0x1;
	s10 =	sld [smem:$0x3FBA];
	_ =	sdelay $0x3  }
0x34: {  	[smem:$0x3FBA] =	sst s10  }
0x35: {  	s10 =	sld [smem:$0x3FB9];
	_ =	sdelay $0x3  }
0x36: {  	p1 =	seq.s32 s10, $0x1;
	s10 =	sld [smem:$0x3FBA];
	_ =	sdelay $0x3  }
0x37: {  	[smem:$0x3FBA] =	sst s10  }
0x38: {  	s10 =	sld [smem:$0x3FBB]  }
0x39: {  	_ = 	snop;
	(pc) =	sbr.ind lr, $3  }
0x3a: {  	_ = 	snop  }
0x3b: {  	_ = 	snop  }
0x3c: {  	p2 =	seq.s32 s10, $0x1;
	s10 =	sld [smem:$0x3FBA]  }
0x3d: {  	_ =	shalt  }
0x3e: {  	_ =	shalt  }
0x3f: {  	_ =	shalt  }
0x40: {  	_ =	shalt  }
0x41: {  	_ =	shalt  }
0x42: {  	_ =	shalt  }
0x43: {  	_ =	shalt  }
0x44: {  	_ =	shalt  }
0x45: {  	_ =	shalt  }
0x46: {  	_ =	shalt  }
0x47: {  	_ =	shalt  }
0x48: {  	_ =	shalt  }
0x49: {  	_ =	shalt  }
0x4a: {  	_ =	shalt  }
0x4b: {  	_ =	shalt  }
0x4c: {  	_ =	shalt  }
0x4d: {  	_ =	shalt  }
0x4e: {  	_ =	shalt  }
0x4f: {  	_ =	shalt  }
0x50: {  	_ =	shalt  }
0x51: {  	_ =	shalt  }
0x52: {  	_ =	shalt  }
0x53: {  	_ =	shalt  }
0x54: {  	_ =	shalt  }
0x55: {  	_ =	shalt  }
0x56: {  	_ =	shalt  }
0x57: {  	_ =	shalt  }
0x58: {  	_ =	shalt  }
0x59: {  	_ =	shalt  }
0x5a: {  	_ =	shalt  }
0x5b: {  	_ =	shalt  }
0x5c: {  	_ =	shalt  }
0x5d: {  	_ =	shalt  }
0x5e: {  	_ =	shalt  }
0x5f: {  	_ =	shalt  }
0x60: {  	_ =	shalt  }
0x61: {  	_ =	shalt  }
0x62: {  	_ =	shalt  }
0x63: {  	_ =	shalt  }
0x64: {  	_ =	shalt  }
0x65: {  	_ =	shalt  }
0x66: {  	_ =	shalt  }
0x67: {  	_ =	shalt  }
0x68: {  	_ =	shalt  }
0x69: {  	_ =	shalt  }
0x6a: {  	_ =	shalt  }
0x6b: {  	_ =	shalt  }
0x6c: {  	_ =	shalt  }
0x6d: {  	_ =	shalt  }
0x6e: {  	_ =	shalt  }
0x6f: {  	_ =	shalt  }
0x70: {  	_ =	shalt  }
0x71: {  	_ =	shalt  }
0x72: {  	_ =	shalt  }
0x73: {  	_ =	shalt  }
0x74: {  	_ =	shalt  }
0x75: {  	_ =	shalt  }
0x76: {  	_ =	shalt  }
0x77: {  	_ =	shalt  }
0x78: {  	_ =	shalt  }
0x79: {  	_ =	shalt  }
0x7a: {  	_ =	shalt  }
0x7b: {  	_ =	shalt  }
0x7c: {  	_ =	shalt  }
0x7d: {  	_ =	shalt  }
0x7e: {  	_ =	shalt  }
0x7f: {  	_ =	shalt  }
0x80: {  	_ =	shalt  }
0x81: {  	_ =	shalt  }
0x82: {  	_ =	shalt  }
0x83: {  	_ =	shalt  }
0x84: {  	_ =	shalt  }
0x85: {  	_ =	shalt  }
0x86: {  	_ =	shalt  }
0x87: {  	_ =	shalt  }
.Lfunc_end0:
.L_simem_size_0:
called_computation_lowered:
.L_overlay_start_0:
0x88: {  	s2 =	sld [smem:$0x3FD9]  }
0x89: {  	s3 =	sld [smem:$0x3FFE];
	_ =	sdelay $0x1  }
0x8a: {  	s1 =	srdreg.scid  }
0x8b: {  	s0 =	sand.u32 $0x1, s1  }
0x8c: {  	s14 =	sshll.u32 s0, $0xA;
	s2 =	sadd.s32 s3, s2  }
0x8d: {  	s2 =	sadd.s32 s2, s14  }
0x8e: {  	[smem:$0x3FC6] =	sst s2  }
0x8f: {  	_ = 	snop  }
0x90: {  	s2 =	sld [smem:$0x3FD0];
	_ =	sdelay $0x2  }
0x91: {  	s15 =	simm.s32 $0xA;
	s4 =	simm.s32 $0x10  }
0x92: {  	[smem:s4], [sflag:s15] =	dma.local [hbm:s2], $0x1  }
0x93: {  	_ =	swait.eq [sflag:s15], $0x1  }
0x94: {  	[sflag:s15] =	ssyncset.done $0x0  }
0x95: {  	s16 =	sld [smem:$0x10];
	[sflag:s15] =	ssyncadd.s32 $0xFFFFFFFF  }
0x96: {  	s17 =	sld [smem:$0x11];
	(tm) =	ssettm $0x1  }
0x97: {  	s18 =	sld [smem:$0x3FFB];
	_ =	sdelay $0x3  }
0x98: {  	_ =	strace s18  }
0x99: {  	s4 =	sld [smem:$0x3FFC];
	_ =	sdelay $0x3  }
0x9a: {  	_ =	strace s4  }
0x9b: {  	s4 =	sld [smem:$0x3FFD];
	_ =	sdelay $0x3  }
0x9c: {  	_ =	strace s4  }
0x9d: {  	_ =	strace $0x8FFFFFFF  }
0x9e: {  	s19 =	sld [smem:$0x3FDB];
	_ =	sdelay $0x1  }
0x9f: {  	s5 =	simm.s32 $_scs_section_size  }
0xa0: {  	s6 =	simm.s32 $_size__tile_overlayer_lowered;
	s7 =	simm.s32 $_tile_overlayer_lowered  }
0xa1: {  	s22 =	simm.s32 $0x1BFF;
	s21 =	sshll.u32 s7, $0x1;
	s4 =	sadd.s32 s5, s19  }
0xa2: {  	s8 =	simm.s32 $0x0;
	s20 =	sshll.u32 s6, $0x1;
	s6 =	sadd.s32 s21, s4  }
0xa3: {  	[timem:s8], [sflag:s22] =	dma.local [hbm:s6], s20  }
0xa4: {  	_ =	swait.ge [sflag:s22], s20  }
0xa5: {  	s5 =	ssub.s32 $0x0, s20;
	[sflag:s22] =	ssyncset.done $0x0  }
0xa6: {  	[sflag:s22] =	ssyncadd.s32 s5;
	_ =	sdelay $0x1  }
0xa7: {  	s23 =	simm.s32 $0x1B8B  }
0xa8: {  	_ =	swait.ge [sflag:s23], $0x1  }
0xa9: {  	[sflag:s23] =	ssyncset.done $0x0  }
0xaa: {  	s25 =	simm.s32 $0x1B8E;
	s24 =	sld [smem:$0x3FFE];
	[sflag:s23] =	ssyncadd.s32 $0xFFFFFFFF  }
0xab: {  	s26 =	simm.s32 $execute0_lowered;
	[smem:$0x3FD2] =	sst s25  }
0xac: {  	s6 =	sshll.u32 s26, $0x1;
	_ =	strace $0x80000046;
	[dreg:$0x1] =	wrdreg $0xFFFFFFFF  }
0xad: {  	s28 =	simm.s32 $_size_execute0_lowered;
	s4 =	sadd.s32 s4, s6;
	[dreg:$0x0] =	wrdreg $0x0  }
0xae: {  	s6 =	sshll.u32 s28, $0x1;
	[dreg:$0x2] =	wrdreg s4  }
0xaf: {  	[dreg:$0x3] =	wrdreg s6  }
0xb0: {  	[dreg:$0x4] =	wrdreg $0xC0  }
0xb1: {  	_ =	task [dreg:s8], $0x5FFFF  }
0xb2: {  	[dreg:$0x1] =	wrdreg $0xFFFFFFFF  }
0xb3: {  	[dreg:$0x0] =	wrdreg $0x60  }
0xb4: {  	[dreg:$0x2] =	wrdreg s24  }
0xb5: {  	[dreg:$0x3] =	wrdreg s16  }
0xb6: {  	[dreg:$0x4] =	wrdreg s17  }
0xb7: {  	[dreg:$0x5] =	wrdreg $0x9  }
0xb8: {  	_ =	task.clear_ibuf [dreg:s8], $0x6FFFF;
	_ =	strace $0x90000046  }
0xb9: {  	s29 =	simm.s32 $0x9;
	_ =	strace $0x80000048  }
0xba: {  	_ =	swait.ge [sflag:s29], $0x1  }
0xbb: {  	[sflag:s29] =	ssyncadd.s32 $0xFFFFFFFF  }
0xbc: {  	_ =	strace $0x90000048  }
0xbd: {  	_ =	sfence  }
0xbe: {  	s30 =	sld [smem:$0x0];
	_ =	sdelay $0x2  }
0xbf: {  	s31 =	sshll.u32 s1, $0xD;
	s1 =	sshrl.u32 s1, $0x2  }
0xc0: {  	s3 =	sand.u32 $0x4000, s31;
	s1 =	sadd.s32 s1, s30  }
0xc1: {  	s0 =	sor.u32 s3, s0;
	s1 =	sshll.u32 s1, $0x11  }
0xc2: {  	s0 =	sor.u32 s1, s0  }
0xc3: {  	s0 =	sadd.s32 $0x8F2B, s0  }
0xc4: {  	[sflag:s0] =	ssyncadd.remote.s32 $0x1  }
0xc5: {  	_ =	sfence.sel $0xFFFF  }
0xc6: {  	[dreg:$0x0] =	wrdreg $0xFFFFFFFF;
	(pc) =	sbr.abs _section_cstart, $3  }
0xc7: {  	[dreg:$0x1] =	wrdreg $0xFFFFFFFF  }
0xc8: {  	_ =	task.clear_ibuf [dreg:s8], $0x2FFFF;
	_ =	strace $0x9FFFFFFF  }
0xc9: {  	(tm) =	ssettm $0x7FFFFFFF  }
tec
execute0_lowered:
.L_overlay_start_1:
0x0: {  	(tag) =	ssettag $0x1  }
0x1: {  	v9 =	vimm.s32 $0x0  }
0x2: {  	v11 =	vimm.s32 $0x3;
	v12 =	vimm.s32 $0x2;
	v13 =	vimm.s32 $0x5  }
0x3: {  	v14 =	vimm.s32 $0x4;
	v15 =	vimm.s32 $0x7;
	v16 =	vimm.s32 $0x6  }
0x4: {  	v17 =	vimm.s32 $0x9;
	v18 =	vimm.s32 $0x8;
	v19 =	vimm.s32 $0xB  }
0x5: {  	v20 =	vimm.s32 $0xA;
	v21 =	vimm.s32 $0xD;
	v22 =	vimm.s32 $0xC;
	s3 =	rddreg [dreg:$0x0]  }
0x6: {  	v23 =	vimm.s32 $0xF;
	v24 =	vimm.s32 $0xE;
	v26 =	vimm.s32 $0x11;
	s4 =	rddreg [dreg:$0x1]  }
0x7: {  	v27 =	vimm.s32 $0x10;
	v28 =	vimm.s32 $0x13;
	v29 =	vimm.s32 $0x12;
	s5 =	rddreg [dreg:$0x2]  }
0x8: {  	v30 =	vimm.s32 $0x15;
	v31 =	vimm.s32 $0x14;
	v32 =	vimm.s32 $0x17;
	s0 =	rddreg [dreg:$0x3];
	s6 =	srdreg.scid  }
0x9: {  	v33 =	vimm.s32 $0x16;
	v34 =	vimm.s32 $0x19;
	v35 =	vimm.s32 $0x18;
	s1 =	stileid.u32;
	s2 =	simm.s32 $0x0;
	s9 =	simm.s32 $0x4800  }
0xa: {  	v36 =	vimm.s32 $0x1B;
	v37 =	vimm.s32 $0x1A;
	v38 =	vimm.s32 $0x1D;
	s10 =	simm.s32 $0x0;
	s6 =	sand.u32 $0x1, s6;
	s7 =	sshll.u32 s1, $0x1  }
0xb: {  	v39 =	vimm.s32 $0x1C;
	v40 =	vimm.s32 $0x1F;
	v41 =	vimm.s32 $0x1E;
	[smem:$0x7FF] =	sst s2;
	s7 =	sor.u32 s6, s7;
	s6 =	ssub.s32 $0x2, s6  }
0xc: {  	v42 =	vimm.s32 $0x21;
	v43 =	vimm.s32 $0x20;
	v44 =	vimm.s32 $0x23;
	_ =	strace $0x80000047;
	s8 =	sshll.u32 s7, $0xB;
	s31 =	sshrl.u32 s6, $0x1  }
0xd: {  	v45 =	vimm.s32 $0x22;
	v46 =	vimm.s32 $0x25;
	v47 =	vimm.s32 $0x24;
	s7 =	sshll.u32 s7, $0x8;
	s3 =	sadd.s32 s8, s3;
	s6 =	ssub.s32 s6, s31  }
0xe: {  	v48 =	vimm.s32 $0x27;
	v49 =	vimm.s32 $0x26;
	v50 =	vimm.s32 $0x29;
	s4 =	sadd.s32 s4, s7;
	s5 =	sadd.s32 s5, s7;
	s7 =	simm.s32 $0x1  }
0xf: {  	v55 =	vimm.s32 $0x28;
	v56 =	vimm.s32 $0x2B;
	v63 =	vimm.s32 $0x2A;
	s8 =	simm.s32 $0x4000;
	s3 =	sadd.s32 $0xC00, s3;
	s6 =	smax.u32 s6, $0x1  }
.LBB2_1:
0x10: {  	[tilespmem:s2], [sflag:$0x1] =	stream.linear.gather [hbm4b:s3+s2], $0x4000, $0x38;
	[tilespmem:$0x5000] =	vst v63  }
0x11: {  	_ =	swait.ge [sflag:s7], $0x4000  }
0x12: {  	[sflag:s7] =	ssyncset.done $0x0  }
0x13: {  	s11 =	simm.s32 $0x0;
	s12 =	simm.s32 $0x0;
	[sflag:s7] =	ssyncadd.s32 $0xFFFFC000  }
.LBB2_2:
0x14: {  	s13 =	sand.u32 $0x70, s12;
	s15 =	sand.u32 $0x400, s11  }
0x15: {  	s13 =	sor.u32 s13, s15  }
0x16: {  	v0 =	vld [tilespmem:s13+$0x0]  }
0x17: {  	s14 =	sand.u32 $0xFFFFFC00, s11;
	v2 =	vld [tilespmem:s13+$0x100]  }
0x18: {  	s14 =	sadd.s32 s14, s12;
	v4 =	vld [tilespmem:s13+$0x200]  }
0x19: {  	s17 =	sor.u32 $0x80, s14;
	v6 =	vld [tilespmem:s13+$0x300]  }
0x1a: {  	s16 =	sor.u32 $0x180, s14;
	v1 =	vld [tilespmem:s17+$0x0]  }
0x1b: {  	s31 =	sor.u32 s11, s12;
	s30 =	sor.u32 $0x280, s14;
	v3 =	vld [tilespmem:s16+$0x0]  }
0x1c: {  	s14 =	sor.u32 $0x380, s31;
	v5 =	vld [tilespmem:s30+$0x0]  }
0x1d: {  	v7 =	vld [tilespmem:s14+$0x0];
	_ =	sdelay $0x2  }
0x1e: {  	vm0 =	vge.f32 v0, v1;
	v8 =	vmax.f32 v0, v1;
	v0 =	vmin.f32 v0, v1  }
0x1f: {  	vm5 =	vge.f32 v2, v3;
	v10 =	vmax.f32 v2, v3;
	v2 =	vmin.f32 v2, v3  }
0x20: {  	vm6 =	vge.f32 v4, v5;
	vm7 =	vge.f32 v6, v7;
	vm1 =	vmneg vm0  }
0x21: {  	v57 =	vsel vm5, $0x2, v11;
	v11 =	vsel vm5, $0x3, v12;
	v12 =	vmax.f32 v4, v5  }
0x22: {  	v4 =	vmin.f32 v4, v5;
	v58 =	vsel vm6, $0x4, v13;
	v13 =	vsel vm6, $0x5, v14  }
0x23: {  	v14 =	vmax.f32 v6, v7;
	v6 =	vmin.f32 v6, v7;
	v59 =	vsel vm7, $0x6, v15  }
0x24: {  	v15 =	vsel vm7, $0x7, v16;
	vm8 =	vge.f32 v8, v10;
	v16 =	vmax.f32 v8, v10  }
0x25: {  	v8 =	vmin.f32 v8, v10;
	vm9 =	vge.f32 v0, v2;
	v60 =	vmax.f32 v0, v2  }
0x26: {  	v0 =	vmin.f32 v0, v2;
	v54 =	vsel vm1, $0x1, v9;
	v9 =	vimm.s32 $0x0  }
0x27: {  	vm10 =	vge.f32 v12, v14;
	vm11 =	vge.f32 v4, v6;
	v62 =	vmax.f32 v4, v6  }
0x28: {  	v4 =	vmin.f32 v4, v6;
	vm12 =	vge.f32 v60, v8;
	v3 =	vmin.f32 v60, v8  }
0x29: {  	v9 =	vsel vm0, $0x1, v9;
	v10 =	vsel vm8, v54, v57;
	v1 =	vsel vm8, v57, v54  }
0x2a: {  	v5 =	vsel vm10, v59, v58;
	v51 =	vsel vm11, v13, v15;
	v13 =	vsel vm11, v15, v13  }
0x2b: {  	v15 =	vmax.f32 v60, v8;
	vm5 =	vge.f32 v0, v4;
	v61 =	vsel vm9, v9, v11  }
0x2c: {  	v9 =	vsel vm9, v11, v9;
	v11 =	vmax.f32 v12, v14;
	v12 =	vmin.f32 v12, v14  }
0x2d: {  	v14 =	vsel vm10, v58, v59;
	v58 =	vmax.f32 v0, v4;
	v0 =	vmin.f32 v0, v4  }
0x2e: {  	v8 =	vsel vm12, v61, v1;
	v1 =	vsel vm12, v1, v61;
	vm13 =	vge.f32 v62, v12  }
0x2f: {  	v52 =	vmax.f32 v62, v12;
	v7 =	vmin.f32 v62, v12;
	vm14 =	vge.f32 v16, v11  }
0x30: {  	v53 =	vmax.f32 v16, v11;
	v54 =	vmin.f32 v16, v11;
	v59 =	vsel vm5, v9, v13  }
0x31: {  	v60 =	vsel vm5, v13, v9;
	v12 =	vsel vm13, v51, v5;
	v5 =	vsel vm13, v5, v51  }
0x32: {  	v11 =	vsel vm14, v10, v14;
	v10 =	vsel vm14, v14, v10;
	vm15 =	vge.f32 v15, v52  }
0x33: {  	v2 =	vmin.f32 v15, v52;
	vm4 =	vge.f32 v3, v7;
	[tilespmem:$0x1F880] =	vst v11;
	v11 =	vmax.f32 v15, v52  }
0x34: {  	v14 =	vsel vm15, v8, v12;
	v8 =	vsel vm15, v12, v8;
	v12 =	vmax.f32 v3, v7  }
0x35: {  	v3 =	vmin.f32 v3, v7;
	v57 =	vsel vm4, v1, v5;
	v1 =	vsel vm4, v5, v1  }
0x36: {  	vm7 =	vge.f32 v58, v2;
	vm6 =	vge.f32 v12, v54;
	v61 =	vmax.f32 v12, v54  }
0x37: {  	[tilespmem:$0x1F9F0] =	vst v0;
	v52 =	vld [tilespmem:s13+$0xA00];
	v6 =	vmin.f32 v12, v54;
	v62 =	vsel vm7, v59, v8;
	v0 =	vsel vm7, v8, v59  }
0x38: {  	v12 =	vld [tilespmem:s13+$0x800];
	v9 =	vsel vm6, v57, v10;
	v7 =	vsel vm6, v10, v57;
	v10 =	vmax.f32 v58, v2  }
0x39: {  	v8 =	vld [tilespmem:s13+$0x880];
	v2 =	vmin.f32 v58, v2;
	vm8 =	vge.f32 v11, v61;
	v13 =	vmax.f32 v11, v61  }
0x3a: {  	[tilespmem:$0x1F860] =	vst v53;
	v54 =	vld [tilespmem:s13+$0xA80];
	v4 =	vmin.f32 v11, v61;
	v11 =	vsel vm8, v14, v9;
	v9 =	vsel vm8, v9, v14  }
0x3b: {  	[tilespmem:$0x1FA10] =	vst v60;
	v59 =	vld [tilespmem:s13+$0xB80];
	vm9 =	vge.f32 v10, v6;
	vm10 =	vge.f32 v2, v3;
	v53 =	vmax.f32 v2, v3  }
0x3c: {  	v58 =	vld [tilespmem:s13+$0xB00];
	v2 =	vmin.f32 v2, v3;
	[tilespmem:$0x1F8B0] =	vst v11;
	v11 =	vmax.f32 v10, v6;
	v6 =	vmin.f32 v10, v6  }
0x3d: {  	[tilespmem:$0x1F8A0] =	vst v13;
	v51 =	vsel vm9, v62, v7;
	v5 =	vsel vm9, v7, v62;
	v57 =	vsel vm10, v0, v1  }
0x3e: {  	[tilespmem:$0x1F8D0] =	vst v4;
	v4 =	vld [tilespmem:s13+$0x900];
	v0 =	vsel vm10, v1, v0;
	vm11 =	vge.f32 v12, v8;
	v60 =	vmax.f32 v12, v8  }
0x3f: {  	[tilespmem:$0x1F8E0] =	vst v9;
	v9 =	vld [tilespmem:s13+$0x980];
	v61 =	vmin.f32 v12, v8;
	vm13 =	vge.f32 v52, v54;
	v12 =	vmax.f32 v52, v54  }
0x40: {  	[tilespmem:$0x1F950] =	vst v5;
	v5 =	vmin.f32 v52, v54;
	v62 =	vsel vm11, $0x8, v17;
	v8 =	vsel vm11, $0x9, v18  }
0x41: {  	[tilespmem:$0x1F910] =	vst v51;
	v51 =	vsel vm13, $0xC, v21;
	v13 =	vsel vm13, $0xD, v22;
	vm14 =	vge.f32 v58, v59  }
0x42: {  	[tilespmem:$0x1F9D0] =	vst v0;
	v14 =	vmax.f32 v58, v59;
	v0 =	vmin.f32 v58, v59;
	v52 =	vsel vm14, $0xE, v23  }
0x43: {  	v15 =	vsel vm14, $0xF, v24;
	vm5 =	vge.f32 v12, v14;
	vm6 =	vge.f32 v5, v0  }
0x44: {  	v54 =	vmax.f32 v5, v0;
	v0 =	vmin.f32 v5, v0;
	vm12 =	vge.f32 v4, v9  }
0x45: {  	v10 =	vmax.f32 v4, v9;
	v4 =	vmin.f32 v4, v9;
	v1 =	vsel vm5, v52, v51  }
0x46: {  	[tilespmem:$0x1F990] =	vst v57;
	v57 =	vsel vm6, v13, v15;
	v13 =	vsel vm6, v15, v13;
	v9 =	vsel vm12, $0xA, v19  }
0x47: {  	[tilespmem:$0x1F900] =	vst v11;
	v11 =	vsel vm12, $0xB, v20;
	vm15 =	vge.f32 v60, v10;
	v16 =	vmax.f32 v60, v10  }
0x48: {  	[tilespmem:$0x1F9B0] =	vst v2;
	v2 =	vmin.f32 v60, v10;
	vm4 =	vge.f32 v61, v4;
	v3 =	vmin.f32 v61, v4  }
0x49: {  	v10 =	vsel vm15, v62, v9;
	v7 =	vsel vm15, v9, v62;
	v9 =	vmax.f32 v61, v4  }
0x4a: {  	[tilespmem:$0x1F970] =	vst v53;
	v53 =	vsel vm4, v8, v11;
	v8 =	vsel vm4, v11, v8;
	v11 =	vmax.f32 v12, v14  }
0x4b: {  	v12 =	vmin.f32 v12, v14;
	v14 =	vsel vm5, v51, v52;
	vm12 =	vge.f32 v3, v0  }
0x4c: {  	v62 =	vmax.f32 v3, v0;
	v0 =	vmin.f32 v3, v0;
	vm7 =	vge.f32 v9, v2  }
0x4d: {  	v15 =	vmax.f32 v9, v2;
	v2 =	vmin.f32 v9, v2;
	vm8 =	vge.f32 v54, v12  }
0x4e: {  	[tilespmem:$0x1F930] =	vst v6;
	v58 =	vmax.f32 v54, v12;
	v6 =	vmin.f32 v54, v12;
	vm9 =	vge.f32 v16, v11  }
0x4f: {  	v59 =	vmax.f32 v16, v11;
	v60 =	vmin.f32 v16, v11;
	v51 =	vsel vm12, v8, v13  }
0x50: {  	v52 =	vsel vm12, v13, v8;
	v9 =	vsel vm7, v53, v7;
	v4 =	vsel vm7, v7, v53  }
0x51: {  	v12 =	vsel vm8, v57, v1;
	v1 =	vsel vm8, v1, v57;
	v11 =	vsel vm9, v10, v14  }
0x52: {  	v10 =	vsel vm9, v14, v10;
	vm10 =	vge.f32 v15, v58;
	v7 =	vmin.f32 v15, v58  }
0x53: {  	vm11 =	vge.f32 v2, v6;
	[tilespmem:$0x1FA20] =	vst v11;
	v11 =	vmax.f32 v15, v58;
	v14 =	vsel vm10, v9, v12  }
0x54: {  	v9 =	vsel vm10, v12, v9;
	v12 =	vmax.f32 v2, v6;
	v2 =	vmin.f32 v2, v6  }
0x55: {  	v61 =	vsel vm11, v4, v1;
	v1 =	vsel vm11, v1, v4;
	vm14 =	vge.f32 v62, v7  }
0x56: {  	[tilespmem:$0x1F870] =	vst v0;
	v4 =	vmin.f32 v62, v7;
	vm13 =	vge.f32 v12, v60;
	v53 =	vmax.f32 v12, v60  }
0x57: {  	v54 =	vld [tilespmem:s13+$0x1080];
	[tilespmem:$0x1FA00] =	vst v59;
	v5 =	vmin.f32 v12, v60;
	v12 =	vmax.f32 v62, v7;
	v13 =	vsel vm14, v51, v9  }
0x58: {  	[tilespmem:$0x1F890] =	vst v52;
	v52 =	vld [tilespmem:s13+$0x1380];
	v0 =	vsel vm14, v9, v51;
	vm5 =	vge.f32 v4, v2;
	v15 =	vmax.f32 v11, v53  }
0x59: {  	v62 =	vld [tilespmem:s13+$0x1300];
	v8 =	vsel vm13, v61, v10;
	v6 =	vsel vm13, v10, v61;
	v3 =	vmin.f32 v11, v53;
	[tilespmem:$0x1F9C0] =	vst v15  }
0x5a: {  	v10 =	vld [tilespmem:s13+$0x1000];
	vm15 =	vge.f32 v11, v53;
	v51 =	vsel vm5, v0, v1;
	v0 =	vsel vm5, v1, v0;
	[tilespmem:$0x1F980] =	vst v3  }
0x5b: {  	v9 =	vld [tilespmem:s13+$0x1100];
	vm4 =	vge.f32 v12, v5;
	v59 =	vsel vm15, v14, v8;
	v8 =	vsel vm15, v8, v14;
	[tilespmem:$0x1F8C0] =	vst v0  }
0x5c: {  	v25 =	vmin.f32 v12, v5;
	v3 =	vld [tilespmem:s13+$0x1180];
	v61 =	vsel vm4, v6, v13;
	[tilespmem:$0x1F9A0] =	vst v8  }
0x5d: {  	v60 =	vsel vm4, v13, v6;
	v8 =	vmax.f32 v12, v5;
	[tilespmem:$0x1F920] =	vst v61;
	v61 =	vmax.f32 v4, v2  }
0x5e: {  	[tilespmem:$0x1F9E0] =	vst v59;
	v5 =	vld [tilespmem:s13+$0x1280];
	v59 =	vmin.f32 v4, v2;
	vm9 =	vge.f32 v62, v52;
	v14 =	vmax.f32 v62, v52  }
0x5f: {  	[tilespmem:$0x1F940] =	vst v8;
	v8 =	vld [tilespmem:s13+$0x1200];
	v0 =	vmin.f32 v62, v52;
	vm6 =	vge.f32 v10, v54;
	v53 =	vmax.f32 v10, v54  }
0x60: {  	[tilespmem:$0x1F960] =	vst v60;
	v54 =	vmin.f32 v10, v54;
	v60 =	vsel vm9, $0x16, v32;
	v15 =	vsel vm9, $0x17, v33  }
0x61: {  	v57 =	vsel vm6, $0x10, v26;
	v58 =	vsel vm6, $0x11, v27;
	vm7 =	vge.f32 v9, v3  }
0x62: {  	v10 =	vmax.f32 v9, v3;
	v3 =	vmin.f32 v9, v3;
	v9 =	vsel vm7, $0x12, v28  }
0x63: {  	v11 =	vsel vm7, $0x13, v29;
	vm10 =	vge.f32 v53, v10;
	v16 =	vmax.f32 v53, v10  }
0x64: {  	v1 =	vmin.f32 v53, v10;
	vm11 =	vge.f32 v54, v3;
	vm8 =	vge.f32 v8, v5  }
0x65: {  	v12 =	vmax.f32 v8, v5;
	v5 =	vmin.f32 v8, v5;
	v10 =	vsel vm10, v57, v9  }
0x66: {  	v6 =	vsel vm10, v9, v57;
	v9 =	vmax.f32 v54, v3;
	v3 =	vmin.f32 v54, v3  }
0x67: {  	v62 =	vsel vm11, v58, v11;
	v7 =	vsel vm11, v11, v58;
	v8 =	vsel vm8, $0x14, v30  }
0x68: {  	v13 =	vsel vm8, $0x15, v31;
	vm12 =	vge.f32 v12, v14;
	v11 =	vmax.f32 v12, v14  }
0x69: {  	v12 =	vmin.f32 v12, v14;
	vm13 =	vge.f32 v5, v0;
	vm14 =	vge.f32 v9, v1  }
0x6a: {  	v14 =	vsel vm12, v8, v60;
	v2 =	vsel vm12, v60, v8;
	v8 =	vmax.f32 v5, v0  }
0x6b: {  	v0 =	vmin.f32 v5, v0;
	v32 =	vsel vm13, v13, v15;
	v13 =	vsel vm13, v15, v13  }
0x6c: {  	v15 =	vmax.f32 v9, v1;
	v1 =	vmin.f32 v9, v1;
	v9 =	vsel vm14, v62, v6  }
0x6d: {  	[tilespmem:$0x1F8F0] =	vst v51;
	v4 =	vsel vm14, v6, v62;
	vm4 =	vge.f32 v16, v11;
	v51 =	vmax.f32 v16, v11  }
0x6e: {  	v52 =	vmin.f32 v16, v11;
	vm15 =	vge.f32 v8, v12;
	v33 =	vmax.f32 v8, v12  }
0x6f: {  	v8 =	vmin.f32 v8, v12;
	v11 =	vsel vm4, v10, v14;
	v10 =	vsel vm4, v14, v10  }
0x70: {  	vm7 =	vge.f32 v3, v0;
	v53 =	vmax.f32 v3, v0;
	v0 =	vmin.f32 v3, v0  }
0x71: {  	v12 =	vsel vm15, v32, v2;
	v2 =	vsel vm15, v2, v32;
	vm5 =	vge.f32 v15, v33  }
0x72: {  	[tilespmem:$0x1FA40] =	vst v11;
	v11 =	vmax.f32 v15, v33;
	v6 =	vmin.f32 v15, v33;
	vm6 =	vge.f32 v1, v8  }
0x73: {  	v54 =	vsel vm7, v7, v13;
	v57 =	vsel vm7, v13, v7;
	v14 =	vsel vm5, v9, v12  }
0x74: {  	v9 =	vsel vm5, v12, v9;
	v12 =	vmax.f32 v1, v8;
	v1 =	vmin.f32 v1, v8  }
0x75: {  	v8 =	vsel vm6, v4, v2;
	v2 =	vsel vm6, v2, v4;
	vm9 =	vge.f32 v53, v6  }
0x76: {  	v13 =	vld [tilespmem:s13+$0x1880];
	v4 =	vmin.f32 v53, v6;
	vm8 =	vge.f32 v12, v52;
	v58 =	vmax.f32 v12, v52  }
0x77: {  	[tilespmem:$0x1FB80] =	vst v0;
	v5 =	vmin.f32 v12, v52;
	v12 =	vmax.f32 v53, v6;
	v62 =	vsel vm9, v54, v9;
	v52 =	vld [tilespmem:s13+$0x1A00]  }
0x78: {  	[tilespmem:$0x1FBA0] =	vst v57;
	v0 =	vsel vm9, v9, v54;
	vm12 =	vge.f32 v4, v1;
	v54 =	vld [tilespmem:s13+$0x1A80];
	v57 =	vmax.f32 v4, v1  }
0x79: {  	[tilespmem:$0x1FA30] =	vst v51;
	v60 =	vsel vm8, v8, v10;
	v8 =	vsel vm8, v10, v8;
	v10 =	vld [tilespmem:s13+$0x1800];
	v9 =	vmax.f32 v11, v58  }
0x7a: {  	v1 =	vmin.f32 v4, v1;
	vm10 =	vge.f32 v11, v58;
	v3 =	vmin.f32 v11, v58;
	[tilespmem:$0x1FA60] =	vst v9;
	v9 =	vld [tilespmem:s13+$0x1900]  }
0x7b: {  	vm11 =	vge.f32 v12, v5;
	v51 =	vmax.f32 v12, v5;
	v5 =	vmin.f32 v12, v5;
	[tilespmem:$0x1FA90] =	vst v3;
	v3 =	vld [tilespmem:s13+$0x1980]  }
0x7c: {  	v58 =	vsel vm12, v0, v2;
	v32 =	vsel vm10, v14, v60;
	v33 =	vsel vm10, v60, v14;
	v60 =	vld [tilespmem:s13+$0x1B00]  }
0x7d: {  	v0 =	vsel vm12, v2, v0;
	[tilespmem:$0x1FAF0] =	vst v5;
	v53 =	vsel vm11, v62, v8;
	v6 =	vsel vm11, v8, v62;
	v62 =	vld [tilespmem:s13+$0x1B80]  }
0x7e: {  	[tilespmem:$0x1FA70] =	vst v32;
	vm15 =	vge.f32 v52, v54;
	v12 =	vmax.f32 v52, v54;
	v5 =	vmin.f32 v52, v54  }
0x7f: {  	[tilespmem:$0x1FAA0] =	vst v33;
	vm13 =	vge.f32 v10, v13;
	v32 =	vmax.f32 v10, v13;
	v33 =	vmin.f32 v10, v13  }
0x80: {  	v38 =	vsel vm15, $0x1C, v38;
	v13 =	vsel vm15, $0x1D, v39;
	v34 =	vsel vm13, $0x18, v34  }
0x81: {  	v8 =	vsel vm13, $0x19, v35;
	vm14 =	vge.f32 v9, v3;
	v10 =	vmax.f32 v9, v3  }
0x82: {  	v3 =	vmin.f32 v9, v3;
	vm4 =	vge.f32 v60, v62;
	v14 =	vmax.f32 v60, v62  }
0x83: {  	[tilespmem:$0x1FB60] =	vst v0;
	v0 =	vmin.f32 v60, v62;
	v9 =	vsel vm14, $0x1A, v36;
	v11 =	vsel vm14, $0x1B, v37  }
0x84: {  	[tilespmem:$0x1FAC0] =	vst v51;
	v51 =	vsel vm4, $0x1E, v40;
	vm5 =	vge.f32 v32, v10;
	v15 =	vmax.f32 v32, v10  }
0x85: {  	v2 =	vmin.f32 v32, v10;
	vm6 =	vge.f32 v33, v3;
	vm7 =	vge.f32 v12, v14  }
0x86: {  	[tilespmem:$0x1FAD0] =	vst v53;
	vm8 =	vge.f32 v5, v0;
	v53 =	vmax.f32 v5, v0;
	v0 =	vmin.f32 v5, v0  }
0x87: {  	v54 =	vsel vm4, $0x1F, v41;
	v10 =	vsel vm5, v34, v9;
	v7 =	vsel vm5, v9, v34  }
0x88: {  	v9 =	vmax.f32 v33, v3;
	v3 =	vmin.f32 v33, v3;
	v52 =	vsel vm6, v8, v11  }
0x89: {  	v8 =	vsel vm6, v11, v8;
	v11 =	vmax.f32 v12, v14;
	v12 =	vmin.f32 v12, v14  }
0x8a: {  	[tilespmem:$0x1FB50] =	vst v1;
	v14 =	vsel vm7, v38, v51;
	v1 =	vsel vm7, v51, v38;
	v16 =	vsel vm8, v13, v54  }
0x8b: {  	v5 =	vsel vm8, v54, v13;
	vm9 =	vge.f32 v9, v2;
	v13 =	vmax.f32 v9, v2  }
0x8c: {  	[tilespmem:$0x1FB20] =	vst v57;
	v2 =	vmin.f32 v9, v2;
	vm10 =	vge.f32 v53, v12;
	v57 =	vmax.f32 v53, v12  }
0x8d: {  	[tilespmem:$0x1FB00] =	vst v6;
	v6 =	vmin.f32 v53, v12;
	vm11 =	vge.f32 v15, v11;
	vm14 =	vge.f32 v3, v0  }
0x8e: {  	v60 =	vmax.f32 v3, v0;
	v53 =	vmin.f32 v3, v0;
	v9 =	vsel vm9, v52, v7  }
0x8f: {  	v4 =	vsel vm9, v7, v52;
	v12 =	vsel vm10, v16, v1;
	v1 =	vsel vm10, v1, v16  }
0x90: {  	v16 =	vmax.f32 v15, v11;
	v11 =	vmin.f32 v15, v11;
	v15 =	vsel vm11, v10, v14  }
0x91: {  	v10 =	vsel vm11, v14, v10;
	vm12 =	vge.f32 v13, v57;
	v14 =	vmax.f32 v13, v57  }
0x92: {  	v7 =	vmin.f32 v13, v57;
	vm13 =	vge.f32 v2, v6;
	v62 =	vsel vm14, v8, v5  }
0x93: {  	v32 =	vsel vm14, v5, v8;
	v13 =	vsel vm12, v9, v12;
	v9 =	vsel vm12, v12, v9  }
0x94: {  	[tilespmem:$0x1FB30] =	vst v58;
	v12 =	vmax.f32 v2, v6;
	v2 =	vmin.f32 v2, v6;
	v58 =	vsel vm13, v4, v1  }
0x95: {  	v1 =	vsel vm13, v1, v4;
	vm4 =	vge.f32 v60, v7;
	v4 =	vmin.f32 v60, v7  }
0x96: {  	v33 =	vld [tilespmem:s13+$0x2000];
	vm15 =	vge.f32 v12, v11;
	v34 =	vmax.f32 v12, v11;
	v8 =	vmin.f32 v12, v11  }
0x97: {  	[tilespmem:$0x1FBB0] =	vst v15;
	v15 =	vld [tilespmem:s13+$0x2100];
	v35 =	vsel vm4, v62, v9;
	v0 =	vsel vm4, v9, v62;
	vm7 =	vge.f32 v4, v2  }
0x98: {  	v12 =	vld [tilespmem:s13+$0x2080];
	v52 =	vmax.f32 v4, v2;
	v51 =	vmin.f32 v4, v2;
	v11 =	vsel vm15, v58, v10  }
0x99: {  	v9 =	vld [tilespmem:s13+$0x2180];
	v6 =	vsel vm15, v10, v58;
	v10 =	vmax.f32 v60, v7;
	vm5 =	vge.f32 v14, v34  }
0x9a: {  	v54 =	vmax.f32 v14, v34;
	v57 =	vmin.f32 v14, v34;
	v38 =	vsel vm7, v0, v1  }
0x9b: {  	v36 =	vld [tilespmem:s13+$0x2200];
	v0 =	vsel vm7, v1, v0;
	v14 =	vsel vm5, v13, v11;
	v11 =	vsel vm5, v11, v13  }
0x9c: {  	v37 =	vld [tilespmem:s13+$0x2380];
	vm6 =	vge.f32 v10, v8;
	v60 =	vmax.f32 v10, v8;
	v62 =	vmin.f32 v10, v8  }
0x9d: {  	[tilespmem:$0x1FB40] =	vst v11;
	v11 =	vld [tilespmem:s13+$0x2280];
	v8 =	vsel vm6, v35, v6;
	v6 =	vsel vm6, v6, v35;
	vm8 =	vge.f32 v33, v12  }
0x9e: {  	[tilespmem:$0x1FB10] =	vst v8;
	v8 =	vld [tilespmem:s13+$0x2300];
	v39 =	vmax.f32 v33, v12;
	v40 =	vmin.f32 v33, v12;
	v41 =	vmax.f32 v15, v9  }
0x9f: {  	vm9 =	vge.f32 v15, v9;
	v58 =	vmin.f32 v15, v9;
	vm4 =	vge.f32 v39, v41  }
0xa0: {  	[tilespmem:$0x1FA80] =	vst v0;
	v9 =	vsel vm9, $0x22, v44;
	v10 =	vmax.f32 v39, v41;
	v0 =	vmin.f32 v39, v41  }
0xa1: {  	vm10 =	vge.f32 v40, v58;
	v1 =	vmin.f32 v40, v58;
	v35 =	vsel vm8, $0x21, v43  }
0xa2: {  	[tilespmem:$0x1FA50] =	vst v32;
	vm2 =	vge.f32 v36, v11;
	v32 =	vmax.f32 v36, v11;
	v5 =	vmin.f32 v36, v11  }
0xa3: {  	v11 =	vsel vm9, $0x23, v45;
	vm3 =	vge.f32 v8, v37;
	v33 =	vmax.f32 v8, v37  }
0xa4: {  	[tilespmem:$0x1FAE0] =	vst v6;
	v6 =	vmin.f32 v8, v37;
	v8 =	vsel vm8, $0x20, v42;
	v12 =	vsel vm10, v35, v11  }
0xa5: {  	v3 =	vsel vm10, v11, v35;
	v11 =	vsel vm2, $0x24, v46;
	v34 =	vsel vm4, v8, v9  }
0xa6: {  	v8 =	vsel vm4, v9, v8;
	v9 =	vmax.f32 v40, v58;
	vm11 =	vge.f32 v32, v33  }
0xa7: {  	[tilespmem:$0x1FB70] =	vst v14;
	v13 =	vsel vm3, $0x26, v48;
	v14 =	vmax.f32 v32, v33;
	v4 =	vmin.f32 v32, v33  }
0xa8: {  	[tilespmem:$0x1FB90] =	vst v16;
	vm12 =	vge.f32 v5, v6;
	v15 =	vsel vm3, $0x27, v49;
	v16 =	vmax.f32 v5, v6  }
0xa9: {  	v5 =	vmin.f32 v5, v6;
	v36 =	vsel vm11, v11, v13;
	v11 =	vsel vm11, v13, v11  }
0xaa: {  	v13 =	vsel vm2, $0x25, v47;
	vm13 =	vge.f32 v9, v0;
	vm14 =	vge.f32 v16, v4  }
0xab: {  	vm15 =	vge.f32 v10, v14;
	vm6 =	vge.f32 v1, v5;
	v37 =	vsel vm12, v13, v15  }
0xac: {  	v13 =	vsel vm12, v15, v13;
	v15 =	vmax.f32 v9, v0;
	v0 =	vmin.f32 v9, v0  }
0xad: {  	v9 =	vsel vm13, v12, v8;
	v8 =	vsel vm13, v8, v12;
	v12 =	vmax.f32 v16, v4  }
0xae: {  	v4 =	vmin.f32 v16, v4;
	v2 =	vsel vm15, v36, v34;
	v16 =	vsel vm14, v37, v11  }
0xaf: {  	v6 =	vsel vm14, v11, v37;
	v11 =	vmax.f32 v10, v14;
	v10 =	vmin.f32 v10, v14  }
0xb0: {  	[tilespmem:$0x1FAB0] =	vst v38;
	vm4 =	vge.f32 v15, v12;
	v38 =	vmax.f32 v15, v12;
	vm5 =	vge.f32 v0, v4  }
0xb1: {  	v48 =	vld [tilespmem:s13+$0x2B00];
	v14 =	vmax.f32 v0, v4;
	v0 =	vmin.f32 v0, v4;
	v40 =	vsel vm6, v3, v13  }
0xb2: {  	v49 =	vld [tilespmem:s13+$0x2B80];
	v3 =	vsel vm6, v13, v3;
	[tilespmem:$0x1FBC0] =	vst v11;
	v11 =	vsel vm15, v34, v36;
	v39 =	vsel vm5, v8, v6  }
0xb3: {  	v6 =	vsel vm5, v6, v8;
	v8 =	vmax.f32 v1, v5;
	v1 =	vmin.f32 v1, v5  }
0xb4: {  	vm7 =	vge.f32 v14, v10;
	v42 =	vmax.f32 v14, v10;
	v10 =	vmin.f32 v14, v10  }
0xb5: {  	[tilespmem:$0x1FBD0] =	vst v11;
	v11 =	vmin.f32 v15, v12;
	v12 =	vsel vm4, v9, v16;
	v9 =	vsel vm4, v16, v9  }
0xb6: {  	v14 =	vsel vm7, v39, v2;
	v2 =	vsel vm7, v2, v39;
	vm9 =	vge.f32 v38, v42  }
0xb7: {  	[tilespmem:$0x1FD10] =	vst v3;
	v17 =	vmax.f32 v38, v42;
	v3 =	vmin.f32 v38, v42;
	vm15 =	vge.f32 v48, v49  }
0xb8: {  	v41 =	vld [tilespmem:s13+$0x2800];
	vm8 =	vge.f32 v8, v11;
	v15 =	vmax.f32 v8, v11;
	v8 =	vmin.f32 v8, v11  }
0xb9: {  	v13 =	vld [tilespmem:s13+$0x2880];
	v44 =	vsel vm9, v12, v14;
	v46 =	vsel vm9, v14, v12;
	v16 =	vsel vm8, v40, v9  }
0xba: {  	v43 =	vld [tilespmem:s13+$0x2900];
	[tilespmem:$0x1FD00] =	vst v1;
	v1 =	vsel vm8, v9, v40;
	vm10 =	vge.f32 v15, v10;
	v47 =	vmax.f32 v15, v10  }
0xbb: {  	v45 =	vld [tilespmem:s13+$0x2A80];
	v10 =	vmin.f32 v15, v10;
	vm11 =	vge.f32 v8, v0;
	v58 =	vmax.f32 v8, v0  }
0xbc: {  	v11 =	vld [tilespmem:s13+$0x2980];
	v0 =	vmin.f32 v8, v0;
	v8 =	vmax.f32 v48, v49;
	v15 =	vimm.s32 $0x2E  }
0xbd: {  	v9 =	vld [tilespmem:s13+$0x2A00];
	[tilespmem:$0x1FC80] =	vst v10;
	v10 =	vsel vm10, v16, v2;
	v2 =	vsel vm10, v2, v16;
	v32 =	vsel vm11, v1, v6  }
0xbe: {  	v33 =	vsel vm11, v6, v1;
	vm12 =	vge.f32 v41, v13;
	v34 =	vmax.f32 v41, v13  }
0xbf: {  	[tilespmem:$0x1FC50] =	vst v47;
	v35 =	vmin.f32 v41, v13;
	v13 =	vimm.s32 $0x2F;
	v15 =	vsel vm15, $0x2F, v15  }
0xc0: {  	v47 =	vimm.s32 $0x37;
	[tilespmem:$0x1FC90] =	vst v2;
	v2 =	vmin.f32 v48, v49;
	v38 =	vsel vm12, $0x28, v50  }
0xc1: {  	v13 =	vsel vm15, $0x2E, v13;
	vm13 =	vge.f32 v43, v11;
	v36 =	vmax.f32 v43, v11  }
0xc2: {  	[tilespmem:$0x1FC20] =	vst v3;
	v4 =	vmin.f32 v43, v11;
	vm14 =	vge.f32 v9, v45;
	v37 =	vmax.f32 v9, v45  }
0xc3: {  	[tilespmem:$0x1FCD0] =	vst v0;
	v3 =	vmin.f32 v9, v45;
	vm8 =	vge.f32 v34, v36;
	v9 =	vsel vm13, $0x2A, v56  }
0xc4: {  	[tilespmem:$0x1FC60] =	vst v10;
	v10 =	vmax.f32 v34, v36;
	v0 =	vmin.f32 v34, v36;
	vm9 =	vge.f32 v35, v4  }
0xc5: {  	v11 =	vsel vm13, $0x2B, v63;
	v12 =	vmax.f32 v35, v4;
	v1 =	vmin.f32 v35, v4  }
0xc6: {  	v45 =	vimm.s32 $0x35;
	v39 =	vsel vm8, v38, v9;
	v7 =	vsel vm8, v9, v38  }
0xc7: {  	v9 =	vsel vm12, $0x29, v55;
	vm10 =	vge.f32 v37, v8;
	v6 =	vmin.f32 v37, v8  }
0xc8: {  	vm11 =	vge.f32 v3, v2;
	v16 =	vmax.f32 v3, v2;
	v2 =	vmin.f32 v3, v2  }
0xc9: {  	vm12 =	vge.f32 v12, v0;
	v40 =	vsel vm9, v9, v11;
	v9 =	vsel vm9, v11, v9  }
0xca: {  	v11 =	vmax.f32 v37, v8;
	v8 =	vimm.s32 $0x2D;
	vm13 =	vge.f32 v16, v6  }
0xcb: {  	v20 =	vld [tilespmem:s13+$0x3180];
	v42 =	vmax.f32 v16, v6;
	v6 =	vmin.f32 v16, v6;
	vm5 =	vge.f32 v1, v2  }
0xcc: {  	[tilespmem:$0x1FBF0] =	vst v17;
	v17 =	vld [tilespmem:s13+$0x3100];
	v48 =	vmax.f32 v1, v2;
	v8 =	vsel vm14, $0x2C, v8;
	v4 =	vsel vm12, v7, v40  }
0xcd: {  	v14 =	vsel vm10, v8, v13;
	v8 =	vsel vm10, v13, v8;
	v13 =	vimm.s32 $0x2C  }
0xce: {  	v56 =	vmax.f32 v10, v11;
	v13 =	vsel vm14, $0x2D, v13;
	vm14 =	vge.f32 v10, v11  }
0xcf: {  	v41 =	vsel vm11, v13, v15;
	v13 =	vsel vm11, v15, v13;
	v15 =	vmax.f32 v12, v0  }
0xd0: {  	v0 =	vmin.f32 v12, v0;
	v12 =	vsel vm12, v40, v7;
	v5 =	vsel vm14, v14, v39  }
0xd1: {  	vm12 =	vge.f32 v17, v20;
	v40 =	vimm.s32 $0x31;
	v16 =	vsel vm13, v41, v8  }
0xd2: {  	v3 =	vsel vm13, v8, v41;
	v8 =	vmin.f32 v10, v11;
	v10 =	vsel vm14, v39, v14  }
0xd3: {  	vm15 =	vge.f32 v15, v42;
	v7 =	vmin.f32 v15, v42;
	vm4 =	vge.f32 v0, v6  }
0xd4: {  	v14 =	vmax.f32 v0, v6;
	v49 =	vsel vm5, v9, v13;
	v50 =	vsel vm5, v13, v9  }
0xd5: {  	v41 =	vimm.s32 $0x33;
	[tilespmem:$0x1FD20] =	vst v10;
	v10 =	vmax.f32 v15, v42;
	v11 =	vsel vm15, v12, v16  }
0xd6: {  	v12 =	vsel vm15, v16, v12;
	v15 =	vmin.f32 v0, v6;
	v43 =	vsel vm4, v4, v3  }
0xd7: {  	v3 =	vsel vm4, v3, v4;
	vm6 =	vge.f32 v14, v8;
	v55 =	vmax.f32 v14, v8  }
0xd8: {  	v8 =	vmin.f32 v14, v8;
	vm7 =	vge.f32 v48, v7;
	v18 =	vmax.f32 v48, v7  }
0xd9: {  	v7 =	vmin.f32 v48, v7;
	v42 =	vimm.s32 $0x30;
	v48 =	vimm.s32 $0x34  }
0xda: {  	v14 =	vsel vm6, v43, v5;
	v16 =	vsel vm6, v5, v43;
	v19 =	vsel vm7, v49, v12  }
0xdb: {  	[tilespmem:$0x1FC00] =	vst v44;
	v9 =	vld [tilespmem:s13+$0x3000];
	v12 =	vsel vm7, v12, v49;
	vm8 =	vge.f32 v10, v55;
	v44 =	vmax.f32 v10, v55  }
0xdc: {  	v13 =	vld [tilespmem:s13+$0x3080];
	v38 =	vmin.f32 v10, v55;
	vm9 =	vge.f32 v18, v8;
	v37 =	vmax.f32 v18, v8  }
0xdd: {  	v21 =	vld [tilespmem:s13+$0x3200];
	v36 =	vmin.f32 v18, v8;
	vm10 =	vge.f32 v7, v15;
	v35 =	vmax.f32 v7, v15  }
0xde: {  	v10 =	vld [tilespmem:s13+$0x3280];
	v55 =	vmin.f32 v7, v15;
	v15 =	vsel vm12, $0x32, v41;
	v43 =	vimm.s32 $0x32  }
0xdf: {  	v8 =	vld [tilespmem:s13+$0x3300];
	v49 =	vimm.s32 $0x36;
	v63 =	vsel vm8, v11, v14;
	v4 =	vsel vm8, v14, v11  }
0xe0: {  	[tilespmem:$0x1FCB0] =	vst v32;
	v5 =	vsel vm9, v19, v16;
	v6 =	vsel vm9, v16, v19;
	v11 =	vld [tilespmem:s13+$0x3380];
	v32 =	vsel vm10, v12, v3  }
0xe1: {  	[tilespmem:$0x1FCE0] =	vst v33;
	v33 =	vsel vm10, v3, v12;
	v12 =	vmin.f32 v17, v20;
	vm11 =	vge.f32 v9, v13  }
0xe2: {  	v34 =	vmax.f32 v9, v13;
	v39 =	vmin.f32 v9, v13;
	v9 =	vmax.f32 v17, v20  }
0xe3: {  	v17 =	vsel vm12, $0x33, v43;
	vm15 =	vge.f32 v34, v9;
	v3 =	vmin.f32 v34, v9  }
0xe4: {  	vm8 =	vge.f32 v39, v12;
	v18 =	vmax.f32 v39, v12;
	v7 =	vmin.f32 v39, v12  }
0xe5: {  	vm13 =	vge.f32 v21, v10;
	vm14 =	vge.f32 v8, v11;
	v14 =	vmax.f32 v8, v11  }
0xe6: {  	v8 =	vmin.f32 v8, v11;
	v11 =	vmax.f32 v34, v9;
	v9 =	vsel vm11, $0x30, v40  }
0xe7: {  	v13 =	vmax.f32 v21, v10;
	v10 =	vmin.f32 v21, v10;
	v16 =	vsel vm15, v9, v15  }
0xe8: {  	v9 =	vsel vm15, v15, v9;
	v15 =	vsel vm11, $0x31, v42;
	vm9 =	vge.f32 v13, v14  }
0xe9: {  	v19 =	vsel vm14, $0x36, v47;
	v20 =	vmax.f32 v13, v14;
	v13 =	vmin.f32 v13, v14  }
0xea: {  	vm10 =	vge.f32 v10, v8;
	v21 =	vsel vm14, $0x37, v49;
	vm11 =	vge.f32 v18, v3  }
0xeb: {  	v12 =	vsel vm8, v15, v17;
	v15 =	vsel vm8, v17, v15;
	v17 =	vsel vm13, $0x34, v45  }
0xec: {  	v49 =	vmax.f32 v11, v20;
	v14 =	vsel vm9, v17, v19;
	v17 =	vsel vm9, v19, v17  }
0xed: {  	v19 =	vmax.f32 v10, v8;
	v8 =	vmin.f32 v10, v8;
	v10 =	vsel vm13, $0x35, v48  }
0xee: {  	vm13 =	vge.f32 v11, v20;
	v11 =	vmin.f32 v11, v20;
	v48 =	vimm.s32 $0x39  }
0xef: {  	v22 =	vsel vm10, v10, v21;
	v10 =	vsel vm10, v21, v10;
	v21 =	vmax.f32 v18, v3  }
0xf0: {  	v3 =	vmin.f32 v18, v3;
	v18 =	vsel vm11, v12, v9;
	v9 =	vsel vm11, v9, v12  }
0xf1: {  	vm12 =	vge.f32 v19, v13;
	v12 =	vmax.f32 v19, v13;
	v13 =	vmin.f32 v19, v13  }
0xf2: {  	[tilespmem:$0x1FBE0] =	vst v50;
	v50 =	vsel vm13, v16, v14;
	v14 =	vsel vm13, v14, v16;
	vm4 =	vge.f32 v7, v8  }
0xf3: {  	[tilespmem:$0x1FCF0] =	vst v63;
	v19 =	vsel vm12, v22, v17;
	v17 =	vsel vm12, v17, v22;
	vm14 =	vge.f32 v21, v12  }
0xf4: {  	[tilespmem:$0x1FCC0] =	vst v4;
	v16 =	vmax.f32 v21, v12;
	v12 =	vmin.f32 v21, v12;
	vm15 =	vge.f32 v3, v13  }
0xf5: {  	[tilespmem:$0x1FD30] =	vst v50;
	v50 =	vmin.f32 v7, v8;
	v63 =	vsel vm4, v15, v10;
	v4 =	vsel vm4, v10, v15  }
0xf6: {  	v20 =	vsel vm14, v18, v19;
	v18 =	vsel vm14, v19, v18;
	v19 =	vmax.f32 v3, v13  }
0xf7: {  	[tilespmem:$0x1FCA0] =	vst v5;
	v3 =	vmin.f32 v3, v13;
	v13 =	vsel vm15, v9, v17;
	v9 =	vsel vm15, v17, v9  }
0xf8: {  	v17 =	vmax.f32 v7, v8;
	[tilespmem:$0x1FE00] =	vst v4;
	v4 =	vimm.s32 $0x38;
	vm5 =	vge.f32 v19, v11  }
0xf9: {  	[tilespmem:$0x1FC70] =	vst v6;
	v10 =	vmax.f32 v19, v11;
	v11 =	vmin.f32 v19, v11;
	vm6 =	vge.f32 v17, v12  }
0xfa: {  	[tilespmem:$0x1FC40] =	vst v32;
	v15 =	vsel vm5, v13, v14;
	v13 =	vsel vm5, v14, v13;
	v14 =	vmax.f32 v17, v12  }
0xfb: {  	[tilespmem:$0x1FC10] =	vst v33;
	v21 =	vld [tilespmem:s13+$0x3900];
	v12 =	vmin.f32 v17, v12;
	vm7 =	vge.f32 v16, v10;
	v5 =	vmax.f32 v16, v10  }
0xfc: {  	v8 =	vld [tilespmem:s13+$0x3800];
	v17 =	vsel vm6, v63, v18;
	v7 =	vsel vm6, v18, v63;
	[tilespmem:$0x1FD50] =	vst v5;
	v6 =	vsel vm7, v20, v15  }
0xfd: {  	v19 =	vld [tilespmem:s13+$0x3880];
	v47 =	vmin.f32 v16, v10;
	v32 =	vsel vm7, v15, v20;
	vm8 =	vge.f32 v14, v11;
	[tilespmem:$0x1FD60] =	vst v6  }
0xfe: {  	v18 =	vld [tilespmem:s13+$0x3980];
	v63 =	vimm.s32 $0x3B;
	v34 =	vmax.f32 v14, v11;
	[tilespmem:$0x1FD70] =	vst v32;
	v33 =	vsel vm8, v17, v13  }
0xff: {  	v10 =	vld [tilespmem:s13+$0x3A00];
	v43 =	vmin.f32 v14, v11;
	vm9 =	vge.f32 v12, v3;
	v39 =	vsel vm8, v13, v17;
	[tilespmem:$0x1FD80] =	vst v33  }
0x100: {  	v15 =	vld [tilespmem:s13+$0x3A80];
	v5 =	vimm.s32 $0x3A;
	v40 =	vsel vm9, v7, v9;
	v41 =	vsel vm9, v9, v7;
	[tilespmem:$0x1FDA0] =	vst v39  }
0x101: {  	v11 =	vld [tilespmem:s13+$0x3B00];
	v6 =	vimm.s32 $0x3D;
	v32 =	vimm.s32 $0x3F;
	v33 =	vmax.f32 v12, v3;
	[tilespmem:$0x1FDC0] =	vst v40  }
0x102: {  	v13 =	vld [tilespmem:s13+$0x3B80];
	v39 =	vmin.f32 v12, v3;
	[tilespmem:$0x1FDE0] =	vst v41;
	v40 =	vimm.s32 $0x3C;
	v41 =	vimm.s32 $0x3E  }
0x103: {  	vm10 =	vge.f32 v8, v19;
	v42 =	vmax.f32 v8, v19;
	v45 =	vmin.f32 v8, v19  }
0x104: {  	vm11 =	vge.f32 v21, v18;
	v8 =	vmax.f32 v21, v18;
	v9 =	vmin.f32 v21, v18  }
0x105: {  	vm12 =	vge.f32 v10, v15;
	v12 =	vmax.f32 v10, v15;
	v10 =	vmin.f32 v10, v15  }
0x106: {  	vm14 =	vge.f32 v42, v8;
	v15 =	vsel vm11, $0x3A, v63;
	v16 =	vmax.f32 v42, v8  }
0x107: {  	v3 =	vmin.f32 v42, v8;
	vm15 =	vge.f32 v45, v9;
	vm13 =	vge.f32 v11, v13  }
0x108: {  	v14 =	vmax.f32 v11, v13;
	v11 =	vmin.f32 v11, v13;
	v13 =	vsel vm10, $0x38, v48  }
0x109: {  	v7 =	vmin.f32 v45, v9;
	v17 =	vsel vm11, $0x3B, v5;
	v8 =	vsel vm14, v13, v15  }
0x10a: {  	v13 =	vsel vm14, v15, v13;
	v15 =	vmax.f32 v45, v9;
	v9 =	vsel vm10, $0x39, v4  }
0x10b: {  	vm4 =	vge.f32 v12, v14;
	v19 =	vsel vm13, $0x3E, v32;
	v20 =	vmax.f32 v12, v14  }
0x10c: {  	v12 =	vmin.f32 v12, v14;
	vm5 =	vge.f32 v10, v11;
	v21 =	vsel vm13, $0x3F, v41  }
0x10d: {  	v22 =	vmax.f32 v10, v11;
	v10 =	vmin.f32 v10, v11;
	v18 =	vsel vm15, v9, v17  }
0x10e: {  	v9 =	vsel vm15, v17, v9;
	v17 =	vsel vm12, $0x3C, v6;
	vm6 =	vge.f32 v15, v3  }
0x10f: {  	vm7 =	vge.f32 v22, v12;
	vm8 =	vge.f32 v16, v20;
	v31 =	vmax.f32 v16, v20  }
0x110: {  	v16 =	vmin.f32 v16, v20;
	vm11 =	vge.f32 v7, v10;
	v29 =	vmin.f32 v7, v10  }
0x111: {  	v14 =	vsel vm4, v17, v19;
	v17 =	vsel vm4, v19, v17;
	v19 =	vsel vm12, $0x3D, v40  }
0x112: {  	v11 =	vsel vm5, v19, v21;
	v19 =	vsel vm5, v21, v19;
	v21 =	vmax.f32 v15, v3  }
0x113: {  	v3 =	vmin.f32 v15, v3;
	v15 =	vsel vm6, v18, v13;
	v13 =	vsel vm6, v13, v18  }
0x114: {  	v18 =	vmax.f32 v22, v12;
	v12 =	vmin.f32 v22, v12;
	v42 =	vsel vm8, v8, v14  }
0x115: {  	v8 =	vsel vm8, v14, v8;
	v22 =	vsel vm7, v11, v17;
	v11 =	vsel vm7, v17, v11  }
0x116: {  	vm9 =	vge.f32 v21, v18;
	v14 =	vmax.f32 v21, v18;
	v17 =	vmin.f32 v21, v18  }
0x117: {  	vm10 =	vge.f32 v3, v12;
	v20 =	vmax.f32 v3, v12;
	v3 =	vmin.f32 v3, v12  }
0x118: {  	v45 =	vsel vm11, v9, v19;
	v48 =	vsel vm11, v19, v9;
	v18 =	vsel vm9, v15, v22  }
0x119: {  	v15 =	vsel vm9, v22, v15;
	v12 =	vsel vm10, v13, v11;
	v21 =	vsel vm10, v11, v13  }
0x11a: {  	v11 =	vmax.f32 v7, v10;
	vm12 =	vge.f32 v20, v16;
	v9 =	vmax.f32 v20, v16  }
0x11b: {  	v41 =	vld [tilespmem:$0x1F880];
	v10 =	vmin.f32 v20, v16;
	v13 =	vsel vm12, v12, v8;
	v8 =	vsel vm12, v8, v12  }
0x11c: {  	v40 =	vld [tilespmem:$0x1F870];
	vm13 =	vge.f32 v11, v17;
	v12 =	vmax.f32 v11, v17;
	v16 =	vmin.f32 v11, v17  }
0x11d: {  	[tilespmem:$0x1FE10] =	vst v42;
	v42 =	vld [tilespmem:$0x1F890];
	vm14 =	vge.f32 v14, v9;
	v11 =	vsel vm13, v45, v15;
	v7 =	vsel vm13, v15, v45  }
0x11e: {  	[tilespmem:$0x1FD40] =	vst v48;
	v63 =	vsel vm14, v18, v13;
	v4 =	vsel vm14, v13, v18;
	vm4 =	vge.f32 v16, v3;
	v45 =	vld [tilespmem:$0x1F8A0]  }
0x11f: {  	vm15 =	vge.f32 v12, v10;
	[tilespmem:$0x1FDF0] =	vst v63;
	v63 =	vsel vm4, v7, v21;
	v48 =	vsel vm4, v21, v7;
	v7 =	vld [tilespmem:$0x1F860]  }
0x120: {  	[tilespmem:$0x1FDD0] =	vst v4;
	v5 =	vsel vm15, v11, v8;
	v4 =	vld [tilespmem:$0x1F8B0]  }
0x121: {  	v6 =	vsel vm15, v8, v11;
	[tilespmem:$0x1FDB0] =	vst v5;
	v5 =	vld [tilespmem:$0x1F8C0]  }
0x122: {  	[tilespmem:$0x1FD90] =	vst v6;
	v6 =	vld [tilespmem:$0x1F8D0]  }
0x123: {  	vm6 =	vge.f32 v45, v59;
	v8 =	vmax.f32 v45, v59;
	v45 =	vld [tilespmem:$0x1F910]  }
0x124: {  	v22 =	vmax.f32 v16, v3;
	v59 =	vld [tilespmem:$0x1F920]  }
0x125: {  	v18 =	vmin.f32 v16, v3;
	vm5 =	vge.f32 v7, v40;
	v3 =	vmax.f32 v7, v40;
	v40 =	vld [tilespmem:$0x1F8E0]  }
0x126: {  	v7 =	vsel vm5, v41, v42;
	v41 =	vld [tilespmem:$0x1F8F0]  }
0x127: {  	v24 =	vmax.f32 v12, v10;
	v42 =	vld [tilespmem:$0x1F900]  }
0x128: {  	v23 =	vmin.f32 v12, v10;
	vm7 =	vge.f32 v6, v61;
	v12 =	vmax.f32 v6, v61;
	v61 =	vld [tilespmem:$0x1F930]  }
0x129: {  	v30 =	vmax.f32 v14, v9;
	v32 =	vmin.f32 v14, v9;
	v9 =	vsel vm6, v4, v5;
	v4 =	vld [tilespmem:$0x1F940]  }
0x12a: {  	v5 =	vld [tilespmem:$0x1F950]  }
0x12b: {  	v6 =	vld [tilespmem:$0x1F960]  }
0x12c: {  	v14 =	vsel vm7, v40, v41;
	v40 =	vld [tilespmem:$0x1F970]  }
0x12d: {  	v41 =	vld [tilespmem:$0x1F980]  }
0x12e: {  	vm8 =	vge.f32 v42, v25;
	v15 =	vmax.f32 v42, v25;
	v42 =	vld [tilespmem:$0x1F990]  }
0x12f: {  	vm9 =	vge.f32 v61, v4;
	v17 =	vmax.f32 v61, v4;
	v61 =	vld [tilespmem:$0x1F9C0]  }
0x130: {  	v16 =	vsel vm8, v45, v59;
	v45 =	vld [tilespmem:$0x1F9A0]  }
0x131: {  	v59 =	vld [tilespmem:$0x1F9B0];
	_ =	sdelay $0x1  }
0x132: {  	v4 =	vld [tilespmem:$0x1F9D0]  }
0x133: {  	v19 =	vsel vm9, v5, v6;
	v5 =	vld [tilespmem:$0x1F9E0];
	vm10 =	vge.f32 v40, v41  }
0x134: {  	vm13 =	vge.f32 v3, v17;
	v20 =	vmax.f32 v40, v41;
	v21 =	vsel vm10, v42, v45  }
0x135: {  	v6 =	vld [tilespmem:$0x1F9F0];
	vm11 =	vge.f32 v59, v61;
	v25 =	vmax.f32 v59, v61;
	v59 =	vmax.f32 v3, v17  }
0x136: {  	v40 =	vld [tilespmem:$0x1FA00];
	v3 =	vmin.f32 v3, v17;
	v17 =	vsel vm13, v7, v19;
	v7 =	vsel vm13, v19, v7  }
0x137: {  	v41 =	vld [tilespmem:$0x1FA10];
	vm14 =	vge.f32 v8, v20;
	v19 =	vmax.f32 v8, v20;
	v8 =	vmin.f32 v8, v20  }
0x138: {  	v42 =	vld [tilespmem:$0x1FA20];
	v26 =	vsel vm11, v4, v5;
	v20 =	vsel vm14, v9, v21;
	v9 =	vsel vm14, v21, v9  }
0x139: {  	vm15 =	vge.f32 v12, v25;
	v21 =	vmax.f32 v12, v25;
	v12 =	vmin.f32 v12, v25  }
0x13a: {  	v25 =	vsel vm15, v14, v26;
	v14 =	vsel vm15, v26, v14;
	vm5 =	vge.f32 v59, v21  }
0x13b: {  	vm7 =	vge.f32 v3, v12;
	v61 =	vsel vm5, v17, v25;
	v17 =	vsel vm5, v25, v17  }
0x13c: {  	vm12 =	vge.f32 v6, v40;
	v27 =	vmax.f32 v6, v40;
	v40 =	vmax.f32 v59, v21  }
0x13d: {  	v21 =	vmin.f32 v59, v21;
	v45 =	vsel vm12, v41, v42;
	vm4 =	vge.f32 v15, v27  }
0x13e: {  	v26 =	vmax.f32 v15, v27;
	v15 =	vmin.f32 v15, v27;
	v27 =	vsel vm4, v16, v45  }
0x13f: {  	v16 =	vsel vm4, v45, v16;
	vm6 =	vge.f32 v19, v26;
	v25 =	vmax.f32 v19, v26  }
0x140: {  	v19 =	vmin.f32 v19, v26;
	vm8 =	vge.f32 v8, v15;
	v5 =	vmax.f32 v8, v15  }
0x141: {  	v8 =	vmin.f32 v8, v15;
	v26 =	vsel vm6, v20, v27;
	v20 =	vsel vm6, v27, v20  }
0x142: {  	v27 =	vmax.f32 v3, v12;
	v3 =	vmin.f32 v3, v12;
	v12 =	vsel vm7, v7, v14  }
0x143: {  	v7 =	vsel vm7, v14, v7;
	v59 =	vsel vm8, v9, v16;
	v9 =	vsel vm8, v16, v9  }
0x144: {  	vm9 =	vge.f32 v40, v25;
	v15 =	vmax.f32 v40, v25;
	v28 =	vmin.f32 v40, v25  }
0x145: {  	vm10 =	vge.f32 v21, v19;
	v40 =	vsel vm9, v61, v26;
	v61 =	vsel vm9, v26, v61  }
0x146: {  	v41 =	vsel vm10, v17, v20;
	v4 =	vsel vm10, v20, v17;
	vm12 =	vge.f32 v3, v8  }
0x147: {  	vm11 =	vge.f32 v27, v5;
	v45 =	vsel vm12, v7, v9;
	v6 =	vsel vm12, v9, v7;
	v7 =	vld [tilespmem:$0x1FA30]  }
0x148: {  	v17 =	vmax.f32 v27, v5;
	[tilespmem:$0x1FE20] =	vst v61;
	v61 =	vmin.f32 v27, v5;
	v5 =	vsel vm11, v59, v12  }
0x149: {  	[tilespmem:$0x1FE40] =	vst v5;
	v5 =	vld [tilespmem:$0x1FA60];
	_ =	sdelay $0x1  }
0x14a: {  	v20 =	vmax.f32 v3, v8;
	[tilespmem:$0x1FE30] =	vst v4;
	v42 =	vsel vm11, v12, v59;
	v4 =	vld [tilespmem:$0x1FA50]  }
0x14b: {  	v59 =	vmin.f32 v3, v8;
	vm13 =	vge.f32 v7, v53;
	v3 =	vmax.f32 v7, v53;
	v53 =	vld [tilespmem:$0x1FA40]  }
0x14c: {  	[tilespmem:$0x1FE50] =	vst v6;
	v6 =	vld [tilespmem:$0x1FA70]  }
0x14d: {  	vm14 =	vge.f32 v5, v51;
	v8 =	vmax.f32 v5, v51;
	v51 =	vld [tilespmem:$0x1FA80];
	_ =	sdelay $0x2  }
0x14e: {  	v7 =	vsel vm13, v53, v4;
	v53 =	vld [tilespmem:$0x1FA90]  }
0x14f: {  	v5 =	vld [tilespmem:$0x1FAB0]  }
0x150: {  	v9 =	vsel vm14, v6, v51;
	v6 =	vld [tilespmem:$0x1FAC0]  }
0x151: {  	v4 =	vld [tilespmem:$0x1FAA0]  }
0x152: {  	v51 =	vld [tilespmem:$0x1FAD0]  }
0x153: {  	vm15 =	vge.f32 v53, v52;
	v12 =	vmax.f32 v53, v52;
	v52 =	vld [tilespmem:$0x1FAE0]  }
0x154: {  	v53 =	vld [tilespmem:$0x1FAF0]  }
0x155: {  	vm4 =	vge.f32 v6, v62;
	v25 =	vmax.f32 v6, v62;
	v62 =	vld [tilespmem:$0x1FB00]  }
0x156: {  	v16 =	vmax.f32 v21, v19;
	v21 =	vmin.f32 v21, v19;
	v19 =	vsel vm15, v4, v5;
	v5 =	vld [tilespmem:$0x1FB20]  }
0x157: {  	v4 =	vld [tilespmem:$0x1FB10]  }
0x158: {  	v6 =	vld [tilespmem:$0x1FB30]  }
0x159: {  	vm5 =	vge.f32 v53, v60;
	v27 =	vmax.f32 v53, v60;
	v53 =	vld [tilespmem:$0x1FB40]  }
0x15a: {  	v60 =	vld [tilespmem:$0x1FB60]  }
0x15b: {  	v26 =	vsel vm4, v51, v52;
	vm6 =	vge.f32 v5, v57;
	v52 =	vmax.f32 v5, v57;
	v57 =	vld [tilespmem:$0x1FB50]  }
0x15c: {  	v51 =	vsel vm5, v62, v4;
	v4 =	vld [tilespmem:$0x1FB80]  }
0x15d: {  	v5 =	vld [tilespmem:$0x1FB90]  }
0x15e: {  	[tilespmem:$0x1FC30] =	vst v46;
	v46 =	vmin.f32 v1, v2;
	v62 =	vld [tilespmem:$0x1FB70];
	vm9 =	vge.f32 v3, v27  }
0x15f: {  	v0 =	vmax.f32 v3, v27;
	v3 =	vmin.f32 v3, v27;
	v27 =	vsel vm9, v7, v51  }
0x160: {  	v7 =	vsel vm9, v51, v7;
	vm10 =	vge.f32 v8, v52;
	v51 =	vmax.f32 v8, v52  }
0x161: {  	v8 =	vmin.f32 v8, v52;
	v53 =	vsel vm6, v6, v53;
	vm7 =	vge.f32 v57, v54  }
0x162: {  	v54 =	vmax.f32 v57, v54;
	vm8 =	vge.f32 v4, v5;
	v52 =	vsel vm10, v9, v53  }
0x163: {  	v6 =	vld [tilespmem:$0x1FBA0];
	v57 =	vsel vm7, v60, v62;
	v60 =	vmax.f32 v4, v5;
	v5 =	vsel vm10, v53, v9  }
0x164: {  	v62 =	vld [tilespmem:$0x1FBB0];
	vm11 =	vge.f32 v12, v54;
	v2 =	vmax.f32 v12, v54;
	v12 =	vmin.f32 v12, v54  }
0x165: {  	v54 =	vsel vm11, v19, v57;
	v19 =	vsel vm11, v57, v19;
	vm12 =	vge.f32 v25, v60  }
0x166: {  	v4 =	vmax.f32 v25, v60;
	v25 =	vmin.f32 v25, v60;
	vm13 =	vge.f32 v0, v2  }
0x167: {  	vm15 =	vge.f32 v3, v12;
	v1 =	vmax.f32 v3, v12;
	v3 =	vmin.f32 v3, v12  }
0x168: {  	v9 =	vsel vm13, v27, v54;
	v27 =	vsel vm13, v54, v27;
	vm14 =	vge.f32 v51, v4  }
0x169: {  	v53 =	vmax.f32 v51, v4;
	v12 =	vsel vm15, v7, v19;
	v62 =	vsel vm8, v6, v62  }
0x16a: {  	vm4 =	vge.f32 v8, v25;
	v6 =	vsel vm12, v26, v62;
	v26 =	vsel vm12, v62, v26  }
0x16b: {  	v62 =	vmax.f32 v0, v2;
	v2 =	vmin.f32 v0, v2;
	v0 =	vmin.f32 v51, v4  }
0x16c: {  	v57 =	vsel vm14, v52, v6;
	v4 =	vsel vm14, v6, v52;
	v6 =	vsel vm15, v19, v7  }
0x16d: {  	v7 =	vmax.f32 v8, v25;
	v19 =	vmin.f32 v8, v25;
	vm5 =	vge.f32 v62, v53  }
0x16e: {  	v25 =	vsel vm4, v5, v26;
	v5 =	vsel vm4, v26, v5;
	v52 =	vsel vm5, v9, v57  }
0x16f: {  	v54 =	vsel vm5, v57, v9;
	vm8 =	vge.f32 v3, v19;
	v10 =	vmax.f32 v3, v19  }
0x170: {  	v9 =	vmin.f32 v3, v19;
	v19 =	vsel vm8, v6, v5;
	v14 =	vsel vm8, v5, v6;
	v5 =	vld [tilespmem:$0x1FBC0];
	_ =	sdelay $0x2  }
0x171: {  	vm7 =	vge.f32 v1, v7;
	v13 =	vmax.f32 v1, v7;
	v11 =	vmin.f32 v1, v7;
	v7 =	vld [tilespmem:$0x1FBE0]  }
0x172: {  	v6 =	vld [tilespmem:$0x1FBD0]  }
0x173: {  	vm9 =	vge.f32 v5, v46;
	v1 =	vmax.f32 v5, v46;
	v46 =	vld [tilespmem:$0x1FBF0];
	_ =	sdelay $0x2  }
0x174: {  	v51 =	vmax.f32 v62, v53;
	v53 =	vmin.f32 v62, v53  }
0x175: {  	vm6 =	vge.f32 v2, v0;
	v62 =	vmin.f32 v2, v0;
	v6 =	vsel vm9, v6, v7;
	v7 =	vld [tilespmem:$0x1FC10]  }
0x176: {  	v57 =	vmax.f32 v2, v0;
	vm10 =	vge.f32 v46, v55;
	v2 =	vmax.f32 v46, v55;
	v55 =	vld [tilespmem:$0x1FC00]  }
0x177: {  	v46 =	vld [tilespmem:$0x1FC20];
	_ =	sdelay $0x3  }
0x178: {  	v7 =	vsel vm10, v55, v7;
	v55 =	vld [tilespmem:$0x1FC30]  }
0x179: {  	vm11 =	vge.f32 v46, v35;
	v5 =	vmax.f32 v46, v35;
	v35 =	vld [tilespmem:$0x1FC40]  }
0x17a: {  	v46 =	vld [tilespmem:$0x1FC50];
	_ =	sdelay $0x3  }
0x17b: {  	v8 =	vsel vm11, v55, v35;
	v55 =	vld [tilespmem:$0x1FC60]  }
0x17c: {  	vm12 =	vge.f32 v46, v36;
	v35 =	vmax.f32 v46, v36;
	v36 =	vld [tilespmem:$0x1FC70]  }
0x17d: {  	v46 =	vld [tilespmem:$0x1FC80];
	_ =	sdelay $0x3  }
0x17e: {  	v36 =	vsel vm12, v55, v36;
	v55 =	vld [tilespmem:$0x1FC90]  }
0x17f: {  	vm13 =	vge.f32 v46, v37;
	v37 =	vmax.f32 v46, v37;
	v46 =	vld [tilespmem:$0x1FCA0];
	_ =	sdelay $0x3  }
0x180: {  	vm14 =	vge.f32 v58, v38;
	v38 =	vmax.f32 v58, v38;
	v58 =	vld [tilespmem:$0x1FCC0]  }
0x181: {  	v46 =	vsel vm13, v55, v46;
	v55 =	vld [tilespmem:$0x1FCB0];
	_ =	sdelay $0x1  }
0x182: {  	v60 =	vsel vm6, v27, v4;
	v27 =	vsel vm6, v4, v27;
	v4 =	vld [tilespmem:$0x1FCD0];
	_ =	sdelay $0x1  }
0x183: {  	v0 =	vld [tilespmem:$0x1FCE0]  }
0x184: {  	v55 =	vsel vm14, v55, v58;
	v58 =	vld [tilespmem:$0x1FCF0];
	_ =	sdelay $0x1  }
0x185: {  	vm15 =	vge.f32 v4, v44;
	v44 =	vmax.f32 v4, v44;
	v4 =	vld [tilespmem:$0x1FD00];
	_ =	sdelay $0x1  }
0x186: {  	v3 =	vld [tilespmem:$0x1FD20]  }
0x187: {  	v58 =	vsel vm15, v0, v58;
	v0 =	vld [tilespmem:$0x1FD10];
	_ =	sdelay $0x1  }
0x188: {  	v26 =	vsel vm7, v12, v25;
	v25 =	vsel vm7, v25, v12;
	vm4 =	vge.f32 v4, v56  }
0x189: {  	v56 =	vmax.f32 v4, v56;
	vm6 =	vge.f32 v2, v38;
	vm5 =	vge.f32 v1, v37  }
0x18a: {  	vm7 =	vge.f32 v5, v44;
	vm8 =	vge.f32 v35, v56;
	v12 =	vsel vm5, v46, v6  }
0x18b: {  	v4 =	vsel vm4, v0, v3;
	v0 =	vmax.f32 v1, v37;
	v3 =	vmin.f32 v1, v37  }
0x18c: {  	v37 =	vsel vm5, v6, v46;
	v46 =	vmax.f32 v2, v38;
	v2 =	vmin.f32 v2, v38  }
0x18d: {  	v38 =	vsel vm6, v7, v55;
	v6 =	vsel vm6, v55, v7;
	v1 =	vmax.f32 v5, v44  }
0x18e: {  	v5 =	vmin.f32 v5, v44;
	v44 =	vsel vm7, v8, v58;
	v7 =	vsel vm7, v58, v8  }
0x18f: {  	v58 =	vmax.f32 v35, v56;
	v35 =	vmin.f32 v35, v56;
	v56 =	vsel vm8, v36, v4  }
0x190: {  	v4 =	vsel vm8, v4, v36;
	vm9 =	vge.f32 v0, v1;
	v36 =	vmax.f32 v0, v1  }
0x191: {  	v1 =	vmin.f32 v0, v1;
	vm10 =	vge.f32 v46, v58;
	vm11 =	vge.f32 v3, v5  }
0x192: {  	v0 =	vmax.f32 v3, v5;
	v3 =	vmin.f32 v3, v5;
	vm12 =	vge.f32 v2, v35  }
0x193: {  	v5 =	vmax.f32 v2, v35;
	v55 =	vsel vm9, v37, v44;
	v37 =	vsel vm9, v44, v37  }
0x194: {  	v44 =	vmax.f32 v46, v58;
	v46 =	vmin.f32 v46, v58;
	v58 =	vsel vm10, v38, v56  }
0x195: {  	v56 =	vsel vm10, v56, v38;
	v8 =	vsel vm11, v12, v7;
	v7 =	vsel vm11, v7, v12  }
0x196: {  	v12 =	vmin.f32 v2, v35;
	v35 =	vsel vm12, v6, v4;
	v6 =	vsel vm12, v4, v6  }
0x197: {  	vm15 =	vge.f32 v0, v5;
	vm9 =	vge.f32 v43, v24;
	v24 =	vmax.f32 v43, v24  }
0x198: {  	vm13 =	vge.f32 v36, v44;
	v38 =	vmax.f32 v36, v44;
	v36 =	vmin.f32 v36, v44  }
0x199: {  	v43 =	vld [tilespmem:$0x1FDD0];
	vm14 =	vge.f32 v1, v46;
	v4 =	vsel vm13, v55, v58;
	v44 =	vsel vm13, v58, v55  }
0x19a: {  	v55 =	vsel vm14, v37, v56;
	v58 =	vsel vm15, v8, v35;
	v35 =	vsel vm15, v35, v8;
	v8 =	vld [tilespmem:$0x1FD60];
	[tilespmem:$0x1FE60] =	vst v4  }
0x19b: {  	vm7 =	vge.f32 v47, v22;
	vm8 =	vge.f32 v34, v23;
	v56 =	vsel vm14, v56, v37;
	[tilespmem:$0x1FEA0] =	vst v55;
	v55 =	vld [tilespmem:$0x1FD30]  }
0x19c: {  	v2 =	vmax.f32 v0, v5;
	v5 =	vmin.f32 v0, v5;
	vm4 =	vge.f32 v3, v12;
	[tilespmem:$0x1FEC0] =	vst v56;
	v56 =	vld [tilespmem:$0x1FD40]  }
0x19d: {  	v0 =	vmax.f32 v3, v12;
	v4 =	vmax.f32 v1, v46;
	v46 =	vmin.f32 v1, v46;
	[tilespmem:$0x1FEE0] =	vst v58;
	v58 =	vld [tilespmem:$0x1FD50]  }
0x19e: {  	v1 =	vmin.f32 v3, v12;
	v12 =	vmax.f32 v47, v22;
	v22 =	vmax.f32 v34, v23;
	v23 =	vld [tilespmem:$0x1FD80]  }
0x19f: {  	vm5 =	vge.f32 v49, v29;
	v37 =	vsel vm4, v7, v6;
	v3 =	vmax.f32 v49, v29;
	v29 =	vld [tilespmem:$0x1FD90]  }
0x1a0: {  	vm10 =	vge.f32 v33, v32;
	v32 =	vmax.f32 v33, v32;
	[tilespmem:$0x1FF40] =	vst v37;
	v37 =	vld [tilespmem:$0x1FDC0]  }
0x1a1: {  	vm11 =	vge.f32 v39, v30;
	v30 =	vmax.f32 v39, v30;
	vm12 =	vge.f32 v50, v31;
	v47 =	vld [tilespmem:$0x1FDF0]  }
0x1a2: {  	[tilespmem:$0x1FE80] =	vst v44;
	v44 =	vsel vm4, v6, v7;
	vm6 =	vge.f32 v58, v18;
	v7 =	vmax.f32 v58, v18;
	v18 =	vld [tilespmem:$0x1FD70]  }
0x1a3: {  	v31 =	vmax.f32 v50, v31;
	[tilespmem:$0x1FF70] =	vst v44;
	v44 =	vld [tilespmem:$0x1FDE0];
	vm13 =	vge.f32 v3, v24;
	v50 =	vmax.f32 v3, v24  }
0x1a4: {  	v49 =	vld [tilespmem:$0x1FE10];
	v3 =	vmin.f32 v3, v24;
	vm15 =	vge.f32 v12, v30;
	vm4 =	vge.f32 v22, v31  }
0x1a5: {  	v6 =	vsel vm5, v55, v56;
	v23 =	vsel vm8, v23, v29;
	v8 =	vsel vm6, v8, v48;
	v48 =	vld [tilespmem:$0x1FE00]  }
0x1a6: {  	v29 =	vld [tilespmem:$0x1FDA0];
	v33 =	vsel vm10, v37, v43;
	v56 =	vmax.f32 v12, v30;
	v12 =	vmin.f32 v12, v30  }
0x1a7: {  	v58 =	vmax.f32 v22, v31;
	v22 =	vmin.f32 v22, v31;
	v18 =	vsel vm7, v18, v63;
	v63 =	vld [tilespmem:$0x1FDB0]  }
0x1a8: {  	v34 =	vsel vm11, v44, v47;
	vm14 =	vge.f32 v7, v32;
	vm5 =	vge.f32 v50, v56  }
0x1a9: {  	v55 =	vsel vm14, v8, v33;
	v8 =	vsel vm14, v33, v8;
	v33 =	vmin.f32 v50, v56  }
0x1aa: {  	[tilespmem:$0x1FF10] =	vst v35;
	vm14 =	vge.f32 v28, v10;
	vm7 =	vge.f32 v3, v12;
	v35 =	vsel vm12, v48, v49  }
0x1ab: {  	v30 =	vsel vm15, v18, v34;
	v18 =	vsel vm15, v34, v18;
	vm15 =	vge.f32 v16, v11  }
0x1ac: {  	v31 =	vsel vm4, v23, v35;
	v23 =	vsel vm4, v35, v23;
	v29 =	vsel vm9, v29, v63  }
0x1ad: {  	v35 =	vmax.f32 v50, v56;
	vm4 =	vge.f32 v21, v13;
	v24 =	vsel vm13, v6, v29  }
0x1ae: {  	v6 =	vsel vm13, v29, v6;
	v29 =	vmax.f32 v7, v32;
	v7 =	vmin.f32 v7, v32  }
0x1af: {  	vm13 =	vge.f32 v15, v9;
	v63 =	vsel vm5, v24, v30;
	v24 =	vsel vm5, v30, v24  }
0x1b0: {  	vm6 =	vge.f32 v29, v58;
	v30 =	vmax.f32 v29, v58;
	v29 =	vmin.f32 v29, v58  }
0x1b1: {  	vm8 =	vge.f32 v7, v22;
	v56 =	vmax.f32 v7, v22;
	v7 =	vmin.f32 v7, v22  }
0x1b2: {  	vm5 =	vge.f32 v17, v62;
	v37 =	vsel vm6, v55, v31;
	v31 =	vsel vm6, v31, v55  }
0x1b3: {  	v55 =	vmax.f32 v3, v12;
	v3 =	vmin.f32 v3, v12;
	v12 =	vsel vm7, v6, v18  }
0x1b4: {  	v6 =	vsel vm7, v18, v6;
	v58 =	vsel vm8, v8, v23;
	v8 =	vsel vm8, v23, v8  }
0x1b5: {  	vm9 =	vge.f32 v35, v30;
	v48 =	vmax.f32 v35, v30;
	v30 =	vmin.f32 v35, v30  }
0x1b6: {  	vm10 =	vge.f32 v33, v29;
	v35 =	vmax.f32 v33, v29;
	v29 =	vmin.f32 v33, v29  }
0x1b7: {  	vm6 =	vge.f32 v61, v57;
	vm7 =	vge.f32 v20, v53;
	vm8 =	vge.f32 v59, v51  }
0x1b8: {  	v18 =	vsel vm9, v63, v37;
	vm11 =	vge.f32 v55, v56;
	v32 =	vmin.f32 v55, v56  }
0x1b9: {  	vm12 =	vge.f32 v3, v7;
	v43 =	vmax.f32 v3, v7;
	vm0 =	vge.f32 v2, v29  }
0x1ba: {  	v29 =	vmax.f32 v2, v29;
	[tilespmem:$0x1FF80] =	vst v18;
	v18 =	vsel vm9, v37, v63;
	v63 =	vmin.f32 v3, v7  }
0x1bb: {  	v49 =	vsel vm12, v6, v8;
	v50 =	vsel vm12, v8, v6;
	[tilespmem:$0x1FF50] =	vst v18;
	v18 =	vsel vm10, v24, v31  }
0x1bc: {  	[tilespmem:$0x1FF20] =	vst v18;
	v18 =	vsel vm10, v31, v24;
	v31 =	vmax.f32 v55, v56;
	v55 =	vmax.f32 v15, v9  }
0x1bd: {  	v56 =	vsel vm13, v40, v14;
	v9 =	vmax.f32 v16, v11;
	v11 =	vmax.f32 v21, v13  }
0x1be: {  	v13 =	vmax.f32 v17, v62;
	v14 =	vsel vm5, v42, v27;
	v15 =	vmax.f32 v61, v57  }
0x1bf: {  	v17 =	vmax.f32 v20, v53;
	v20 =	vmax.f32 v59, v51;
	vm5 =	vge.f32 v4, v32  }
0x1c0: {  	v8 =	vld [tilespmem:$0x1FE20];
	v32 =	vmax.f32 v4, v32;
	v4 =	vimm.s32 $0x0;
	v40 =	vmax.f32 v1, v48  }
0x1c1: {  	v16 =	vld [tilespmem:$0x1FE40];
	[tilespmem:$0x1FEF0] =	vst v18;
	v18 =	vsel vm11, v12, v58;
	v12 =	vsel vm11, v58, v12;
	v58 =	vmax.f32 v28, v10  }
0x1c2: {  	v10 =	vsel vm15, v41, v25;
	vm9 =	vge.f32 v55, v13;
	v25 =	vmax.f32 v55, v13;
	[tilespmem:$0x1FEB0] =	vst v12;
	v12 =	vld [tilespmem:$0x1FE30]  }
0x1c3: {  	v3 =	vmin.f32 v55, v13;
	vm11 =	vge.f32 v9, v17;
	vm12 =	vge.f32 v11, v20;
	[tilespmem:$0x1FED0] =	vst v18;
	v18 =	vld [tilespmem:$0x1FE50]  }
0x1c4: {  	v13 =	vsel vm9, v56, v14;
	vm10 =	vge.f32 v58, v15;
	v7 =	vmin.f32 v58, v15  }
0x1c5: {  	v8 =	vsel vm14, v8, v19;
	v19 =	vsel vm7, v45, v54;
	vm7 =	vge.f32 v38, v63  }
0x1c6: {  	v28 =	vsel vm11, v10, v19;
	v10 =	vsel vm11, v19, v10;
	v16 =	vsel vm6, v16, v60  }
0x1c7: {  	vm6 =	vge.f32 v36, v43;
	v27 =	vsel vm10, v16, v8;
	v12 =	vsel vm4, v12, v26  }
0x1c8: {  	v21 =	vsel vm8, v18, v52;
	v18 =	vsel vm9, v14, v56;
	v14 =	vmax.f32 v58, v15  }
0x1c9: {  	v26 =	vsel vm10, v8, v16;
	v8 =	vmax.f32 v9, v17;
	v9 =	vmin.f32 v9, v17  }
0x1ca: {  	v15 =	vmax.f32 v11, v20;
	v11 =	vmin.f32 v11, v20;
	vm4 =	vge.f32 v46, v31  }
0x1cb: {  	v19 =	vsel vm12, v12, v21;
	v20 =	vsel vm12, v21, v12;
	vm12 =	vge.f32 v25, v8  }
0x1cc: {  	v12 =	vmax.f32 v25, v8;
	v8 =	vmin.f32 v25, v8;
	vm14 =	vge.f32 v14, v15  }
0x1cd: {  	v17 =	vmax.f32 v14, v15;
	v25 =	vmin.f32 v14, v15;
	vm13 =	vge.f32 v3, v9  }
0x1ce: {  	v61 =	vmax.f32 v3, v9;
	v3 =	vmin.f32 v3, v9;
	vm15 =	vge.f32 v7, v11  }
0x1cf: {  	v62 =	vmax.f32 v7, v11;
	v11 =	vmin.f32 v7, v11;
	v7 =	vimm.s32 $0x0  }
0x1d0: {  	v21 =	vsel vm12, v13, v28;
	vm11 =	vge.f32 v12, v17;
	v24 =	vmax.f32 v12, v17  }
0x1d1: {  	v33 =	vmin.f32 v12, v17;
	vm10 =	vge.f32 v8, v25;
	v34 =	vmax.f32 v8, v25  }
0x1d2: {  	v37 =	vmin.f32 v8, v25;
	vm9 =	vge.f32 v61, v62;
	v39 =	vmax.f32 v61, v62  }
0x1d3: {  	v44 =	vmin.f32 v61, v62;
	vm8 =	vge.f32 v3, v11;
	v6 =	vmax.f32 v3, v11  }
0x1d4: {  	v8 =	vmin.f32 v3, v11;
	v11 =	vmax.f32 v38, v63;
	v25 =	vmax.f32 v36, v43  }
0x1d5: {  	v36 =	vmax.f32 v46, v31;
	v63 =	vimm.s32 $0x0;
	v38 =	vmax.f32 v0, v30  }
0x1d6: {  	v3 =	vsel vm0, $0xFFFFFFFF, v63;
	vm0 =	vge.f32 v5, v35;
	v35 =	vmax.f32 v5, v35  }
0x1d7: {  	v5 =	vimm.s32 $0x0;
	v41 =	vmax.f32 v11, v29;
	v42 =	vmin.f32 v11, v29  }
0x1d8: {  	[tilespmem:$0x1FE90] =	vst v49;
	v46 =	vmax.f32 v32, v38;
	v47 =	vmin.f32 v32, v38;
	v49 =	vmin.f32 v36, v40  }
0x1d9: {  	vm3 =	vge.f32 v36, v40;
	v2 =	vsel vm0, $0xFFFFFFFF, v4;
	vm0 =	vge.f32 v0, v30  }
0x1da: {  	[tilespmem:$0x1FE70] =	vst v50;
	v43 =	vmax.f32 v25, v35;
	v45 =	vmin.f32 v25, v35;
	v50 =	vmax.f32 v41, v46  }
0x1db: {  	v51 =	vmin.f32 v41, v46;
	v54 =	vmax.f32 v42, v47;
	v55 =	vmin.f32 v42, v47  }
0x1dc: {  	vm2 =	vge.f32 v25, v35;
	v35 =	vsel vm13, v18, v10;
	v10 =	vsel vm13, v10, v18  }
0x1dd: {  	vm13 =	vge.f32 v32, v38;
	v38 =	vimm.s32 $0x0;
	[tilespmem:$0x1FF30] =	vst v2;
	v2 =	vsel vm0, $0xFFFFFFFF, v5  }
0x1de: {  	vm0 =	vge.f32 v1, v48;
	v48 =	vmax.f32 v36, v40;
	v56 =	vmax.f32 v45, v49  }
0x1df: {  	v57 =	vmin.f32 v45, v49;
	v1 =	vsel vm13, $0xFFFFFFFF, v38;
	v38 =	vsel vm15, v27, v20  }
0x1e0: {  	v0 =	vsel vm0, $0xFFFFFFFF, v7;
	v52 =	vmax.f32 v43, v48;
	v53 =	vmin.f32 v43, v48  }
0x1e1: {  	v62 =	vmax.f32 v54, v56;
	v63 =	vmin.f32 v54, v56;
	v15 =	vmax.f32 v55, v57  }
0x1e2: {  	[tilespmem:$0x1FF60] =	vst v2;
	v14 =	vmin.f32 v55, v57;
	v2 =	vsel vm12, v28, v13;
	vm12 =	vge.f32 v11, v29  }
0x1e3: {  	v11 =	vsel vm14, v26, v19;
	v19 =	vsel vm14, v19, v26;
	v58 =	vmax.f32 v50, v52  }
0x1e4: {  	v59 =	vmin.f32 v50, v52;
	v60 =	vmax.f32 v51, v53;
	v61 =	vmin.f32 v51, v53  }
0x1e5: {  	v5 =	vmax.f32 v24, v14;
	v9 =	vmax.f32 v33, v15;
	v31 =	vmax.f32 v34, v63  }
0x1e6: {  	[tilespmem:$0x1FF00] =	vst v3;
	v30 =	vmax.f32 v37, v62;
	v3 =	vmax.f32 v39, v61;
	v4 =	vmax.f32 v44, v60  }
0x1e7: {  	[tilespmem:$0x1FFB0] =	vst v6;
	v6 =	vmax.f32 v6, v59;
	v7 =	vmax.f32 v8, v58;
	v22 =	vmax.f32 v5, v3  }
0x1e8: {  	v23 =	vmax.f32 v9, v4;
	v17 =	vmax.f32 v31, v6;
	v16 =	vmax.f32 v30, v7  }
0x1e9: {  	vm0 =	vge.f32 v41, v46;
	v13 =	vmax.f32 v22, v17;
	v28 =	vmax.f32 v23, v16  }
0x1ea: {  	vm1 =	vge.f32 v43, v48;
	v29 =	vmax.f32 v13, v28;
	v26 =	vmin.f32 v13, v28  }
0x1eb: {  	[tilespmem:$0x1FF90] =	vst v0;
	v32 =	vmin.f32 v5, v3;
	v0 =	vsub.f32 v29, v29;
	v25 =	vsub.f32 v26, v29  }
0x1ec: {  	[tilespmem:$0x1FFC0] =	vst v8;
	v8 =	vmin.f32 v31, v6;
	v26 =	vsel vm15, v20, v27;
	v20 =	vmin.f32 v22, v17  }
0x1ed: {  	v0 =	vmul.f32 $1.442695020e+00, v0;
	v18 =	vmul.f32 $1.442695020e+00, v25;
	v25 =	vmin.f32 v23, v16  }
0x1ee: {  	v36 =	vmax.f32 v32, v8;
	v27 =	vmin.f32 v9, v4;
	v40 =	vmax.f32 v20, v25  }
0x1ef: {  	v12 =	vmin.f32 v20, v25;
	(erf) = vpow2.f32 v0;
	v40 =	vsub.f32 v40, v29  }
0x1f0: {  	[tilespmem:$0x1FFA0] =	vst v1;
	v1 =	vsub.f32 v12, v29;
	(erf) = vpow2.f32 v18;
	v18 =	vmin.f32 v30, v7  }
0x1f1: {  	v0 =	vsel vm11, v21, v11;
	v11 =	vsel vm11, v11, v21;
	v12 =	vmax.f32 v27, v18  }
0x1f2: {  	v21 =	vmin.f32 v32, v8;
	[tilespmem:$0x1FFD0] =	vst v0;
	v40 =	vmul.f32 $1.442695020e+00, v40;
	v0 =	vmax.f32 v36, v12  }
0x1f3: {  	[tilespmem:$0x1FFF0] =	vst v11;
	v1 =	vmul.f32 $1.442695020e+00, v1;
	v11 =	vmin.f32 v36, v12;
	v0 =	vsub.f32 v0, v29  }
0x1f4: {  	(erf) = vpow2.f32 v40;
	v46 =	vsub.f32 v11, v29;
	v11 =	vmin.f32 v27, v18  }
0x1f5: {  	v40 =	vsel vm10, v2, v19;
	v2 =	vsel vm10, v19, v2;
	v19 =	vmax.f32 v21, v11  }
0x1f6: {  	v0 =	vmul.f32 $1.442695020e+00, v0;
	v43 =	vmul.f32 $1.442695020e+00, v46;
	v46 =	vsub.f32 v19, v29  }
0x1f7: {  	v19 =	vsel vm9, v35, v38;
	v35 =	vsel vm9, v38, v35;
	vm9 =	vge.f32 v42, v47;
	v47 =	vld [tilespmem:$0x1FE70]  }
0x1f8: {  	(erf) = vpow2.f32 v1;
	v1 =	vmul.f32 $1.442695020e+00, v46;
	v46 =	vld [tilespmem:$0x1FE60]  }
0x1f9: {  	v41 =	vmin.f32 v21, v11;
	(erf) = vpow2.f32 v0  }
0x1fa: {  	(erf) = vpow2.f32 v43;
	v43 =	vsub.f32 v41, v29;
	_ =	sdelay $0x1  }
0x1fb: {  	v0 =	vmul.f32 $1.442695020e+00, v43;
	v43 =	vld [tilespmem:$0x1FE80]  }
0x1fc: {  	v41 =	vsel vm7, v46, v47;
	vm7 =	vge.f32 v50, v52;
	v52 =	vld [tilespmem:$0x1FE90];
	_ =	sdelay $0x4  }
0x1fd: {  	v43 =	vsel vm6, v43, v52;
	vm6 =	vge.f32 v51, v53;
	v51 =	vld [tilespmem:$0x1FEA0]  }
0x1fe: {  	v52 =	vld [tilespmem:$0x1FEB0]  }
0x1ff: {  	v29 =	vpop (erf)  }
0x200: {  	v38 =	vsel vm8, v10, v26;
	v10 =	vsel vm8, v26, v10;
	v26 =	vpop (erf)  }
0x201: {  	(erf) = vpow2.f32 v1;
	v1 =	vadd.f32 v26, v29  }
0x202: {  	v42 =	vpop (erf);
	(erf) = vpow2.f32 v0;
	v53 =	vld [tilespmem:$0x1FEC0]  }
0x203: {  	v0 =	vadd.f32 v1, v42;
	v1 =	vsel vm5, v51, v52;
	vm5 =	vge.f32 v54, v56;
	v54 =	vld [tilespmem:$0x1FED0];
	_ =	sdelay $0x4  }
0x204: {  	v46 =	vsel vm4, v53, v54;
	vm4 =	vge.f32 v55, v57;
	v57 =	vld [tilespmem:$0x1FF00];
	_ =	sdelay $0x3  }
0x205: {  	vm15 =	vge.f32 v24, v14;
	v24 =	vld [tilespmem:$0x1FF20]  }
0x206: {  	v14 =	vimm.s32 $0x0;
	vm14 =	vnez.u8 v57;
	v57 =	vld [tilespmem:$0x1FF30]  }
0x207: {  	v14 =	vsel vm15, $0xFFFFFFFF, v14;
	vm15 =	vge.f32 v33, v15;
	v15 =	vld [tilespmem:$0x1FF40]  }
0x208: {  	[tilespmem:$0x1FFE0] =	vst v14;
	v14 =	vld [tilespmem:$0x1FF10]  }
0x209: {  	v47 =	vld [tilespmem:$0x1FEE0]  }
0x20a: {  	v51 =	vld [tilespmem:$0x1FEF0]  }
0x20b: {  	vm13 =	vnez.u8 v57;
	v57 =	vld [tilespmem:$0x1FF60]  }
0x20c: {  	vm11 =	vge.f32 v44, v60;
	v60 =	vld [tilespmem:$0x1FFA0]  }
0x20d: {  	v54 =	vld [tilespmem:$0x1FF50];
	_ =	sdelay $0x1  }
0x20e: {  	v48 =	vimm.s32 $0x27  }
0x20f: {  	vm8 =	vge.f32 v45, v49;
	v45 =	vpop (erf);
	v47 =	vsel vm14, v47, v51;
	vm14 =	vnez.u8 v57;
	v57 =	vld [tilespmem:$0x1FF90]  }
0x210: {  	v33 =	vld [tilespmem:$0x1FF70];
	vm10 =	vnez.u8 v60;
	v49 =	vimm.s32 $0x26;
	v0 =	vadd.f32 v0, v45  }
0x211: {  	v50 =	vimm.s32 $0x29;
	v14 =	vsel vm13, v14, v24;
	v24 =	vpop (erf);
	v15 =	vsel vm14, v15, v54;
	v54 =	vld [tilespmem:$0x1FF80]  }
0x212: {  	v56 =	vimm.s32 $0x2B;
	v55 =	vimm.s32 $0x28;
	v0 =	vadd.f32 v0, v24  }
0x213: {  	vm14 =	vge.f32 v34, v63;
	v34 =	vpop (erf);
	v44 =	vsel vm10, v1, v15;
	v1 =	vsel vm10, v15, v1;
	v15 =	vld [tilespmem:$0x1FFB0]  }
0x214: {  	v63 =	vimm.s32 $0x2A;
	v0 =	vadd.f32 v0, v34;
	vm13 =	vnez.u8 v57  }
0x215: {  	v57 =	vsel vm2, v43, v14;
	v14 =	vsel vm2, v14, v43;
	vm2 =	vge.f32 v31, v6  }
0x216: {  	v31 =	vimm.s32 $0x14;
	v33 =	vsel vm13, v33, v54;
	vm13 =	vge.f32 v37, v62  }
0x217: {  	v43 =	vpop (erf);
	v54 =	vsel vm12, v41, v47;
	v41 =	vsel vm12, v47, v41;
	vm12 =	vge.f32 v39, v61  }
0x218: {  	v0 =	vadd.f32 v0, v43;
	v39 =	vimm.s32 $0x1C;
	vm10 =	vge.f32 v15, v59  }
0x219: {  	v15 =	vsel vm3, v46, v33;
	v33 =	vsel vm3, v33, v46;
	v62 =	vsel vm0, v54, v44  }
0x21a: {  	v37 =	vsel vm0, v44, v54;
	v44 =	vimm.s32 $0x23;
	vm0 =	vge.f32 v5, v3  }
0x21b: {  	v47 =	vpop (erf);
	v53 =	vsel vm9, v41, v1;
	v1 =	vsel vm9, v1, v41;
	v41 =	vimm.s32 $0x1E  }
0x21c: {  	v46 =	vimm.s32 $0x25;
	v0 =	vadd.f32 v0, v47;
	v51 =	vsel vm1, v57, v15  }
0x21d: {  	v52 =	vsel vm1, v15, v57;
	vm1 =	vge.f32 v9, v4;
	v54 =	vsel vm8, v14, v33  }
0x21e: {  	v57 =	vsel vm8, v33, v14;
	v33 =	vimm.s32 $0x16;
	vm8 =	vge.f32 v30, v7  }
0x21f: {  	v30 =	vimm.s32 $0x15;
	v3 =	vsel vm7, v51, v62;
	v9 =	vsel vm6, v37, v52  }
0x220: {  	v61 =	vld [tilespmem:$0x1FFC0];
	v5 =	vsel vm6, v52, v37;
	v37 =	vimm.s32 $0x1A;
	v14 =	vsel vm5, v53, v54  }
0x221: {  	v59 =	vsel vm4, v1, v57;
	v1 =	vsel vm4, v57, v1;
	(erf) = vrcp.f32 v0  }
0x222: {  	v0 =	vsel vm5, v54, v53;
	v2 =	vsel vm13, v2, v14;
	v5 =	vsel vm12, v19, v5  }
0x223: {  	v15 =	vld [tilespmem:$0x1FFE0];
	v3 =	vsel vm10, v38, v3;
	v38 =	vimm.s32 $0x1D;
	vm10 =	vge.f32 v13, v28  }
0x224: {  	v60 =	vld [tilespmem:$0x1FFD0];
	v28 =	vimm.s32 $0x13;
	vm12 =	vge.f32 v20, v25;
	v20 =	vimm.s32 $0xA  }
0x225: {  	vm13 =	vge.f32 v27, v18;
	v27 =	vimm.s32 $0x10;
	vm3 =	vge.f32 v61, v58;
	v61 =	vld [tilespmem:$0x1FFF0]  }
0x226: {  	v18 =	vimm.s32 $0x8;
	v58 =	vsel vm7, v62, v51;
	v0 =	vsel vm14, v40, v0  }
0x227: {  	v40 =	vimm.s32 $0x1F;
	v62 =	vsel vm11, v35, v9;
	v35 =	vimm.s32 $0x18  }
0x228: {  	vm11 =	vge.f32 v32, v8;
	v7 =	vsel vm3, v10, v58;
	vm9 =	vnez.u8 v15  }
0x229: {  	v15 =	vsel vm2, v0, v3;
	v1 =	vsel vm9, v60, v1;
	vm9 =	vge.f32 v23, v16  }
0x22a: {  	v16 =	vsel vm8, v2, v7;
	v9 =	vsel vm0, v1, v5;
	v4 =	vsel vm15, v61, v59;
	v14 =	vpop (erf)  }
0x22b: {  	vm15 =	vge.f32 v22, v17;
	v10 =	vsel vm1, v4, v62;
	v17 =	vmul.f32 v14, v29  }
0x22c: {  	v32 =	vimm.s32 $0x17;
	v13 =	vsel vm15, v9, v15;
	v19 =	vsel vm9, v10, v16  }
0x22d: {  	vm14 =	vge.f32 v36, v12;
	v22 =	vmul.f32 v14, v26;
	[tilespmem:s13+$0x4000] =	vst v17;
	v17 =	vsel vm10, v13, v19  }
0x22e: {  	v36 =	vimm.s32 $0x1B;
	v12 =	vimm.s32 $0x2;
	v0 =	vsel vm2, v3, v0;
	[tilespmem:s13+$0x4800] =	vst v17  }
0x22f: {  	v23 =	vimm.s32 $0xF;
	v8 =	vsel vm10, v19, v13;
	v13 =	vmul.f32 v14, v42;
	[tilespmem:s17+$0x4000] =	vst v22  }
0x230: {  	v1 =	vsel vm0, v5, v1;
	v9 =	vsel vm15, v15, v9;
	v10 =	vsel vm9, v16, v10;
	[tilespmem:s17+$0x4800] =	vst v8  }
0x231: {  	v2 =	vsel vm8, v7, v2;
	v53 =	vsel vm11, v1, v0;
	v8 =	vsel vm12, v9, v10;
	[tilespmem:s13+$0x4100] =	vst v13  }
0x232: {  	v0 =	vsel vm11, v0, v1;
	v51 =	vsel vm12, v10, v9;
	v13 =	vmul.f32 v14, v45;
	[tilespmem:s13+$0x4900] =	vst v8  }
0x233: {  	v15 =	vimm.s32 $0x7;
	v4 =	vsel vm1, v62, v4;
	v52 =	vmul.f32 v14, v24;
	[tilespmem:s16+$0x4800] =	vst v51  }
0x234: {  	vm15 =	vge.f32 v21, v11;
	v21 =	vimm.s32 $0xD;
	v54 =	vsel vm13, v4, v2;
	[tilespmem:s16+$0x4000] =	vst v13  }
0x235: {  	v11 =	vimm.s32 $0x3;
	v57 =	vsel vm14, v53, v54;
	v58 =	vmul.f32 v14, v34;
	[tilespmem:s13+$0x4200] =	vst v52  }
0x236: {  	v16 =	vimm.s32 $0x6;
	v60 =	vsel vm13, v2, v4;
	v3 =	vsel vm14, v54, v53;
	[tilespmem:s13+$0x4A00] =	vst v57  }
0x237: {  	p0 =	sne.s32 s12, $0xF0;
	v62 =	vsel vm15, v0, v60;
	v0 =	vsel vm15, v60, v0;
	v59 =	vmul.f32 v14, v43;
	[tilespmem:s30+$0x4000] =	vst v58  }
.Ltmp0:
0x238: {  	v29 =	vimm.s32 $0x12;
	v26 =	vimm.s32 $0x11;
	v24 =	vimm.s32 $0xE;
	[tilespmem:s30+$0x4800] =	vst v3;
	(pc) =	sbr.rel @p0 .LBB2_2-.Ltmp0, $4  }
0x239: {  	v34 =	vimm.s32 $0x19;
	v43 =	vimm.s32 $0x20;
	v61 =	vmul.f32 v14, v47;
	[tilespmem:s13+$0x4300] =	vst v59  }
0x23a: {  	v47 =	vimm.s32 $0x24;
	v19 =	vimm.s32 $0xB;
	v42 =	vimm.s32 $0x21;
	[tilespmem:s13+$0x4B00] =	vst v62  }
0x23b: {  	v17 =	vimm.s32 $0x9;
	v22 =	vimm.s32 $0xC;
	v9 =	vimm.s32 $0x0;
	[tilespmem:s14+$0x4000] =	vst v61  }
0x23c: {  	s11 =	sadd.s32 $0x80, s11;
	s12 =	sadd.s32 $0x10, s12;
	v45 =	vimm.s32 $0x22;
	v14 =	vimm.s32 $0x4;
	v13 =	vimm.s32 $0x5;
	[tilespmem:s14+$0x4800] =	vst v0  }
0x23d: {  	[hbm4b:s4+s2] =	stream.linear.scatter [tilespmem:s8], [sflag:$0x1], $0x800, $0x38;
	[tilespmem:$0x5000] =	vst v63  }
0x23e: {  	s10 =	sadd.s32 $0x1, s10;
	_ =	swait.ge [sflag:s7], $0x800  }
0x23f: {  	p0 =	sne.s32 s10, s6;
	[sflag:s7] =	ssyncset.done $0x0  }
.Ltmp1:
0x240: {  	[sflag:s7] =	ssyncadd.s32 $0xFFFFF800;
	(pc) =	sbr.rel @p0 .LBB2_1-.Ltmp1, $4  }
0x241: {  	[hbm4b:s5+s2] =	stream.linear.scatter [tilespmem:s9], [sflag:$0x1], $0x800, $0x38;
	[tilespmem:$0x5000] =	vst v63  }
0x242: {  	_ =	swait.ge [sflag:s7], $0x800  }
0x243: {  	[sflag:s7] =	ssyncset.done $0x0  }
0x244: {  	[sflag:s7] =	ssyncadd.s32 $0xFFFFF800  }
0x245: {  	_ =	sfence.sel $0x180000  }
0x246: {  	[bflag:$0x0] =	sbarrier.arrive $0xFFFF  }
0x247: {  	p0 =	sne.s32 s1, $0x0;
	_ =	strace $0x90000047  }
0x248: {  	s0 =	sadd.s32 @!p0 $0x100000, s0;
	[bflag:$0x2] =	sbarrier.arrive $0xFFFF  }
0x249: {  	[sflag:s0] =	ssyncadd.tile.s32 @!p0 $0x1;
	_ =	shalt  }
.Lfunc_end2:
_tile_overlayer_lowered:
.L_overlay_start_2:
0x24a: {  	(tag) =	ssettag $0x2  }
0x24b: {  	s0 =	rddreg [dreg:$0x0];
	s2 =	stileid.u32  }
0x24c: {  	s1 =	rddreg [dreg:$0x1];
	p0 =	sne.s32 s2, $0x0  }
0x24d: {  	s3 =	rddreg [dreg:$0x2];
	[bflag:$0x3] =	sbarrier.arrive $0xFFFF;
	s2 =	simm.s32 @!p0 $0x1C01  }
0x24e: {  	[timem:s3], [sflag:s2] =	dma.local @!p0 [hbm:s0], s1  }
0x24f: {  	s0 =	simm.s32 @!p0 $0x1  }
0x250: {  	_ =	swait.ge @!p0 [sflag:s0], s1  }
0x251: {  	s1 =	ssub.s32 @!p0 $0x0, s1;
	[sflag:s0] =	ssyncset.done @!p0 $0x0  }
0x252: {  	[sflag:s0] =	ssyncadd.s32 @!p0 s1  }
0x253: {  	[bflag:$0x3] =	sbarrier.arrive $0xFFFF  }
0x254: {  	_ =	shalt  }

</sc_bundles>
